<compile_context>
chip_gen: v7x
topology: tpu7x:2x2x1
jax: 0.10.2.dev20260603
libtpu: 0.0.44.dev20260713+nightly
codegen_flags: <defaults>
</compile_context>

<pallas_src>
import functools

import jax
import jax.numpy as jnp
from jax import lax
from jax.experimental import pallas as pl
from jax.experimental.pallas import tpu as pltpu
from jax.experimental.pallas import tpu_sc as plsc

_NC = 2
_NS = 16
_NW = _NC * _NS
_C = 80
_LANES = 16



def _pack_bf16_pair(x):
    u = lax.bitcast_convert_type(x.astype(jnp.bfloat16), jnp.uint16)
    half = x.shape[1] // 2
    lo = u[:, :half].astype(jnp.uint32)
    hi = u[:, half:].astype(jnp.uint32)
    return lo | (hi << 16)


def _unpack_bf16_pair(p):
    lo = lax.bitcast_convert_type((p & 0xFFFF).astype(jnp.uint16),
                                  jnp.bfloat16).astype(jnp.float32)
    hi = lax.bitcast_convert_type((p >> 16).astype(jnp.uint16),
                                  jnp.bfloat16).astype(jnp.float32)
    return lo, hi


def _node_proj_body(x_ref, h_ref, w1a_ref, w1b_ref, b1_ref, ttr_ref, b_ref):
    a = (jnp.dot(x_ref[...], w1a_ref[...], preferred_element_type=jnp.float32)
         + b1_ref[...])
    hd = ttr_ref.shape[1] // 2
    ttr_ref[:, :hd] = _pack_bf16_pair(a)
    ttr_ref[:, hd:] = _pack_bf16_pair(h_ref[...])
    b_ref[...] = jnp.dot(h_ref[...], w1b_ref[...],
                         preferred_element_type=jnp.float32)


def _mlp_body(g1_ref, g2_ref, w2t_ref, b2_ref, a3_ref, b3_ref,
              m_ref, ex_ref):
    g = g1_ref[...]
    hd = g.shape[1] // 2
    a_lo, a_hi = _unpack_bf16_pair(g[:, :hd])
    b = g2_ref[...]
    x_lo = jnp.maximum(a_lo + b[:, :hd], 0.0)
    x_hi = jnp.maximum(a_hi + b[:, hd:], 0.0)
    w2t = w2t_ref[...]
    half = w2t.shape[0] // 2
    h2 = jnp.maximum(
        jnp.dot(x_lo, w2t[:half, :], preferred_element_type=jnp.float32)
        + jnp.dot(x_hi, w2t[half:, :], preferred_element_type=jnp.float32)
        + b2_ref[...],
        0.0,
    )
    s = jnp.sum(h2 * a3_ref[...], axis=1, keepdims=True) + b3_ref[...]
    e = jnp.exp(s)
    ex_ref[...] = e
    h_lo, h_hi = _unpack_bf16_pair(g[:, hd:])
    m_ref[:, :hd] = e * h_lo
    m_ref[:, hd:] = e * h_hi


def _finish_body(h0_ref, h1_ref, s0_ref, s1_ref, wt_ref, wb_ref, out_ref):
    s = s0_ref[...] + s1_ref[...]
    inv = jnp.where(s > 0.0, 1.0 / s, 0.0)
    h = (h0_ref[...] + h1_ref[...]) * inv
    out_ref[...] = (
        jnp.dot(h, wt_ref[...], preferred_element_type=jnp.float32) + wb_ref[...]
    )



def _edge_gather_body(nchunks, a_hbm, b_hbm, tr_hbm, te_hbm,
                      ga_hbm, gb_hbm,
                      idx_tr, idx_te, rows_a, rows_b,
                      sem_a, sem_b, sw_a, sw_b):
    wid = lax.axis_index("s") * _NC + lax.axis_index("c")
    pw = nchunks * _C
    base = wid * pw

    pltpu.sync_copy(tr_hbm.at[wid], idx_tr)
    pltpu.sync_copy(te_hbm.at[wid], idx_te)

    def start(j, b):
        pltpu.async_copy(a_hbm.at[idx_tr.at[j]], rows_a.at[b], sem_a.at[b])
        pltpu.async_copy(b_hbm.at[idx_te.at[j]], rows_b.at[b], sem_b.at[b])

    def wait_wb(b):
        sl = pl.ds(base, _C)
        pltpu.make_async_copy(rows_a.at[b], ga_hbm.at[sl, :], sw_a.at[b]).wait()
        pltpu.make_async_copy(rows_b.at[b], gb_hbm.at[sl, :], sw_b.at[b]).wait()

    start(0, 0)

    def chunk(j, carry):
        b = lax.rem(j, 2)
        nb = 1 - b

        @pl.when(j + 1 < nchunks)
        def _start_next():
            @pl.when(j >= 1)
            def _():
                wait_wb(nb)
            start(j + 1, nb)

        pltpu.make_async_copy(a_hbm.at[idx_tr.at[j]], rows_a.at[b],
                              sem_a.at[b]).wait()
        pltpu.make_async_copy(b_hbm.at[idx_te.at[j]], rows_b.at[b],
                              sem_b.at[b]).wait()
        off = base + j * _C
        pltpu.async_copy(rows_a.at[b], ga_hbm.at[pl.ds(off, _C), :], sw_a.at[b])
        pltpu.async_copy(rows_b.at[b], gb_hbm.at[pl.ds(off, _C), :], sw_b.at[b])
        return carry

    lax.fori_loop(0, nchunks, chunk, 0)
    wait_wb(0)
    wait_wb(1)


def _scatter_body(nchunks, n_nodes, m_hbm, te_hbm, ex_hbm,
                  hs_out, ss_out,
                  hs_sh, ss_sh, idx_te, rows, exbuf, zscal, sem):
    cid = lax.axis_index("c")
    sid = lax.axis_index("s")
    wid = sid * _NC + cid
    base = wid * (nchunks * _C)

    rows_per_cp = n_nodes // 10

    def zrow(i, c):
        for v in range(128 // _LANES):
            rows[0, i, pl.ds(v * _LANES, _LANES)] = jnp.zeros((_LANES,),
                                                              jnp.float32)
        return c
    lax.fori_loop(0, _C, zrow, 0)

    def zsc(i, c):
        zscal[pl.ds(i * _LANES, _LANES)] = jnp.zeros((_LANES,), jnp.float32)
        return c
    lax.fori_loop(0, zscal.shape[0] // _LANES, zsc, 0)

    @pl.when(sid < 10)
    def _zero_hs():
        for k in range(rows_per_cp // _C):
            pltpu.sync_copy(rows.at[0],
                            hs_sh.at[pl.ds(sid * rows_per_cp + k * _C, _C), :])
        rem = rows_per_cp % _C
        if rem:
            pltpu.sync_copy(
                rows.at[0, pl.ds(0, rem), :],
                hs_sh.at[pl.ds(sid * rows_per_cp + rows_per_cp - rem, rem), :])

    @pl.when(sid == 0)
    def _zero_ssum():
        zn = zscal.shape[0]
        for k in range(n_nodes // zn):
            pltpu.sync_copy(zscal, ss_sh.at[pl.ds(k * zn, zn)])

    pltpu.sync_copy(te_hbm.at[wid], idx_te)
    pltpu.sync_copy(ex_hbm.at[pl.ds(base, nchunks * _C)], exbuf)

    plsc.subcore_barrier()

    def start(j, b):
        off = base + j * _C
        pltpu.async_copy(m_hbm.at[pl.ds(off, _C), :], rows.at[b], sem.at[b])

    start(0, 0)

    def chunk(j, carry):
        b = lax.rem(j, 2)
        nb = 1 - b

        @pl.when(j + 1 < nchunks)
        def _start_next():
            start(j + 1, nb)

        pltpu.make_async_copy(m_hbm.at[pl.ds(base, _C), :], rows.at[b],
                              sem.at[b]).wait()
        pltpu.sync_copy(rows.at[b], hs_sh.at[idx_te.at[j]], add=True)
        pltpu.sync_copy(exbuf.at[pl.ds(j * _C, _C)], ss_sh.at[idx_te.at[j]],
                        add=True)
        return carry

    lax.fori_loop(0, nchunks, chunk, 0)

    plsc.subcore_barrier()

    @pl.when(sid < 10)
    def _copy_out():
        r0 = sid * rows_per_cp
        pltpu.sync_copy(hs_sh.at[pl.ds(r0, rows_per_cp), :],
                        hs_out.at[cid, pl.ds(r0, rows_per_cp), :])
        pltpu.sync_copy(ss_sh.at[pl.ds(r0, rows_per_cp)], zscal)
        pltpu.sync_copy(zscal,
                        ss_out.at[pl.ds(cid * n_nodes + r0, rows_per_cp)])



def kernel(user_feat, hi, edge_index, att1_w, att1_b, att2_w, att2_b,
           att3_w, att3_b, w_w, w_b):
    n, d = user_feat.shape
    e = edge_index.shape[1]
    assert d == 128 and e % (_NW * _C) == 0 and n % _NS == 0 and n % 10 == 0

    trust = edge_index[0].astype(jnp.int32)
    trustee = edge_index[1].astype(jnp.int32)

    w1a_t = att1_w[:, :d].T
    w1b_t = att1_w[:, d:].T
    b1 = att1_b[None, :]
    w2t = att2_w.T
    b2 = att2_b[None, :]
    a3 = att3_w
    b3 = att3_b.reshape(1, 1)
    wwt = w_w.T
    wb = w_b[None, :]

    bn = 1000
    grid_n = n // bn
    f32 = jnp.float32
    ttr_tab, b_tab = pl.pallas_call(
        _node_proj_body,
        grid=(grid_n,),
        in_specs=[
            pl.BlockSpec((bn, d), lambda i: (i, 0)),
            pl.BlockSpec((bn, d), lambda i: (i, 0)),
            pl.BlockSpec((d, d), lambda i: (0, 0)),
            pl.BlockSpec((d, d), lambda i: (0, 0)),
            pl.BlockSpec((1, d), lambda i: (0, 0)),
        ],
        out_specs=[
            pl.BlockSpec((bn, d), lambda i: (i, 0)),
            pl.BlockSpec((bn, d), lambda i: (i, 0)),
        ],
        out_shape=[
            jax.ShapeDtypeStruct((n, d), jnp.uint32),
            jax.ShapeDtypeStruct((n, d), f32),
        ],
    )(user_feat, hi, w1a_t, w1b_t, b1)

    nchunks = e // (_NW * _C)
    mesh = plsc.VectorSubcoreMesh(core_axis_name="c", subcore_axis_name="s",
                                  num_cores=_NC, num_subcores=_NS)
    g1, g2 = pl.kernel(
        functools.partial(_edge_gather_body, nchunks),
        out_type=(
            jax.ShapeDtypeStruct((e, d), jnp.uint32),
            jax.ShapeDtypeStruct((e, d), f32),
        ),
        mesh=mesh,
        scratch_types=[
            pltpu.VMEM((nchunks, _C), jnp.int32),
            pltpu.VMEM((nchunks, _C), jnp.int32),
            pltpu.VMEM((2, _C, d), jnp.uint32),
            pltpu.VMEM((2, _C, d), f32),
            pltpu.SemaphoreType.DMA((2,)),
            pltpu.SemaphoreType.DMA((2,)),
            pltpu.SemaphoreType.DMA((2,)),
            pltpu.SemaphoreType.DMA((2,)),
        ],
    )(ttr_tab, b_tab, trust.reshape(_NW, nchunks, _C),
      trustee.reshape(_NW, nchunks, _C))

    be = 2560
    grid_e = e // be
    msg, ex = pl.pallas_call(
        _mlp_body,
        grid=(grid_e,),
        in_specs=[
            pl.BlockSpec((be, d), lambda i: (i, 0)),
            pl.BlockSpec((be, d), lambda i: (i, 0)),
            pl.BlockSpec((d, d), lambda i: (0, 0)),
            pl.BlockSpec((1, d), lambda i: (0, 0)),
            pl.BlockSpec((1, d), lambda i: (0, 0)),
            pl.BlockSpec((1, 1), lambda i: (0, 0)),
        ],
        out_specs=[
            pl.BlockSpec((be, d), lambda i: (i, 0)),
            pl.BlockSpec((be, 1), lambda i: (i, 0)),
        ],
        out_shape=[
            jax.ShapeDtypeStruct((e, d), f32),
            jax.ShapeDtypeStruct((e, 1), f32),
        ],
    )(g1, g2, w2t, b2, a3, b3)
    ex_flat = ex.reshape(e)

    hs_parts, ss_parts = pl.kernel(
        functools.partial(_scatter_body, nchunks, n),
        out_type=(
            jax.ShapeDtypeStruct((_NC, n, d), f32),
            jax.ShapeDtypeStruct((_NC * n,), f32),
        ),
        mesh=mesh,
        scratch_types=[
            pltpu.VMEM_SHARED((n, d), f32),
            pltpu.VMEM_SHARED((n,), f32),
            pltpu.VMEM((nchunks, _C), jnp.int32),
            pltpu.VMEM((2, _C, d), f32),
            pltpu.VMEM((nchunks * _C,), f32),
            pltpu.VMEM((1000,), f32),
            pltpu.SemaphoreType.DMA((2,)),
        ],
    )(msg, trustee.reshape(_NW, nchunks, _C), ex_flat)
    ss_parts = ss_parts.reshape(_NC, n)

    out = pl.pallas_call(
        _finish_body,
        grid=(grid_n,),
        in_specs=[
            pl.BlockSpec((bn, d), lambda i: (i, 0)),
            pl.BlockSpec((bn, d), lambda i: (i, 0)),
            pl.BlockSpec((bn, 1), lambda i: (i, 0)),
            pl.BlockSpec((bn, 1), lambda i: (i, 0)),
            pl.BlockSpec((d, d), lambda i: (0, 0)),
            pl.BlockSpec((1, d), lambda i: (0, 0)),
        ],
        out_specs=pl.BlockSpec((bn, d), lambda i: (i, 0)),
        out_shape=jax.ShapeDtypeStruct((n, d), f32),
    )(hs_parts[0], hs_parts[1], ss_parts[0][:, None], ss_parts[1][:, None],
      wwt, wb)
    return out

# --- scband reference (transcript-rebuilt; emitter-appended) ---
"""Pipeline reference for scband-social-agg-21354577396100 (READ-ONLY COPY).

The authoritative reference and input builder live on the scoring server;
editing this copy changes nothing except your own understanding.
"""

import jax, jax.numpy as jnp
import numpy as np

N = 10000
E = 320000
D = 128


def setup_inputs(seed: int = 0) -> dict:
    key = jax.random.key(seed)
    ks = jax.random.split(key, 12)
    user_feat = jax.random.normal(ks[0], (N, D), dtype=jnp.float32)
    hi = jax.random.normal(ks[1], (N, D), dtype=jnp.float32)
    edge_index = jax.random.randint(ks[2], (2, E), 0, N)
    s = 0.05
    att1_w = jax.random.normal(ks[3], (D, 2 * D), dtype=jnp.float32) * s
    att1_b = jnp.zeros((D,), dtype=jnp.float32)
    att2_w = jax.random.normal(ks[4], (D, D), dtype=jnp.float32) * s
    att2_b = jnp.zeros((D,), dtype=jnp.float32)
    att3_w = jax.random.normal(ks[5], (1, D), dtype=jnp.float32) * s
    att3_b = jnp.zeros((1,), dtype=jnp.float32)
    w_w = jax.random.normal(ks[6], (D, D), dtype=jnp.float32) * s
    w_b = jnp.zeros((D,), dtype=jnp.float32)
    return {
        "user_feat": user_feat,
        "hi": hi,
        "edge_index": edge_index,
        "att1_w": att1_w, "att1_b": att1_b,
        "att2_w": att2_w, "att2_b": att2_b,
        "att3_w": att3_w, "att3_b": att3_b,
        "w_w": w_w, "w_b": w_b,
    }


def reference(user_feat, hi, edge_index, att1_w, att1_b, att2_w, att2_b, att3_w, att3_b, w_w, w_b):
    trust = edge_index[0]
    trustee = edge_index[1]
    # edge gathers
    trust_emb = jnp.take(user_feat, trust, axis=0)
    trustee_emb = jnp.take(hi, trustee, axis=0)
    # Attention MLP (dropout is identity in eval mode)
    x = jnp.concatenate((trust_emb, trustee_emb), axis=1)
    x = jax.nn.relu(x @ att1_w.T + att1_b)
    x = jax.nn.relu(x @ att2_w.T + att2_b)
    scores = (x @ att3_w.T + att3_b).reshape(-1)
    # dgl edge_softmax: softmax over incoming edges of each destination (trustee)
    m = jax.ops.segment_max(scores, trustee, num_segments=N)
    m = jnp.where(jnp.isfinite(m), m, 0.0)
    ex = jnp.exp(scores - jnp.take(m, trustee, axis=0))
    ssum = jax.ops.segment_sum(ex, trustee, num_segments=N)
    value = ex / jnp.take(ssum, trustee, axis=0)
    # original code builds A from detached values
    value = jax.lax.stop_gradient(value)
    # A^T @ hi : out[trustee] += value * hi[trust]
    msg = value[:, None] * jnp.take(hi, trust, axis=0)
    hs = jax.ops.segment_sum(msg, trustee, num_segments=N)
    hs = hs @ w_w.T + w_b  # act is None
    return hs

if __name__ == "__main__":
    import jax
    _d = setup_inputs()
    print(jax.jit(kernel)(*tuple(_d.values())))

</pallas_src>

<mosaic_0001>
#map = affine_map<(d0, d1) -> (0, 0)>
#map1 = affine_map<(d0, d1) -> (0, 0, 0)>
#map2 = affine_map<(d0, d1) -> (0)>
module attributes {stable_mosaic.version = 14 : i64} {
  func.func @_scatter_body(%arg0: i32, %arg1: i32, %arg2: memref<320000x128xf32, #tpu.memory_space<hbm>>, %arg3: memref<32x125x80xi32, #tpu.memory_space<hbm>>, %arg4: memref<320000xf32, #tpu.memory_space<hbm>>, %arg5: memref<2x10000x128xf32, #tpu.memory_space<hbm>>, %arg6: memref<20000xf32, #tpu.memory_space<hbm>>, %arg7: memref<10000x128xf32, #tpu.memory_space<vmem_shared>>, %arg8: memref<10000xf32, #tpu.memory_space<vmem_shared>>, %arg9: memref<125x80xi32, #tpu.memory_space<vmem>>, %arg10: memref<2x80x128xf32, #tpu.memory_space<vmem>>, %arg11: memref<10000xf32, #tpu.memory_space<vmem>>, %arg12: memref<1000xf32, #tpu.memory_space<vmem>>, %arg13: memref<2x!tpu.dma_semaphore, #tpu.memory_space<semaphore_mem>>) attributes {dimension_semantics = [#tpu.dimension_semantics<core_parallel>, #tpu.dimension_semantics<subcore_parallel>], iteration_bounds = array<i64: 2, 16>, scalar_prefetch = 0 : i64, scratch_operands = 7 : i64, tpu.core_type = #tpu.core_type<sc_vector_subcore>, window_params = [{transform_indices = #map}, {transform_indices = #map1}, {transform_indices = #map2}, {transform_indices = #map1}, {transform_indices = #map2}]} {
    %mul3A = arith.constant 2 : i32
    %mul3A_0 = arith.muli %arg1, %mul3A : i32
    %add3A = arith.addi %mul3A_0, %arg0 : i32
    %mul3A_1 = arith.constant 10000 : i32
    %mul3A_2 = arith.muli %add3A, %mul3A_1 : i32
    %scan3A = arith.constant 0 : i32
    %scan3A_3 = arith.constant 0 : i32
    %scan3A_4 = arith.constant 80 : i32
    %scan3A_5 = arith.addi %scan3A_3, %scan3A_4 : i32
    %scan3A_6 = arith.constant 1 : i32
    scf.for %scan3A_49 = %scan3A_3 to %scan3A_5 step %scan3A_6  : i32 {
      %broadcast_in_dim3A = arith.constant 0.000000e+00 : f32
      %broadcast_in_dim3A_50 = vector.broadcast %broadcast_in_dim3A : f32 to vector<16xf32>
      %swap3A = arith.constant 0 : i32
      %swap3A_51 = arith.index_cast %swap3A : i32 to index
      %swap3A_52 = arith.index_cast %scan3A_49 : i32 to index
      %swap3A_53 = arith.constant 0 : index
      %swap3A_54 = tpu.vector_load %arg10[%swap3A_51, %swap3A_52, %swap3A_53] {strides = array<i32>} : memref<2x80x128xf32, #tpu.memory_space<vmem>>, vector<1x1x16xf32>,
      %swap3A_55 = vector.shape_cast %swap3A_54 : vector<1x1x16xf32> to vector<16xf32>
      %swap3A_56 = vector.shape_cast %broadcast_in_dim3A_50 : vector<16xf32> to vector<1x1x16xf32>
      tpu.vector_store %arg10[%swap3A_51, %swap3A_52, %swap3A_53], %swap3A_56 {strides = array<i32>} : memref<2x80x128xf32, #tpu.memory_space<vmem>>, vector<1x1x16xf32>,
      %broadcast_in_dim3A_57 = arith.constant 0.000000e+00 : f32
      %broadcast_in_dim3A_58 = vector.broadcast %broadcast_in_dim3A_57 : f32 to vector<16xf32>
      %swap3A_59 = arith.constant 0 : i32
      %swap3A_60 = arith.index_cast %swap3A_59 : i32 to index
      %swap3A_61 = arith.index_cast %scan3A_49 : i32 to index
      %swap3A_62 = arith.constant 16 : index
      %swap3A_63 = tpu.vector_load %arg10[%swap3A_60, %swap3A_61, %swap3A_62] {strides = array<i32>} : memref<2x80x128xf32, #tpu.memory_space<vmem>>, vector<1x1x16xf32>,
      %swap3A_64 = vector.shape_cast %swap3A_63 : vector<1x1x16xf32> to vector<16xf32>
      %swap3A_65 = vector.shape_cast %broadcast_in_dim3A_58 : vector<16xf32> to vector<1x1x16xf32>
      tpu.vector_store %arg10[%swap3A_60, %swap3A_61, %swap3A_62], %swap3A_65 {strides = array<i32>} : memref<2x80x128xf32, #tpu.memory_space<vmem>>, vector<1x1x16xf32>,
      %broadcast_in_dim3A_66 = arith.constant 0.000000e+00 : f32
      %broadcast_in_dim3A_67 = vector.broadcast %broadcast_in_dim3A_66 : f32 to vector<16xf32>
      %swap3A_68 = arith.constant 0 : i32
      %swap3A_69 = arith.index_cast %swap3A_68 : i32 to index
      %swap3A_70 = arith.index_cast %scan3A_49 : i32 to index
      %swap3A_71 = arith.constant 32 : index
      %swap3A_72 = tpu.vector_load %arg10[%swap3A_69, %swap3A_70, %swap3A_71] {strides = array<i32>} : memref<2x80x128xf32, #tpu.memory_space<vmem>>, vector<1x1x16xf32>,
      %swap3A_73 = vector.shape_cast %swap3A_72 : vector<1x1x16xf32> to vector<16xf32>
      %swap3A_74 = vector.shape_cast %broadcast_in_dim3A_67 : vector<16xf32> to vector<1x1x16xf32>
      tpu.vector_store %arg10[%swap3A_69, %swap3A_70, %swap3A_71], %swap3A_74 {strides = array<i32>} : memref<2x80x128xf32, #tpu.memory_space<vmem>>, vector<1x1x16xf32>,
      %broadcast_in_dim3A_75 = arith.constant 0.000000e+00 : f32
      %broadcast_in_dim3A_76 = vector.broadcast %broadcast_in_dim3A_75 : f32 to vector<16xf32>
      %swap3A_77 = arith.constant 0 : i32
      %swap3A_78 = arith.index_cast %swap3A_77 : i32 to index
      %swap3A_79 = arith.index_cast %scan3A_49 : i32 to index
      %swap3A_80 = arith.constant 48 : index
      %swap3A_81 = tpu.vector_load %arg10[%swap3A_78, %swap3A_79, %swap3A_80] {strides = array<i32>} : memref<2x80x128xf32, #tpu.memory_space<vmem>>, vector<1x1x16xf32>,
      %swap3A_82 = vector.shape_cast %swap3A_81 : vector<1x1x16xf32> to vector<16xf32>
      %swap3A_83 = vector.shape_cast %broadcast_in_dim3A_76 : vector<16xf32> to vector<1x1x16xf32>
      tpu.vector_store %arg10[%swap3A_78, %swap3A_79, %swap3A_80], %swap3A_83 {strides = array<i32>} : memref<2x80x128xf32, #tpu.memory_space<vmem>>, vector<1x1x16xf32>,
      %broadcast_in_dim3A_84 = arith.constant 0.000000e+00 : f32
      %broadcast_in_dim3A_85 = vector.broadcast %broadcast_in_dim3A_84 : f32 to vector<16xf32>
      %swap3A_86 = arith.constant 0 : i32
      %swap3A_87 = arith.index_cast %swap3A_86 : i32 to index
      %swap3A_88 = arith.index_cast %scan3A_49 : i32 to index
      %swap3A_89 = arith.constant 64 : index
      %swap3A_90 = tpu.vector_load %arg10[%swap3A_87, %swap3A_88, %swap3A_89] {strides = array<i32>} : memref<2x80x128xf32, #tpu.memory_space<vmem>>, vector<1x1x16xf32>,
      %swap3A_91 = vector.shape_cast %swap3A_90 : vector<1x1x16xf32> to vector<16xf32>
      %swap3A_92 = vector.shape_cast %broadcast_in_dim3A_85 : vector<16xf32> to vector<1x1x16xf32>
      tpu.vector_store %arg10[%swap3A_87, %swap3A_88, %swap3A_89], %swap3A_92 {strides = array<i32>} : memref<2x80x128xf32, #tpu.memory_space<vmem>>, vector<1x1x16xf32>,
      %broadcast_in_dim3A_93 = arith.constant 0.000000e+00 : f32
      %broadcast_in_dim3A_94 = vector.broadcast %broadcast_in_dim3A_93 : f32 to vector<16xf32>
      %swap3A_95 = arith.constant 0 : i32
      %swap3A_96 = arith.index_cast %swap3A_95 : i32 to index
      %swap3A_97 = arith.index_cast %scan3A_49 : i32 to index
      %swap3A_98 = arith.constant 80 : index
      %swap3A_99 = tpu.vector_load %arg10[%swap3A_96, %swap3A_97, %swap3A_98] {strides = array<i32>} : memref<2x80x128xf32, #tpu.memory_space<vmem>>, vector<1x1x16xf32>,
      %swap3A_100 = vector.shape_cast %swap3A_99 : vector<1x1x16xf32> to vector<16xf32>
      %swap3A_101 = vector.shape_cast %broadcast_in_dim3A_94 : vector<16xf32> to vector<1x1x16xf32>
      tpu.vector_store %arg10[%swap3A_96, %swap3A_97, %swap3A_98], %swap3A_101 {strides = array<i32>} : memref<2x80x128xf32, #tpu.memory_space<vmem>>, vector<1x1x16xf32>,
      %broadcast_in_dim3A_102 = arith.constant 0.000000e+00 : f32
      %broadcast_in_dim3A_103 = vector.broadcast %broadcast_in_dim3A_102 : f32 to vector<16xf32>
      %swap3A_104 = arith.constant 0 : i32
      %swap3A_105 = arith.index_cast %swap3A_104 : i32 to index
      %swap3A_106 = arith.index_cast %scan3A_49 : i32 to index
      %swap3A_107 = arith.constant 96 : index
      %swap3A_108 = tpu.vector_load %arg10[%swap3A_105, %swap3A_106, %swap3A_107] {strides = array<i32>} : memref<2x80x128xf32, #tpu.memory_space<vmem>>, vector<1x1x16xf32>,
      %swap3A_109 = vector.shape_cast %swap3A_108 : vector<1x1x16xf32> to vector<16xf32>
      %swap3A_110 = vector.shape_cast %broadcast_in_dim3A_103 : vector<16xf32> to vector<1x1x16xf32>
      tpu.vector_store %arg10[%swap3A_105, %swap3A_106, %swap3A_107], %swap3A_110 {strides = array<i32>} : memref<2x80x128xf32, #tpu.memory_space<vmem>>, vector<1x1x16xf32>,
      %broadcast_in_dim3A_111 = arith.constant 0.000000e+00 : f32
      %broadcast_in_dim3A_112 = vector.broadcast %broadcast_in_dim3A_111 : f32 to vector<16xf32>
      %swap3A_113 = arith.constant 0 : i32
      %swap3A_114 = arith.index_cast %swap3A_113 : i32 to index
      %swap3A_115 = arith.index_cast %scan3A_49 : i32 to index
      %swap3A_116 = arith.constant 112 : index
      %swap3A_117 = tpu.vector_load %arg10[%swap3A_114, %swap3A_115, %swap3A_116] {strides = array<i32>} : memref<2x80x128xf32, #tpu.memory_space<vmem>>, vector<1x1x16xf32>,
      %swap3A_118 = vector.shape_cast %swap3A_117 : vector<1x1x16xf32> to vector<16xf32>
      %swap3A_119 = vector.shape_cast %broadcast_in_dim3A_112 : vector<16xf32> to vector<1x1x16xf32>
      tpu.vector_store %arg10[%swap3A_114, %swap3A_115, %swap3A_116], %swap3A_119 {strides = array<i32>} : memref<2x80x128xf32, #tpu.memory_space<vmem>>, vector<1x1x16xf32>,
    }
    %scan3A_7 = arith.constant 80 : i32
    %scan3A_8 = arith.constant 0 : i32
    %scan3A_9 = arith.constant 0 : i32
    %scan3A_10 = arith.constant 62 : i32
    %scan3A_11 = arith.addi %scan3A_9, %scan3A_10 : i32
    %scan3A_12 = arith.constant 1 : i32
    scf.for %scan3A_49 = %scan3A_9 to %scan3A_11 step %scan3A_12  : i32 {
      %broadcast_in_dim3A = arith.constant 0.000000e+00 : f32
      %broadcast_in_dim3A_50 = vector.broadcast %broadcast_in_dim3A : f32 to vector<16xf32>
      %mul3A_51 = arith.constant 16 : i32
      %mul3A_52 = arith.muli %scan3A_49, %mul3A_51 : i32
      %swap3A = arith.index_cast %mul3A_52 : i32 to index
      %swap3A_53 = tpu.vector_load %arg12[%swap3A] {strides = array<i32>} : memref<1000xf32, #tpu.memory_space<vmem>>, vector<16xf32>,
      %swap3A_54 = vector.shape_cast %swap3A_53 : vector<16xf32> to vector<16xf32>
      %swap3A_55 = vector.shape_cast %broadcast_in_dim3A_50 : vector<16xf32> to vector<16xf32>
      tpu.vector_store %arg12[%swap3A], %swap3A_55 {strides = array<i32>} : memref<1000xf32, #tpu.memory_space<vmem>>, vector<16xf32>,
    }
    %scan3A_13 = arith.constant 62 : i32
    %lt3A = arith.constant 10 : i32
    %lt3A_14 = arith.cmpi slt, %arg1, %lt3A : i32
    %convert_element_type3A = arith.extui %lt3A_14 : i1 to i32
    %cond3A = arith.constant 0 : i32
    %cond3A_15 = arith.cmpi ne, %convert_element_type3A, %cond3A : i32
    scf.if %cond3A_15 {
      %mul3A_49 = arith.constant 1000 : i32
      %mul3A_50 = arith.muli %arg1, %mul3A_49 : i32
      %add3A_51 = arith.constant 0 : i32
      %add3A_52 = arith.addi %mul3A_50, %add3A_51 : i32
      %run_scoped3A = arith.constant 0 : i32
      "tpu.region"() ({
        %run_scoped3A_114 = tpu.sem_alloc : memref<!tpu.dma_semaphore, #tpu.memory_space<semaphore_mem>>
        %dma_start3A_115 = arith.constant 0 : i32
        %dma_start3A_116 = arith.constant 0 : i32
        %dma_start3A_117 = tpu.memref_slice %arg10[%run_scoped3A, %dma_start3A_115, %dma_start3A_116] : memref<2x80x128xf32, #tpu.memory_space<vmem>> -> memref<1x80x128xf32, #tpu.memory_space<vmem>>
        %dma_start3A_118 = tpu.memref_squeeze %dma_start3A_117 : memref<1x80x128xf32, #tpu.memory_space<vmem>> -> memref<80x128xf32, #tpu.memory_space<vmem>>
        %dma_start3A_119 = arith.constant 0 : i32
        %dma_start3A_120 = tpu.memref_slice %arg7[%add3A_52, %dma_start3A_119] : memref<10000x128xf32, #tpu.memory_space<vmem_shared>> -> memref<80x128xf32, #tpu.memory_space<vmem_shared>>
        %dma_start3A_121 = arith.constant 0 : i32
        %dma_start3A_122 = tpu.memref_slice %arg7[%add3A_52, %dma_start3A_121] : memref<10000x128xf32, #tpu.memory_space<vmem_shared>> -> memref<80x128xf32, #tpu.memory_space<vmem_shared>>
        %dma_start3A_123 = arith.constant 0 : i32
        %dma_start3A_124 = arith.constant 0 : i32
        %dma_start3A_125 = tpu.memref_slice %arg10[%run_scoped3A, %dma_start3A_123, %dma_start3A_124] : memref<2x80x128xf32, #tpu.memory_space<vmem>> -> memref<1x80x128xf32, #tpu.memory_space<vmem>>
        %dma_start3A_126 = tpu.memref_squeeze %dma_start3A_125 : memref<1x80x128xf32, #tpu.memory_space<vmem>> -> memref<80x128xf32, #tpu.memory_space<vmem>>
        tpu.enqueue_dma source(%dma_start3A_126 : memref<80x128xf32, #tpu.memory_space<vmem>>) target(%dma_start3A_122 : memref<80x128xf32, #tpu.memory_space<vmem_shared>>) target_semaphore(%run_scoped3A_114 : memref<!tpu.dma_semaphore, #tpu.memory_space<semaphore_mem>>)
        %dma_wait3A = arith.constant 0 : i32
        %dma_wait3A_127 = arith.constant 0 : i32
        %dma_wait3A_128 = tpu.memref_slice %arg10[%run_scoped3A, %dma_wait3A, %dma_wait3A_127] : memref<2x80x128xf32, #tpu.memory_space<vmem>> -> memref<1x80x128xf32, #tpu.memory_space<vmem>>
        %dma_wait3A_129 = tpu.memref_squeeze %dma_wait3A_128 : memref<1x80x128xf32, #tpu.memory_space<vmem>> -> memref<80x128xf32, #tpu.memory_space<vmem>>
        %dma_wait3A_130 = arith.constant 0 : i32
        %dma_wait3A_131 = tpu.memref_slice %arg7[%add3A_52, %dma_wait3A_130] : memref<10000x128xf32, #tpu.memory_space<vmem_shared>> -> memref<80x128xf32, #tpu.memory_space<vmem_shared>>
        %dma_wait3A_132 = arith.constant 0 : i32
        %dma_wait3A_133 = tpu.memref_slice %arg7[%add3A_52, %dma_wait3A_132] : memref<10000x128xf32, #tpu.memory_space<vmem_shared>> -> memref<80x128xf32, #tpu.memory_space<vmem_shared>>
        %dma_wait3A_134 = arith.constant 0 : i32
        %dma_wait3A_135 = arith.constant 0 : i32
        %dma_wait3A_136 = tpu.memref_slice %arg10[%run_scoped3A, %dma_wait3A_134, %dma_wait3A_135] : memref<2x80x128xf32, #tpu.memory_space<vmem>> -> memref<1x80x128xf32, #tpu.memory_space<vmem>>
        %dma_wait3A_137 = tpu.memref_squeeze %dma_wait3A_136 : memref<1x80x128xf32, #tpu.memory_space<vmem>> -> memref<80x128xf32, #tpu.memory_space<vmem>>
        tpu.wait_dma2 semaphore(%run_scoped3A_114 : memref<!tpu.dma_semaphore, #tpu.memory_space<semaphore_mem>>) src(%dma_wait3A_137 : memref<80x128xf32, #tpu.memory_space<vmem>>) dst(%dma_wait3A_133 : memref<80x128xf32, #tpu.memory_space<vmem_shared>>)
        tpu.yield
      }) : () -> ()
      %mul3A_53 = arith.constant 1000 : i32
      %mul3A_54 = arith.muli %arg1, %mul3A_53 : i32
      %add3A_55 = arith.constant 80 : i32
      %add3A_56 = arith.addi %mul3A_54, %add3A_55 : i32
      %run_scoped3A_57 = arith.constant 0 : i32
      "tpu.region"() ({
        %run_scoped3A_114 = tpu.sem_alloc : memref<!tpu.dma_semaphore, #tpu.memory_space<semaphore_mem>>
        %dma_start3A_115 = arith.constant 0 : i32
        %dma_start3A_116 = arith.constant 0 : i32
        %dma_start3A_117 = tpu.memref_slice %arg10[%run_scoped3A_57, %dma_start3A_115, %dma_start3A_116] : memref<2x80x128xf32, #tpu.memory_space<vmem>> -> memref<1x80x128xf32, #tpu.memory_space<vmem>>
        %dma_start3A_118 = tpu.memref_squeeze %dma_start3A_117 : memref<1x80x128xf32, #tpu.memory_space<vmem>> -> memref<80x128xf32, #tpu.memory_space<vmem>>
        %dma_start3A_119 = arith.constant 0 : i32
        %dma_start3A_120 = tpu.memref_slice %arg7[%add3A_56, %dma_start3A_119] : memref<10000x128xf32, #tpu.memory_space<vmem_shared>> -> memref<80x128xf32, #tpu.memory_space<vmem_shared>>
        %dma_start3A_121 = arith.constant 0 : i32
        %dma_start3A_122 = tpu.memref_slice %arg7[%add3A_56, %dma_start3A_121] : memref<10000x128xf32, #tpu.memory_space<vmem_shared>> -> memref<80x128xf32, #tpu.memory_space<vmem_shared>>
        %dma_start3A_123 = arith.constant 0 : i32
        %dma_start3A_124 = arith.constant 0 : i32
        %dma_start3A_125 = tpu.memref_slice %arg10[%run_scoped3A_57, %dma_start3A_123, %dma_start3A_124] : memref<2x80x128xf32, #tpu.memory_space<vmem>> -> memref<1x80x128xf32, #tpu.memory_space<vmem>>
        %dma_start3A_126 = tpu.memref_squeeze %dma_start3A_125 : memref<1x80x128xf32, #tpu.memory_space<vmem>> -> memref<80x128xf32, #tpu.memory_space<vmem>>
        tpu.enqueue_dma source(%dma_start3A_126 : memref<80x128xf32, #tpu.memory_space<vmem>>) target(%dma_start3A_122 : memref<80x128xf32, #tpu.memory_space<vmem_shared>>) target_semaphore(%run_scoped3A_114 : memref<!tpu.dma_semaphore, #tpu.memory_space<semaphore_mem>>)
        %dma_wait3A = arith.constant 0 : i32
        %dma_wait3A_127 = arith.constant 0 : i32
        %dma_wait3A_128 = tpu.memref_slice %arg10[%run_scoped3A_57, %dma_wait3A, %dma_wait3A_127] : memref<2x80x128xf32, #tpu.memory_space<vmem>> -> memref<1x80x128xf32, #tpu.memory_space<vmem>>
        %dma_wait3A_129 = tpu.memref_squeeze %dma_wait3A_128 : memref<1x80x128xf32, #tpu.memory_space<vmem>> -> memref<80x128xf32, #tpu.memory_space<vmem>>
        %dma_wait3A_130 = arith.constant 0 : i32
        %dma_wait3A_131 = tpu.memref_slice %arg7[%add3A_56, %dma_wait3A_130] : memref<10000x128xf32, #tpu.memory_space<vmem_shared>> -> memref<80x128xf32, #tpu.memory_space<vmem_shared>>
        %dma_wait3A_132 = arith.constant 0 : i32
        %dma_wait3A_133 = tpu.memref_slice %arg7[%add3A_56, %dma_wait3A_132] : memref<10000x128xf32, #tpu.memory_space<vmem_shared>> -> memref<80x128xf32, #tpu.memory_space<vmem_shared>>
        %dma_wait3A_134 = arith.constant 0 : i32
        %dma_wait3A_135 = arith.constant 0 : i32
        %dma_wait3A_136 = tpu.memref_slice %arg10[%run_scoped3A_57, %dma_wait3A_134, %dma_wait3A_135] : memref<2x80x128xf32, #tpu.memory_space<vmem>> -> memref<1x80x128xf32, #tpu.memory_space<vmem>>
        %dma_wait3A_137 = tpu.memref_squeeze %dma_wait3A_136 : memref<1x80x128xf32, #tpu.memory_space<vmem>> -> memref<80x128xf32, #tpu.memory_space<vmem>>
        tpu.wait_dma2 semaphore(%run_scoped3A_114 : memref<!tpu.dma_semaphore, #tpu.memory_space<semaphore_mem>>) src(%dma_wait3A_137 : memref<80x128xf32, #tpu.memory_space<vmem>>) dst(%dma_wait3A_133 : memref<80x128xf32, #tpu.memory_space<vmem_shared>>)
        tpu.yield
      }) : () -> ()
      %mul3A_58 = arith.constant 1000 : i32
      %mul3A_59 = arith.muli %arg1, %mul3A_58 : i32
      %add3A_60 = arith.constant 160 : i32
      %add3A_61 = arith.addi %mul3A_59, %add3A_60 : i32
      %run_scoped3A_62 = arith.constant 0 : i32
      "tpu.region"() ({
        %run_scoped3A_114 = tpu.sem_alloc : memref<!tpu.dma_semaphore, #tpu.memory_space<semaphore_mem>>
        %dma_start3A_115 = arith.constant 0 : i32
        %dma_start3A_116 = arith.constant 0 : i32
        %dma_start3A_117 = tpu.memref_slice %arg10[%run_scoped3A_62, %dma_start3A_115, %dma_start3A_116] : memref<2x80x128xf32, #tpu.memory_space<vmem>> -> memref<1x80x128xf32, #tpu.memory_space<vmem>>
        %dma_start3A_118 = tpu.memref_squeeze %dma_start3A_117 : memref<1x80x128xf32, #tpu.memory_space<vmem>> -> memref<80x128xf32, #tpu.memory_space<vmem>>
        %dma_start3A_119 = arith.constant 0 : i32
        %dma_start3A_120 = tpu.memref_slice %arg7[%add3A_61, %dma_start3A_119] : memref<10000x128xf32, #tpu.memory_space<vmem_shared>> -> memref<80x128xf32, #tpu.memory_space<vmem_shared>>
        %dma_start3A_121 = arith.constant 0 : i32
        %dma_start3A_122 = tpu.memref_slice %arg7[%add3A_61, %dma_start3A_121] : memref<10000x128xf32, #tpu.memory_space<vmem_shared>> -> memref<80x128xf32, #tpu.memory_space<vmem_shared>>
        %dma_start3A_123 = arith.constant 0 : i32
        %dma_start3A_124 = arith.constant 0 : i32
        %dma_start3A_125 = tpu.memref_slice %arg10[%run_scoped3A_62, %dma_start3A_123, %dma_start3A_124] : memref<2x80x128xf32, #tpu.memory_space<vmem>> -> memref<1x80x128xf32, #tpu.memory_space<vmem>>
        %dma_start3A_126 = tpu.memref_squeeze %dma_start3A_125 : memref<1x80x128xf32, #tpu.memory_space<vmem>> -> memref<80x128xf32, #tpu.memory_space<vmem>>
        tpu.enqueue_dma source(%dma_start3A_126 : memref<80x128xf32, #tpu.memory_space<vmem>>) target(%dma_start3A_122 : memref<80x128xf32, #tpu.memory_space<vmem_shared>>) target_semaphore(%run_scoped3A_114 : memref<!tpu.dma_semaphore, #tpu.memory_space<semaphore_mem>>)
        %dma_wait3A = arith.constant 0 : i32
        %dma_wait3A_127 = arith.constant 0 : i32
        %dma_wait3A_128 = tpu.memref_slice %arg10[%run_scoped3A_62, %dma_wait3A, %dma_wait3A_127] : memref<2x80x128xf32, #tpu.memory_space<vmem>> -> memref<1x80x128xf32, #tpu.memory_space<vmem>>
        %dma_wait3A_129 = tpu.memref_squeeze %dma_wait3A_128 : memref<1x80x128xf32, #tpu.memory_space<vmem>> -> memref<80x128xf32, #tpu.memory_space<vmem>>
        %dma_wait3A_130 = arith.constant 0 : i32
        %dma_wait3A_131 = tpu.memref_slice %arg7[%add3A_61, %dma_wait3A_130] : memref<10000x128xf32, #tpu.memory_space<vmem_shared>> -> memref<80x128xf32, #tpu.memory_space<vmem_shared>>
        %dma_wait3A_132 = arith.constant 0 : i32
        %dma_wait3A_133 = tpu.memref_slice %arg7[%add3A_61, %dma_wait3A_132] : memref<10000x128xf32, #tpu.memory_space<vmem_shared>> -> memref<80x128xf32, #tpu.memory_space<vmem_shared>>
        %dma_wait3A_134 = arith.constant 0 : i32
        %dma_wait3A_135 = arith.constant 0 : i32
        %dma_wait3A_136 = tpu.memref_slice %arg10[%run_scoped3A_62, %dma_wait3A_134, %dma_wait3A_135] : memref<2x80x128xf32, #tpu.memory_space<vmem>> -> memref<1x80x128xf32, #tpu.memory_space<vmem>>
        %dma_wait3A_137 = tpu.memref_squeeze %dma_wait3A_136 : memref<1x80x128xf32, #tpu.memory_space<vmem>> -> memref<80x128xf32, #tpu.memory_space<vmem>>
        tpu.wait_dma2 semaphore(%run_scoped3A_114 : memref<!tpu.dma_semaphore, #tpu.memory_space<semaphore_mem>>) src(%dma_wait3A_137 : memref<80x128xf32, #tpu.memory_space<vmem>>) dst(%dma_wait3A_133 : memref<80x128xf32, #tpu.memory_space<vmem_shared>>)
        tpu.yield
      }) : () -> ()
      %mul3A_63 = arith.constant 1000 : i32
      %mul3A_64 = arith.muli %arg1, %mul3A_63 : i32
      %add3A_65 = arith.constant 240 : i32
      %add3A_66 = arith.addi %mul3A_64, %add3A_65 : i32
      %run_scoped3A_67 = arith.constant 0 : i32
      "tpu.region"() ({
        %run_scoped3A_114 = tpu.sem_alloc : memref<!tpu.dma_semaphore, #tpu.memory_space<semaphore_mem>>
        %dma_start3A_115 = arith.constant 0 : i32
        %dma_start3A_116 = arith.constant 0 : i32
        %dma_start3A_117 = tpu.memref_slice %arg10[%run_scoped3A_67, %dma_start3A_115, %dma_start3A_116] : memref<2x80x128xf32, #tpu.memory_space<vmem>> -> memref<1x80x128xf32, #tpu.memory_space<vmem>>
        %dma_start3A_118 = tpu.memref_squeeze %dma_start3A_117 : memref<1x80x128xf32, #tpu.memory_space<vmem>> -> memref<80x128xf32, #tpu.memory_space<vmem>>
        %dma_start3A_119 = arith.constant 0 : i32
        %dma_start3A_120 = tpu.memref_slice %arg7[%add3A_66, %dma_start3A_119] : memref<10000x128xf32, #tpu.memory_space<vmem_shared>> -> memref<80x128xf32, #tpu.memory_space<vmem_shared>>
        %dma_start3A_121 = arith.constant 0 : i32
        %dma_start3A_122 = tpu.memref_slice %arg7[%add3A_66, %dma_start3A_121] : memref<10000x128xf32, #tpu.memory_space<vmem_shared>> -> memref<80x128xf32, #tpu.memory_space<vmem_shared>>
        %dma_start3A_123 = arith.constant 0 : i32
        %dma_start3A_124 = arith.constant 0 : i32
        %dma_start3A_125 = tpu.memref_slice %arg10[%run_scoped3A_67, %dma_start3A_123, %dma_start3A_124] : memref<2x80x128xf32, #tpu.memory_space<vmem>> -> memref<1x80x128xf32, #tpu.memory_space<vmem>>
        %dma_start3A_126 = tpu.memref_squeeze %dma_start3A_125 : memref<1x80x128xf32, #tpu.memory_space<vmem>> -> memref<80x128xf32, #tpu.memory_space<vmem>>
        tpu.enqueue_dma source(%dma_start3A_126 : memref<80x128xf32, #tpu.memory_space<vmem>>) target(%dma_start3A_122 : memref<80x128xf32, #tpu.memory_space<vmem_shared>>) target_semaphore(%run_scoped3A_114 : memref<!tpu.dma_semaphore, #tpu.memory_space<semaphore_mem>>)
        %dma_wait3A = arith.constant 0 : i32
        %dma_wait3A_127 = arith.constant 0 : i32
        %dma_wait3A_128 = tpu.memref_slice %arg10[%run_scoped3A_67, %dma_wait3A, %dma_wait3A_127] : memref<2x80x128xf32, #tpu.memory_space<vmem>> -> memref<1x80x128xf32, #tpu.memory_space<vmem>>
        %dma_wait3A_129 = tpu.memref_squeeze %dma_wait3A_128 : memref<1x80x128xf32, #tpu.memory_space<vmem>> -> memref<80x128xf32, #tpu.memory_space<vmem>>
        %dma_wait3A_130 = arith.constant 0 : i32
        %dma_wait3A_131 = tpu.memref_slice %arg7[%add3A_66, %dma_wait3A_130] : memref<10000x128xf32, #tpu.memory_space<vmem_shared>> -> memref<80x128xf32, #tpu.memory_space<vmem_shared>>
        %dma_wait3A_132 = arith.constant 0 : i32
        %dma_wait3A_133 = tpu.memref_slice %arg7[%add3A_66, %dma_wait3A_132] : memref<10000x128xf32, #tpu.memory_space<vmem_shared>> -> memref<80x128xf32, #tpu.memory_space<vmem_shared>>
        %dma_wait3A_134 = arith.constant 0 : i32
        %dma_wait3A_135 = arith.constant 0 : i32
        %dma_wait3A_136 = tpu.memref_slice %arg10[%run_scoped3A_67, %dma_wait3A_134, %dma_wait3A_135] : memref<2x80x128xf32, #tpu.memory_space<vmem>> -> memref<1x80x128xf32, #tpu.memory_space<vmem>>
        %dma_wait3A_137 = tpu.memref_squeeze %dma_wait3A_136 : memref<1x80x128xf32, #tpu.memory_space<vmem>> -> memref<80x128xf32, #tpu.memory_space<vmem>>
        tpu.wait_dma2 semaphore(%run_scoped3A_114 : memref<!tpu.dma_semaphore, #tpu.memory_space<semaphore_mem>>) src(%dma_wait3A_137 : memref<80x128xf32, #tpu.memory_space<vmem>>) dst(%dma_wait3A_133 : memref<80x128xf32, #tpu.memory_space<vmem_shared>>)
        tpu.yield
      }) : () -> ()
      %mul3A_68 = arith.constant 1000 : i32
      %mul3A_69 = arith.muli %arg1, %mul3A_68 : i32
      %add3A_70 = arith.constant 320 : i32
      %add3A_71 = arith.addi %mul3A_69, %add3A_70 : i32
      %run_scoped3A_72 = arith.constant 0 : i32
      "tpu.region"() ({
        %run_scoped3A_114 = tpu.sem_alloc : memref<!tpu.dma_semaphore, #tpu.memory_space<semaphore_mem>>
        %dma_start3A_115 = arith.constant 0 : i32
        %dma_start3A_116 = arith.constant 0 : i32
        %dma_start3A_117 = tpu.memref_slice %arg10[%run_scoped3A_72, %dma_start3A_115, %dma_start3A_116] : memref<2x80x128xf32, #tpu.memory_space<vmem>> -> memref<1x80x128xf32, #tpu.memory_space<vmem>>
        %dma_start3A_118 = tpu.memref_squeeze %dma_start3A_117 : memref<1x80x128xf32, #tpu.memory_space<vmem>> -> memref<80x128xf32, #tpu.memory_space<vmem>>
        %dma_start3A_119 = arith.constant 0 : i32
        %dma_start3A_120 = tpu.memref_slice %arg7[%add3A_71, %dma_start3A_119] : memref<10000x128xf32, #tpu.memory_space<vmem_shared>> -> memref<80x128xf32, #tpu.memory_space<vmem_shared>>
        %dma_start3A_121 = arith.constant 0 : i32
        %dma_start3A_122 = tpu.memref_slice %arg7[%add3A_71, %dma_start3A_121] : memref<10000x128xf32, #tpu.memory_space<vmem_shared>> -> memref<80x128xf32, #tpu.memory_space<vmem_shared>>
        %dma_start3A_123 = arith.constant 0 : i32
        %dma_start3A_124 = arith.constant 0 : i32
        %dma_start3A_125 = tpu.memref_slice %arg10[%run_scoped3A_72, %dma_start3A_123, %dma_start3A_124] : memref<2x80x128xf32, #tpu.memory_space<vmem>> -> memref<1x80x128xf32, #tpu.memory_space<vmem>>
        %dma_start3A_126 = tpu.memref_squeeze %dma_start3A_125 : memref<1x80x128xf32, #tpu.memory_space<vmem>> -> memref<80x128xf32, #tpu.memory_space<vmem>>
        tpu.enqueue_dma source(%dma_start3A_126 : memref<80x128xf32, #tpu.memory_space<vmem>>) target(%dma_start3A_122 : memref<80x128xf32, #tpu.memory_space<vmem_shared>>) target_semaphore(%run_scoped3A_114 : memref<!tpu.dma_semaphore, #tpu.memory_space<semaphore_mem>>)
        %dma_wait3A = arith.constant 0 : i32
        %dma_wait3A_127 = arith.constant 0 : i32
        %dma_wait3A_128 = tpu.memref_slice %arg10[%run_scoped3A_72, %dma_wait3A, %dma_wait3A_127] : memref<2x80x128xf32, #tpu.memory_space<vmem>> -> memref<1x80x128xf32, #tpu.memory_space<vmem>>
        %dma_wait3A_129 = tpu.memref_squeeze %dma_wait3A_128 : memref<1x80x128xf32, #tpu.memory_space<vmem>> -> memref<80x128xf32, #tpu.memory_space<vmem>>
        %dma_wait3A_130 = arith.constant 0 : i32
        %dma_wait3A_131 = tpu.memref_slice %arg7[%add3A_71, %dma_wait3A_130] : memref<10000x128xf32, #tpu.memory_space<vmem_shared>> -> memref<80x128xf32, #tpu.memory_space<vmem_shared>>
        %dma_wait3A_132 = arith.constant 0 : i32
        %dma_wait3A_133 = tpu.memref_slice %arg7[%add3A_71, %dma_wait3A_132] : memref<10000x128xf32, #tpu.memory_space<vmem_shared>> -> memref<80x128xf32, #tpu.memory_space<vmem_shared>>
        %dma_wait3A_134 = arith.constant 0 : i32
        %dma_wait3A_135 = arith.constant 0 : i32
        %dma_wait3A_136 = tpu.memref_slice %arg10[%run_scoped3A_72, %dma_wait3A_134, %dma_wait3A_135] : memref<2x80x128xf32, #tpu.memory_space<vmem>> -> memref<1x80x128xf32, #tpu.memory_space<vmem>>
        %dma_wait3A_137 = tpu.memref_squeeze %dma_wait3A_136 : memref<1x80x128xf32, #tpu.memory_space<vmem>> -> memref<80x128xf32, #tpu.memory_space<vmem>>
        tpu.wait_dma2 semaphore(%run_scoped3A_114 : memref<!tpu.dma_semaphore, #tpu.memory_space<semaphore_mem>>) src(%dma_wait3A_137 : memref<80x128xf32, #tpu.memory_space<vmem>>) dst(%dma_wait3A_133 : memref<80x128xf32, #tpu.memory_space<vmem_shared>>)
        tpu.yield
      }) : () -> ()
      %mul3A_73 = arith.constant 1000 : i32
      %mul3A_74 = arith.muli %arg1, %mul3A_73 : i32
      %add3A_75 = arith.constant 400 : i32
      %add3A_76 = arith.addi %mul3A_74, %add3A_75 : i32
      %run_scoped3A_77 = arith.constant 0 : i32
      "tpu.region"() ({
        %run_scoped3A_114 = tpu.sem_alloc : memref<!tpu.dma_semaphore, #tpu.memory_space<semaphore_mem>>
        %dma_start3A_115 = arith.constant 0 : i32
        %dma_start3A_116 = arith.constant 0 : i32
        %dma_start3A_117 = tpu.memref_slice %arg10[%run_scoped3A_77, %dma_start3A_115, %dma_start3A_116] : memref<2x80x128xf32, #tpu.memory_space<vmem>> -> memref<1x80x128xf32, #tpu.memory_space<vmem>>
        %dma_start3A_118 = tpu.memref_squeeze %dma_start3A_117 : memref<1x80x128xf32, #tpu.memory_space<vmem>> -> memref<80x128xf32, #tpu.memory_space<vmem>>
        %dma_start3A_119 = arith.constant 0 : i32
        %dma_start3A_120 = tpu.memref_slice %arg7[%add3A_76, %dma_start3A_119] : memref<10000x128xf32, #tpu.memory_space<vmem_shared>> -> memref<80x128xf32, #tpu.memory_space<vmem_shared>>
        %dma_start3A_121 = arith.constant 0 : i32
        %dma_start3A_122 = tpu.memref_slice %arg7[%add3A_76, %dma_start3A_121] : memref<10000x128xf32, #tpu.memory_space<vmem_shared>> -> memref<80x128xf32, #tpu.memory_space<vmem_shared>>
        %dma_start3A_123 = arith.constant 0 : i32
        %dma_start3A_124 = arith.constant 0 : i32
        %dma_start3A_125 = tpu.memref_slice %arg10[%run_scoped3A_77, %dma_start3A_123, %dma_start3A_124] : memref<2x80x128xf32, #tpu.memory_space<vmem>> -> memref<1x80x128xf32, #tpu.memory_space<vmem>>
        %dma_start3A_126 = tpu.memref_squeeze %dma_start3A_125 : memref<1x80x128xf32, #tpu.memory_space<vmem>> -> memref<80x128xf32, #tpu.memory_space<vmem>>
        tpu.enqueue_dma source(%dma_start3A_126 : memref<80x128xf32, #tpu.memory_space<vmem>>) target(%dma_start3A_122 : memref<80x128xf32, #tpu.memory_space<vmem_shared>>) target_semaphore(%run_scoped3A_114 : memref<!tpu.dma_semaphore, #tpu.memory_space<semaphore_mem>>)
        %dma_wait3A = arith.constant 0 : i32
        %dma_wait3A_127 = arith.constant 0 : i32
        %dma_wait3A_128 = tpu.memref_slice %arg10[%run_scoped3A_77, %dma_wait3A, %dma_wait3A_127] : memref<2x80x128xf32, #tpu.memory_space<vmem>> -> memref<1x80x128xf32, #tpu.memory_space<vmem>>
        %dma_wait3A_129 = tpu.memref_squeeze %dma_wait3A_128 : memref<1x80x128xf32, #tpu.memory_space<vmem>> -> memref<80x128xf32, #tpu.memory_space<vmem>>
        %dma_wait3A_130 = arith.constant 0 : i32
        %dma_wait3A_131 = tpu.memref_slice %arg7[%add3A_76, %dma_wait3A_130] : memref<10000x128xf32, #tpu.memory_space<vmem_shared>> -> memref<80x128xf32, #tpu.memory_space<vmem_shared>>
        %dma_wait3A_132 = arith.constant 0 : i32
        %dma_wait3A_133 = tpu.memref_slice %arg7[%add3A_76, %dma_wait3A_132] : memref<10000x128xf32, #tpu.memory_space<vmem_shared>> -> memref<80x128xf32, #tpu.memory_space<vmem_shared>>
        %dma_wait3A_134 = arith.constant 0 : i32
        %dma_wait3A_135 = arith.constant 0 : i32
        %dma_wait3A_136 = tpu.memref_slice %arg10[%run_scoped3A_77, %dma_wait3A_134, %dma_wait3A_135] : memref<2x80x128xf32, #tpu.memory_space<vmem>> -> memref<1x80x128xf32, #tpu.memory_space<vmem>>
        %dma_wait3A_137 = tpu.memref_squeeze %dma_wait3A_136 : memref<1x80x128xf32, #tpu.memory_space<vmem>> -> memref<80x128xf32, #tpu.memory_space<vmem>>
        tpu.wait_dma2 semaphore(%run_scoped3A_114 : memref<!tpu.dma_semaphore, #tpu.memory_space<semaphore_mem>>) src(%dma_wait3A_137 : memref<80x128xf32, #tpu.memory_space<vmem>>) dst(%dma_wait3A_133 : memref<80x128xf32, #tpu.memory_space<vmem_shared>>)
        tpu.yield
      }) : () -> ()
      %mul3A_78 = arith.constant 1000 : i32
      %mul3A_79 = arith.muli %arg1, %mul3A_78 : i32
      %add3A_80 = arith.constant 480 : i32
      %add3A_81 = arith.addi %mul3A_79, %add3A_80 : i32
      %run_scoped3A_82 = arith.constant 0 : i32
      "tpu.region"() ({
        %run_scoped3A_114 = tpu.sem_alloc : memref<!tpu.dma_semaphore, #tpu.memory_space<semaphore_mem>>
        %dma_start3A_115 = arith.constant 0 : i32
        %dma_start3A_116 = arith.constant 0 : i32
        %dma_start3A_117 = tpu.memref_slice %arg10[%run_scoped3A_82, %dma_start3A_115, %dma_start3A_116] : memref<2x80x128xf32, #tpu.memory_space<vmem>> -> memref<1x80x128xf32, #tpu.memory_space<vmem>>
        %dma_start3A_118 = tpu.memref_squeeze %dma_start3A_117 : memref<1x80x128xf32, #tpu.memory_space<vmem>> -> memref<80x128xf32, #tpu.memory_space<vmem>>
        %dma_start3A_119 = arith.constant 0 : i32
        %dma_start3A_120 = tpu.memref_slice %arg7[%add3A_81, %dma_start3A_119] : memref<10000x128xf32, #tpu.memory_space<vmem_shared>> -> memref<80x128xf32, #tpu.memory_space<vmem_shared>>
        %dma_start3A_121 = arith.constant 0 : i32
        %dma_start3A_122 = tpu.memref_slice %arg7[%add3A_81, %dma_start3A_121] : memref<10000x128xf32, #tpu.memory_space<vmem_shared>> -> memref<80x128xf32, #tpu.memory_space<vmem_shared>>
        %dma_start3A_123 = arith.constant 0 : i32
        %dma_start3A_124 = arith.constant 0 : i32
        %dma_start3A_125 = tpu.memref_slice %arg10[%run_scoped3A_82, %dma_start3A_123, %dma_start3A_124] : memref<2x80x128xf32, #tpu.memory_space<vmem>> -> memref<1x80x128xf32, #tpu.memory_space<vmem>>
        %dma_start3A_126 = tpu.memref_squeeze %dma_start3A_125 : memref<1x80x128xf32, #tpu.memory_space<vmem>> -> memref<80x128xf32, #tpu.memory_space<vmem>>
        tpu.enqueue_dma source(%dma_start3A_126 : memref<80x128xf32, #tpu.memory_space<vmem>>) target(%dma_start3A_122 : memref<80x128xf32, #tpu.memory_space<vmem_shared>>) target_semaphore(%run_scoped3A_114 : memref<!tpu.dma_semaphore, #tpu.memory_space<semaphore_mem>>)
        %dma_wait3A = arith.constant 0 : i32
        %dma_wait3A_127 = arith.constant 0 : i32
        %dma_wait3A_128 = tpu.memref_slice %arg10[%run_scoped3A_82, %dma_wait3A, %dma_wait3A_127] : memref<2x80x128xf32, #tpu.memory_space<vmem>> -> memref<1x80x128xf32, #tpu.memory_space<vmem>>
        %dma_wait3A_129 = tpu.memref_squeeze %dma_wait3A_128 : memref<1x80x128xf32, #tpu.memory_space<vmem>> -> memref<80x128xf32, #tpu.memory_space<vmem>>
        %dma_wait3A_130 = arith.constant 0 : i32
        %dma_wait3A_131 = tpu.memref_slice %arg7[%add3A_81, %dma_wait3A_130] : memref<10000x128xf32, #tpu.memory_space<vmem_shared>> -> memref<80x128xf32, #tpu.memory_space<vmem_shared>>
        %dma_wait3A_132 = arith.constant 0 : i32
        %dma_wait3A_133 = tpu.memref_slice %arg7[%add3A_81, %dma_wait3A_132] : memref<10000x128xf32, #tpu.memory_space<vmem_shared>> -> memref<80x128xf32, #tpu.memory_space<vmem_shared>>
        %dma_wait3A_134 = arith.constant 0 : i32
        %dma_wait3A_135 = arith.constant 0 : i32
        %dma_wait3A_136 = tpu.memref_slice %arg10[%run_scoped3A_82, %dma_wait3A_134, %dma_wait3A_135] : memref<2x80x128xf32, #tpu.memory_space<vmem>> -> memref<1x80x128xf32, #tpu.memory_space<vmem>>
        %dma_wait3A_137 = tpu.memref_squeeze %dma_wait3A_136 : memref<1x80x128xf32, #tpu.memory_space<vmem>> -> memref<80x128xf32, #tpu.memory_space<vmem>>
        tpu.wait_dma2 semaphore(%run_scoped3A_114 : memref<!tpu.dma_semaphore, #tpu.memory_space<semaphore_mem>>) src(%dma_wait3A_137 : memref<80x128xf32, #tpu.memory_space<vmem>>) dst(%dma_wait3A_133 : memref<80x128xf32, #tpu.memory_space<vmem_shared>>)
        tpu.yield
      }) : () -> ()
      %mul3A_83 = arith.constant 1000 : i32
      %mul3A_84 = arith.muli %arg1, %mul3A_83 : i32
      %add3A_85 = arith.constant 560 : i32
      %add3A_86 = arith.addi %mul3A_84, %add3A_85 : i32
      %run_scoped3A_87 = arith.constant 0 : i32
      "tpu.region"() ({
        %run_scoped3A_114 = tpu.sem_alloc : memref<!tpu.dma_semaphore, #tpu.memory_space<semaphore_mem>>
        %dma_start3A_115 = arith.constant 0 : i32
        %dma_start3A_116 = arith.constant 0 : i32
        %dma_start3A_117 = tpu.memref_slice %arg10[%run_scoped3A_87, %dma_start3A_115, %dma_start3A_116] : memref<2x80x128xf32, #tpu.memory_space<vmem>> -> memref<1x80x128xf32, #tpu.memory_space<vmem>>
        %dma_start3A_118 = tpu.memref_squeeze %dma_start3A_117 : memref<1x80x128xf32, #tpu.memory_space<vmem>> -> memref<80x128xf32, #tpu.memory_space<vmem>>
        %dma_start3A_119 = arith.constant 0 : i32
        %dma_start3A_120 = tpu.memref_slice %arg7[%add3A_86, %dma_start3A_119] : memref<10000x128xf32, #tpu.memory_space<vmem_shared>> -> memref<80x128xf32, #tpu.memory_space<vmem_shared>>
        %dma_start3A_121 = arith.constant 0 : i32
        %dma_start3A_122 = tpu.memref_slice %arg7[%add3A_86, %dma_start3A_121] : memref<10000x128xf32, #tpu.memory_space<vmem_shared>> -> memref<80x128xf32, #tpu.memory_space<vmem_shared>>
        %dma_start3A_123 = arith.constant 0 : i32
        %dma_start3A_124 = arith.constant 0 : i32
        %dma_start3A_125 = tpu.memref_slice %arg10[%run_scoped3A_87, %dma_start3A_123, %dma_start3A_124] : memref<2x80x128xf32, #tpu.memory_space<vmem>> -> memref<1x80x128xf32, #tpu.memory_space<vmem>>
        %dma_start3A_126 = tpu.memref_squeeze %dma_start3A_125 : memref<1x80x128xf32, #tpu.memory_space<vmem>> -> memref<80x128xf32, #tpu.memory_space<vmem>>
        tpu.enqueue_dma source(%dma_start3A_126 : memref<80x128xf32, #tpu.memory_space<vmem>>) target(%dma_start3A_122 : memref<80x128xf32, #tpu.memory_space<vmem_shared>>) target_semaphore(%run_scoped3A_114 : memref<!tpu.dma_semaphore, #tpu.memory_space<semaphore_mem>>)
        %dma_wait3A = arith.constant 0 : i32
        %dma_wait3A_127 = arith.constant 0 : i32
        %dma_wait3A_128 = tpu.memref_slice %arg10[%run_scoped3A_87, %dma_wait3A, %dma_wait3A_127] : memref<2x80x128xf32, #tpu.memory_space<vmem>> -> memref<1x80x128xf32, #tpu.memory_space<vmem>>
        %dma_wait3A_129 = tpu.memref_squeeze %dma_wait3A_128 : memref<1x80x128xf32, #tpu.memory_space<vmem>> -> memref<80x128xf32, #tpu.memory_space<vmem>>
        %dma_wait3A_130 = arith.constant 0 : i32
        %dma_wait3A_131 = tpu.memref_slice %arg7[%add3A_86, %dma_wait3A_130] : memref<10000x128xf32, #tpu.memory_space<vmem_shared>> -> memref<80x128xf32, #tpu.memory_space<vmem_shared>>
        %dma_wait3A_132 = arith.constant 0 : i32
        %dma_wait3A_133 = tpu.memref_slice %arg7[%add3A_86, %dma_wait3A_132] : memref<10000x128xf32, #tpu.memory_space<vmem_shared>> -> memref<80x128xf32, #tpu.memory_space<vmem_shared>>
        %dma_wait3A_134 = arith.constant 0 : i32
        %dma_wait3A_135 = arith.constant 0 : i32
        %dma_wait3A_136 = tpu.memref_slice %arg10[%run_scoped3A_87, %dma_wait3A_134, %dma_wait3A_135] : memref<2x80x128xf32, #tpu.memory_space<vmem>> -> memref<1x80x128xf32, #tpu.memory_space<vmem>>
        %dma_wait3A_137 = tpu.memref_squeeze %dma_wait3A_136 : memref<1x80x128xf32, #tpu.memory_space<vmem>> -> memref<80x128xf32, #tpu.memory_space<vmem>>
        tpu.wait_dma2 semaphore(%run_scoped3A_114 : memref<!tpu.dma_semaphore, #tpu.memory_space<semaphore_mem>>) src(%dma_wait3A_137 : memref<80x128xf32, #tpu.memory_space<vmem>>) dst(%dma_wait3A_133 : memref<80x128xf32, #tpu.memory_space<vmem_shared>>)
        tpu.yield
      }) : () -> ()
      %mul3A_88 = arith.constant 1000 : i32
      %mul3A_89 = arith.muli %arg1, %mul3A_88 : i32
      %add3A_90 = arith.constant 640 : i32
      %add3A_91 = arith.addi %mul3A_89, %add3A_90 : i32
      %run_scoped3A_92 = arith.constant 0 : i32
      "tpu.region"() ({
        %run_scoped3A_114 = tpu.sem_alloc : memref<!tpu.dma_semaphore, #tpu.memory_space<semaphore_mem>>
        %dma_start3A_115 = arith.constant 0 : i32
        %dma_start3A_116 = arith.constant 0 : i32
        %dma_start3A_117 = tpu.memref_slice %arg10[%run_scoped3A_92, %dma_start3A_115, %dma_start3A_116] : memref<2x80x128xf32, #tpu.memory_space<vmem>> -> memref<1x80x128xf32, #tpu.memory_space<vmem>>
        %dma_start3A_118 = tpu.memref_squeeze %dma_start3A_117 : memref<1x80x128xf32, #tpu.memory_space<vmem>> -> memref<80x128xf32, #tpu.memory_space<vmem>>
        %dma_start3A_119 = arith.constant 0 : i32
        %dma_start3A_120 = tpu.memref_slice %arg7[%add3A_91, %dma_start3A_119] : memref<10000x128xf32, #tpu.memory_space<vmem_shared>> -> memref<80x128xf32, #tpu.memory_space<vmem_shared>>
        %dma_start3A_121 = arith.constant 0 : i32
        %dma_start3A_122 = tpu.memref_slice %arg7[%add3A_91, %dma_start3A_121] : memref<10000x128xf32, #tpu.memory_space<vmem_shared>> -> memref<80x128xf32, #tpu.memory_space<vmem_shared>>
        %dma_start3A_123 = arith.constant 0 : i32
        %dma_start3A_124 = arith.constant 0 : i32
        %dma_start3A_125 = tpu.memref_slice %arg10[%run_scoped3A_92, %dma_start3A_123, %dma_start3A_124] : memref<2x80x128xf32, #tpu.memory_space<vmem>> -> memref<1x80x128xf32, #tpu.memory_space<vmem>>
        %dma_start3A_126 = tpu.memref_squeeze %dma_start3A_125 : memref<1x80x128xf32, #tpu.memory_space<vmem>> -> memref<80x128xf32, #tpu.memory_space<vmem>>
        tpu.enqueue_dma source(%dma_start3A_126 : memref<80x128xf32, #tpu.memory_space<vmem>>) target(%dma_start3A_122 : memref<80x128xf32, #tpu.memory_space<vmem_shared>>) target_semaphore(%run_scoped3A_114 : memref<!tpu.dma_semaphore, #tpu.memory_space<semaphore_mem>>)
        %dma_wait3A = arith.constant 0 : i32
        %dma_wait3A_127 = arith.constant 0 : i32
        %dma_wait3A_128 = tpu.memref_slice %arg10[%run_scoped3A_92, %dma_wait3A, %dma_wait3A_127] : memref<2x80x128xf32, #tpu.memory_space<vmem>> -> memref<1x80x128xf32, #tpu.memory_space<vmem>>
        %dma_wait3A_129 = tpu.memref_squeeze %dma_wait3A_128 : memref<1x80x128xf32, #tpu.memory_space<vmem>> -> memref<80x128xf32, #tpu.memory_space<vmem>>
        %dma_wait3A_130 = arith.constant 0 : i32
        %dma_wait3A_131 = tpu.memref_slice %arg7[%add3A_91, %dma_wait3A_130] : memref<10000x128xf32, #tpu.memory_space<vmem_shared>> -> memref<80x128xf32, #tpu.memory_space<vmem_shared>>
        %dma_wait3A_132 = arith.constant 0 : i32
        %dma_wait3A_133 = tpu.memref_slice %arg7[%add3A_91, %dma_wait3A_132] : memref<10000x128xf32, #tpu.memory_space<vmem_shared>> -> memref<80x128xf32, #tpu.memory_space<vmem_shared>>
        %dma_wait3A_134 = arith.constant 0 : i32
        %dma_wait3A_135 = arith.constant 0 : i32
        %dma_wait3A_136 = tpu.memref_slice %arg10[%run_scoped3A_92, %dma_wait3A_134, %dma_wait3A_135] : memref<2x80x128xf32, #tpu.memory_space<vmem>> -> memref<1x80x128xf32, #tpu.memory_space<vmem>>
        %dma_wait3A_137 = tpu.memref_squeeze %dma_wait3A_136 : memref<1x80x128xf32, #tpu.memory_space<vmem>> -> memref<80x128xf32, #tpu.memory_space<vmem>>
        tpu.wait_dma2 semaphore(%run_scoped3A_114 : memref<!tpu.dma_semaphore, #tpu.memory_space<semaphore_mem>>) src(%dma_wait3A_137 : memref<80x128xf32, #tpu.memory_space<vmem>>) dst(%dma_wait3A_133 : memref<80x128xf32, #tpu.memory_space<vmem_shared>>)
        tpu.yield
      }) : () -> ()
      %mul3A_93 = arith.constant 1000 : i32
      %mul3A_94 = arith.muli %arg1, %mul3A_93 : i32
      %add3A_95 = arith.constant 720 : i32
      %add3A_96 = arith.addi %mul3A_94, %add3A_95 : i32
      %run_scoped3A_97 = arith.constant 0 : i32
      "tpu.region"() ({
        %run_scoped3A_114 = tpu.sem_alloc : memref<!tpu.dma_semaphore, #tpu.memory_space<semaphore_mem>>
        %dma_start3A_115 = arith.constant 0 : i32
        %dma_start3A_116 = arith.constant 0 : i32
        %dma_start3A_117 = tpu.memref_slice %arg10[%run_scoped3A_97, %dma_start3A_115, %dma_start3A_116] : memref<2x80x128xf32, #tpu.memory_space<vmem>> -> memref<1x80x128xf32, #tpu.memory_space<vmem>>
        %dma_start3A_118 = tpu.memref_squeeze %dma_start3A_117 : memref<1x80x128xf32, #tpu.memory_space<vmem>> -> memref<80x128xf32, #tpu.memory_space<vmem>>
        %dma_start3A_119 = arith.constant 0 : i32
        %dma_start3A_120 = tpu.memref_slice %arg7[%add3A_96, %dma_start3A_119] : memref<10000x128xf32, #tpu.memory_space<vmem_shared>> -> memref<80x128xf32, #tpu.memory_space<vmem_shared>>
        %dma_start3A_121 = arith.constant 0 : i32
        %dma_start3A_122 = tpu.memref_slice %arg7[%add3A_96, %dma_start3A_121] : memref<10000x128xf32, #tpu.memory_space<vmem_shared>> -> memref<80x128xf32, #tpu.memory_space<vmem_shared>>
        %dma_start3A_123 = arith.constant 0 : i32
        %dma_start3A_124 = arith.constant 0 : i32
        %dma_start3A_125 = tpu.memref_slice %arg10[%run_scoped3A_97, %dma_start3A_123, %dma_start3A_124] : memref<2x80x128xf32, #tpu.memory_space<vmem>> -> memref<1x80x128xf32, #tpu.memory_space<vmem>>
        %dma_start3A_126 = tpu.memref_squeeze %dma_start3A_125 : memref<1x80x128xf32, #tpu.memory_space<vmem>> -> memref<80x128xf32, #tpu.memory_space<vmem>>
        tpu.enqueue_dma source(%dma_start3A_126 : memref<80x128xf32, #tpu.memory_space<vmem>>) target(%dma_start3A_122 : memref<80x128xf32, #tpu.memory_space<vmem_shared>>) target_semaphore(%run_scoped3A_114 : memref<!tpu.dma_semaphore, #tpu.memory_space<semaphore_mem>>)
        %dma_wait3A = arith.constant 0 : i32
        %dma_wait3A_127 = arith.constant 0 : i32
        %dma_wait3A_128 = tpu.memref_slice %arg10[%run_scoped3A_97, %dma_wait3A, %dma_wait3A_127] : memref<2x80x128xf32, #tpu.memory_space<vmem>> -> memref<1x80x128xf32, #tpu.memory_space<vmem>>
        %dma_wait3A_129 = tpu.memref_squeeze %dma_wait3A_128 : memref<1x80x128xf32, #tpu.memory_space<vmem>> -> memref<80x128xf32, #tpu.memory_space<vmem>>
        %dma_wait3A_130 = arith.constant 0 : i32
        %dma_wait3A_131 = tpu.memref_slice %arg7[%add3A_96, %dma_wait3A_130] : memref<10000x128xf32, #tpu.memory_space<vmem_shared>> -> memref<80x128xf32, #tpu.memory_space<vmem_shared>>
        %dma_wait3A_132 = arith.constant 0 : i32
        %dma_wait3A_133 = tpu.memref_slice %arg7[%add3A_96, %dma_wait3A_132] : memref<10000x128xf32, #tpu.memory_space<vmem_shared>> -> memref<80x128xf32, #tpu.memory_space<vmem_shared>>
        %dma_wait3A_134 = arith.constant 0 : i32
        %dma_wait3A_135 = arith.constant 0 : i32
        %dma_wait3A_136 = tpu.memref_slice %arg10[%run_scoped3A_97, %dma_wait3A_134, %dma_wait3A_135] : memref<2x80x128xf32, #tpu.memory_space<vmem>> -> memref<1x80x128xf32, #tpu.memory_space<vmem>>
        %dma_wait3A_137 = tpu.memref_squeeze %dma_wait3A_136 : memref<1x80x128xf32, #tpu.memory_space<vmem>> -> memref<80x128xf32, #tpu.memory_space<vmem>>
        tpu.wait_dma2 semaphore(%run_scoped3A_114 : memref<!tpu.dma_semaphore, #tpu.memory_space<semaphore_mem>>) src(%dma_wait3A_137 : memref<80x128xf32, #tpu.memory_space<vmem>>) dst(%dma_wait3A_133 : memref<80x128xf32, #tpu.memory_space<vmem_shared>>)
        tpu.yield
      }) : () -> ()
      %mul3A_98 = arith.constant 1000 : i32
      %mul3A_99 = arith.muli %arg1, %mul3A_98 : i32
      %add3A_100 = arith.constant 800 : i32
      %add3A_101 = arith.addi %mul3A_99, %add3A_100 : i32
      %run_scoped3A_102 = arith.constant 0 : i32
      "tpu.region"() ({
        %run_scoped3A_114 = tpu.sem_alloc : memref<!tpu.dma_semaphore, #tpu.memory_space<semaphore_mem>>
        %dma_start3A_115 = arith.constant 0 : i32
        %dma_start3A_116 = arith.constant 0 : i32
        %dma_start3A_117 = tpu.memref_slice %arg10[%run_scoped3A_102, %dma_start3A_115, %dma_start3A_116] : memref<2x80x128xf32, #tpu.memory_space<vmem>> -> memref<1x80x128xf32, #tpu.memory_space<vmem>>
        %dma_start3A_118 = tpu.memref_squeeze %dma_start3A_117 : memref<1x80x128xf32, #tpu.memory_space<vmem>> -> memref<80x128xf32, #tpu.memory_space<vmem>>
        %dma_start3A_119 = arith.constant 0 : i32
        %dma_start3A_120 = tpu.memref_slice %arg7[%add3A_101, %dma_start3A_119] : memref<10000x128xf32, #tpu.memory_space<vmem_shared>> -> memref<80x128xf32, #tpu.memory_space<vmem_shared>>
        %dma_start3A_121 = arith.constant 0 : i32
        %dma_start3A_122 = tpu.memref_slice %arg7[%add3A_101, %dma_start3A_121] : memref<10000x128xf32, #tpu.memory_space<vmem_shared>> -> memref<80x128xf32, #tpu.memory_space<vmem_shared>>
        %dma_start3A_123 = arith.constant 0 : i32
        %dma_start3A_124 = arith.constant 0 : i32
        %dma_start3A_125 = tpu.memref_slice %arg10[%run_scoped3A_102, %dma_start3A_123, %dma_start3A_124] : memref<2x80x128xf32, #tpu.memory_space<vmem>> -> memref<1x80x128xf32, #tpu.memory_space<vmem>>
        %dma_start3A_126 = tpu.memref_squeeze %dma_start3A_125 : memref<1x80x128xf32, #tpu.memory_space<vmem>> -> memref<80x128xf32, #tpu.memory_space<vmem>>
        tpu.enqueue_dma source(%dma_start3A_126 : memref<80x128xf32, #tpu.memory_space<vmem>>) target(%dma_start3A_122 : memref<80x128xf32, #tpu.memory_space<vmem_shared>>) target_semaphore(%run_scoped3A_114 : memref<!tpu.dma_semaphore, #tpu.memory_space<semaphore_mem>>)
        %dma_wait3A = arith.constant 0 : i32
        %dma_wait3A_127 = arith.constant 0 : i32
        %dma_wait3A_128 = tpu.memref_slice %arg10[%run_scoped3A_102, %dma_wait3A, %dma_wait3A_127] : memref<2x80x128xf32, #tpu.memory_space<vmem>> -> memref<1x80x128xf32, #tpu.memory_space<vmem>>
        %dma_wait3A_129 = tpu.memref_squeeze %dma_wait3A_128 : memref<1x80x128xf32, #tpu.memory_space<vmem>> -> memref<80x128xf32, #tpu.memory_space<vmem>>
        %dma_wait3A_130 = arith.constant 0 : i32
        %dma_wait3A_131 = tpu.memref_slice %arg7[%add3A_101, %dma_wait3A_130] : memref<10000x128xf32, #tpu.memory_space<vmem_shared>> -> memref<80x128xf32, #tpu.memory_space<vmem_shared>>
        %dma_wait3A_132 = arith.constant 0 : i32
        %dma_wait3A_133 = tpu.memref_slice %arg7[%add3A_101, %dma_wait3A_132] : memref<10000x128xf32, #tpu.memory_space<vmem_shared>> -> memref<80x128xf32, #tpu.memory_space<vmem_shared>>
        %dma_wait3A_134 = arith.constant 0 : i32
        %dma_wait3A_135 = arith.constant 0 : i32
        %dma_wait3A_136 = tpu.memref_slice %arg10[%run_scoped3A_102, %dma_wait3A_134, %dma_wait3A_135] : memref<2x80x128xf32, #tpu.memory_space<vmem>> -> memref<1x80x128xf32, #tpu.memory_space<vmem>>
        %dma_wait3A_137 = tpu.memref_squeeze %dma_wait3A_136 : memref<1x80x128xf32, #tpu.memory_space<vmem>> -> memref<80x128xf32, #tpu.memory_space<vmem>>
        tpu.wait_dma2 semaphore(%run_scoped3A_114 : memref<!tpu.dma_semaphore, #tpu.memory_space<semaphore_mem>>) src(%dma_wait3A_137 : memref<80x128xf32, #tpu.memory_space<vmem>>) dst(%dma_wait3A_133 : memref<80x128xf32, #tpu.memory_space<vmem_shared>>)
        tpu.yield
      }) : () -> ()
      %mul3A_103 = arith.constant 1000 : i32
      %mul3A_104 = arith.muli %arg1, %mul3A_103 : i32
      %add3A_105 = arith.constant 880 : i32
      %add3A_106 = arith.addi %mul3A_104, %add3A_105 : i32
      %run_scoped3A_107 = arith.constant 0 : i32
      "tpu.region"() ({
        %run_scoped3A_114 = tpu.sem_alloc : memref<!tpu.dma_semaphore, #tpu.memory_space<semaphore_mem>>
        %dma_start3A_115 = arith.constant 0 : i32
        %dma_start3A_116 = arith.constant 0 : i32
        %dma_start3A_117 = tpu.memref_slice %arg10[%run_scoped3A_107, %dma_start3A_115, %dma_start3A_116] : memref<2x80x128xf32, #tpu.memory_space<vmem>> -> memref<1x80x128xf32, #tpu.memory_space<vmem>>
        %dma_start3A_118 = tpu.memref_squeeze %dma_start3A_117 : memref<1x80x128xf32, #tpu.memory_space<vmem>> -> memref<80x128xf32, #tpu.memory_space<vmem>>
        %dma_start3A_119 = arith.constant 0 : i32
        %dma_start3A_120 = tpu.memref_slice %arg7[%add3A_106, %dma_start3A_119] : memref<10000x128xf32, #tpu.memory_space<vmem_shared>> -> memref<80x128xf32, #tpu.memory_space<vmem_shared>>
        %dma_start3A_121 = arith.constant 0 : i32
        %dma_start3A_122 = tpu.memref_slice %arg7[%add3A_106, %dma_start3A_121] : memref<10000x128xf32, #tpu.memory_space<vmem_shared>> -> memref<80x128xf32, #tpu.memory_space<vmem_shared>>
        %dma_start3A_123 = arith.constant 0 : i32
        %dma_start3A_124 = arith.constant 0 : i32
        %dma_start3A_125 = tpu.memref_slice %arg10[%run_scoped3A_107, %dma_start3A_123, %dma_start3A_124] : memref<2x80x128xf32, #tpu.memory_space<vmem>> -> memref<1x80x128xf32, #tpu.memory_space<vmem>>
        %dma_start3A_126 = tpu.memref_squeeze %dma_start3A_125 : memref<1x80x128xf32, #tpu.memory_space<vmem>> -> memref<80x128xf32, #tpu.memory_space<vmem>>
        tpu.enqueue_dma source(%dma_start3A_126 : memref<80x128xf32, #tpu.memory_space<vmem>>) target(%dma_start3A_122 : memref<80x128xf32, #tpu.memory_space<vmem_shared>>) target_semaphore(%run_scoped3A_114 : memref<!tpu.dma_semaphore, #tpu.memory_space<semaphore_mem>>)
        %dma_wait3A = arith.constant 0 : i32
        %dma_wait3A_127 = arith.constant 0 : i32
        %dma_wait3A_128 = tpu.memref_slice %arg10[%run_scoped3A_107, %dma_wait3A, %dma_wait3A_127] : memref<2x80x128xf32, #tpu.memory_space<vmem>> -> memref<1x80x128xf32, #tpu.memory_space<vmem>>
        %dma_wait3A_129 = tpu.memref_squeeze %dma_wait3A_128 : memref<1x80x128xf32, #tpu.memory_space<vmem>> -> memref<80x128xf32, #tpu.memory_space<vmem>>
        %dma_wait3A_130 = arith.constant 0 : i32
        %dma_wait3A_131 = tpu.memref_slice %arg7[%add3A_106, %dma_wait3A_130] : memref<10000x128xf32, #tpu.memory_space<vmem_shared>> -> memref<80x128xf32, #tpu.memory_space<vmem_shared>>
        %dma_wait3A_132 = arith.constant 0 : i32
        %dma_wait3A_133 = tpu.memref_slice %arg7[%add3A_106, %dma_wait3A_132] : memref<10000x128xf32, #tpu.memory_space<vmem_shared>> -> memref<80x128xf32, #tpu.memory_space<vmem_shared>>
        %dma_wait3A_134 = arith.constant 0 : i32
        %dma_wait3A_135 = arith.constant 0 : i32
        %dma_wait3A_136 = tpu.memref_slice %arg10[%run_scoped3A_107, %dma_wait3A_134, %dma_wait3A_135] : memref<2x80x128xf32, #tpu.memory_space<vmem>> -> memref<1x80x128xf32, #tpu.memory_space<vmem>>
        %dma_wait3A_137 = tpu.memref_squeeze %dma_wait3A_136 : memref<1x80x128xf32, #tpu.memory_space<vmem>> -> memref<80x128xf32, #tpu.memory_space<vmem>>
        tpu.wait_dma2 semaphore(%run_scoped3A_114 : memref<!tpu.dma_semaphore, #tpu.memory_space<semaphore_mem>>) src(%dma_wait3A_137 : memref<80x128xf32, #tpu.memory_space<vmem>>) dst(%dma_wait3A_133 : memref<80x128xf32, #tpu.memory_space<vmem_shared>>)
        tpu.yield
      }) : () -> ()
      %mul3A_108 = arith.constant 1000 : i32
      %mul3A_109 = arith.muli %arg1, %mul3A_108 : i32
      %add3A_110 = arith.constant 1000 : i32
      %add3A_111 = arith.addi %mul3A_109, %add3A_110 : i32
      %sub3A = arith.constant 40 : i32
      %sub3A_112 = arith.subi %add3A_111, %sub3A : i32
      %run_scoped3A_113 = arith.constant 0 : i32
      "tpu.region"() ({
        %run_scoped3A_114 = tpu.sem_alloc : memref<!tpu.dma_semaphore, #tpu.memory_space<semaphore_mem>>
        %dma_start3A_115 = arith.constant 0 : i32
        %dma_start3A_116 = arith.constant 0 : i32
        %dma_start3A_117 = tpu.memref_slice %arg10[%run_scoped3A_113, %dma_start3A_115, %dma_start3A_116] : memref<2x80x128xf32, #tpu.memory_space<vmem>> -> memref<1x40x128xf32, #tpu.memory_space<vmem>>
        %dma_start3A_118 = tpu.memref_squeeze %dma_start3A_117 : memref<1x40x128xf32, #tpu.memory_space<vmem>> -> memref<40x128xf32, #tpu.memory_space<vmem>>
        %dma_start3A_119 = arith.constant 0 : i32
        %dma_start3A_120 = tpu.memref_slice %arg7[%sub3A_112, %dma_start3A_119] : memref<10000x128xf32, #tpu.memory_space<vmem_shared>> -> memref<40x128xf32, #tpu.memory_space<vmem_shared>>
        %dma_start3A_121 = arith.constant 0 : i32
        %dma_start3A_122 = tpu.memref_slice %arg7[%sub3A_112, %dma_start3A_121] : memref<10000x128xf32, #tpu.memory_space<vmem_shared>> -> memref<40x128xf32, #tpu.memory_space<vmem_shared>>
        %dma_start3A_123 = arith.constant 0 : i32
        %dma_start3A_124 = arith.constant 0 : i32
        %dma_start3A_125 = tpu.memref_slice %arg10[%run_scoped3A_113, %dma_start3A_123, %dma_start3A_124] : memref<2x80x128xf32, #tpu.memory_space<vmem>> -> memref<1x40x128xf32, #tpu.memory_space<vmem>>
        %dma_start3A_126 = tpu.memref_squeeze %dma_start3A_125 : memref<1x40x128xf32, #tpu.memory_space<vmem>> -> memref<40x128xf32, #tpu.memory_space<vmem>>
        tpu.enqueue_dma source(%dma_start3A_126 : memref<40x128xf32, #tpu.memory_space<vmem>>) target(%dma_start3A_122 : memref<40x128xf32, #tpu.memory_space<vmem_shared>>) target_semaphore(%run_scoped3A_114 : memref<!tpu.dma_semaphore, #tpu.memory_space<semaphore_mem>>)
        %dma_wait3A = arith.constant 0 : i32
        %dma_wait3A_127 = arith.constant 0 : i32
        %dma_wait3A_128 = tpu.memref_slice %arg10[%run_scoped3A_113, %dma_wait3A, %dma_wait3A_127] : memref<2x80x128xf32, #tpu.memory_space<vmem>> -> memref<1x40x128xf32, #tpu.memory_space<vmem>>
        %dma_wait3A_129 = tpu.memref_squeeze %dma_wait3A_128 : memref<1x40x128xf32, #tpu.memory_space<vmem>> -> memref<40x128xf32, #tpu.memory_space<vmem>>
        %dma_wait3A_130 = arith.constant 0 : i32
        %dma_wait3A_131 = tpu.memref_slice %arg7[%sub3A_112, %dma_wait3A_130] : memref<10000x128xf32, #tpu.memory_space<vmem_shared>> -> memref<40x128xf32, #tpu.memory_space<vmem_shared>>
        %dma_wait3A_132 = arith.constant 0 : i32
        %dma_wait3A_133 = tpu.memref_slice %arg7[%sub3A_112, %dma_wait3A_132] : memref<10000x128xf32, #tpu.memory_space<vmem_shared>> -> memref<40x128xf32, #tpu.memory_space<vmem_shared>>
        %dma_wait3A_134 = arith.constant 0 : i32
        %dma_wait3A_135 = arith.constant 0 : i32
        %dma_wait3A_136 = tpu.memref_slice %arg10[%run_scoped3A_113, %dma_wait3A_134, %dma_wait3A_135] : memref<2x80x128xf32, #tpu.memory_space<vmem>> -> memref<1x40x128xf32, #tpu.memory_space<vmem>>
        %dma_wait3A_137 = tpu.memref_squeeze %dma_wait3A_136 : memref<1x40x128xf32, #tpu.memory_space<vmem>> -> memref<40x128xf32, #tpu.memory_space<vmem>>
        tpu.wait_dma2 semaphore(%run_scoped3A_114 : memref<!tpu.dma_semaphore, #tpu.memory_space<semaphore_mem>>) src(%dma_wait3A_137 : memref<40x128xf32, #tpu.memory_space<vmem>>) dst(%dma_wait3A_133 : memref<40x128xf32, #tpu.memory_space<vmem_shared>>)
        tpu.yield
      }) : () -> ()
    } else {
    }
    %eq3A = arith.constant 0 : i32
    %eq3A_16 = arith.cmpi eq, %arg1, %eq3A : i32
    %convert_element_type3A_17 = arith.extui %eq3A_16 : i1 to i32
    %cond3A_18 = arith.constant 0 : i32
    %cond3A_19 = arith.cmpi ne, %convert_element_type3A_17, %cond3A_18 : i32
    scf.if %cond3A_19 {
      "tpu.region"() ({
        %run_scoped3A = tpu.sem_alloc : memref<!tpu.dma_semaphore, #tpu.memory_space<semaphore_mem>>
        %dma_start3A_49 = arith.constant 0 : i32
        %dma_start3A_50 = tpu.memref_slice %arg8[%dma_start3A_49] : memref<10000xf32, #tpu.memory_space<vmem_shared>> -> memref<1000xf32, #tpu.memory_space<vmem_shared>>
        %dma_start3A_51 = arith.constant 0 : i32
        %dma_start3A_52 = tpu.memref_slice %arg8[%dma_start3A_51] : memref<10000xf32, #tpu.memory_space<vmem_shared>> -> memref<1000xf32, #tpu.memory_space<vmem_shared>>
        tpu.enqueue_dma source(%arg12 : memref<1000xf32, #tpu.memory_space<vmem>>) target(%dma_start3A_52 : memref<1000xf32, #tpu.memory_space<vmem_shared>>) target_semaphore(%run_scoped3A : memref<!tpu.dma_semaphore, #tpu.memory_space<semaphore_mem>>)
        %dma_wait3A = arith.constant 0 : i32
        %dma_wait3A_53 = tpu.memref_slice %arg8[%dma_wait3A] : memref<10000xf32, #tpu.memory_space<vmem_shared>> -> memref<1000xf32, #tpu.memory_space<vmem_shared>>
        %dma_wait3A_54 = arith.constant 0 : i32
        %dma_wait3A_55 = tpu.memref_slice %arg8[%dma_wait3A_54] : memref<10000xf32, #tpu.memory_space<vmem_shared>> -> memref<1000xf32, #tpu.memory_space<vmem_shared>>
        tpu.wait_dma2 semaphore(%run_scoped3A : memref<!tpu.dma_semaphore, #tpu.memory_space<semaphore_mem>>) src(%arg12 : memref<1000xf32, #tpu.memory_space<vmem>>) dst(%dma_wait3A_55 : memref<1000xf32, #tpu.memory_space<vmem_shared>>)
        tpu.yield
      }) : () -> ()
      "tpu.region"() ({
        %run_scoped3A = tpu.sem_alloc : memref<!tpu.dma_semaphore, #tpu.memory_space<semaphore_mem>>
        %dma_start3A_49 = arith.constant 1000 : i32
        %dma_start3A_50 = tpu.memref_slice %arg8[%dma_start3A_49] : memref<10000xf32, #tpu.memory_space<vmem_shared>> -> memref<1000xf32, #tpu.memory_space<vmem_shared>>
        %dma_start3A_51 = arith.constant 1000 : i32
        %dma_start3A_52 = tpu.memref_slice %arg8[%dma_start3A_51] : memref<10000xf32, #tpu.memory_space<vmem_shared>> -> memref<1000xf32, #tpu.memory_space<vmem_shared>>
        tpu.enqueue_dma source(%arg12 : memref<1000xf32, #tpu.memory_space<vmem>>) target(%dma_start3A_52 : memref<1000xf32, #tpu.memory_space<vmem_shared>>) target_semaphore(%run_scoped3A : memref<!tpu.dma_semaphore, #tpu.memory_space<semaphore_mem>>)
        %dma_wait3A = arith.constant 1000 : i32
        %dma_wait3A_53 = tpu.memref_slice %arg8[%dma_wait3A] : memref<10000xf32, #tpu.memory_space<vmem_shared>> -> memref<1000xf32, #tpu.memory_space<vmem_shared>>
        %dma_wait3A_54 = arith.constant 1000 : i32
        %dma_wait3A_55 = tpu.memref_slice %arg8[%dma_wait3A_54] : memref<10000xf32, #tpu.memory_space<vmem_shared>> -> memref<1000xf32, #tpu.memory_space<vmem_shared>>
        tpu.wait_dma2 semaphore(%run_scoped3A : memref<!tpu.dma_semaphore, #tpu.memory_space<semaphore_mem>>) src(%arg12 : memref<1000xf32, #tpu.memory_space<vmem>>) dst(%dma_wait3A_55 : memref<1000xf32, #tpu.memory_space<vmem_shared>>)
        tpu.yield
      }) : () -> ()
      "tpu.region"() ({
        %run_scoped3A = tpu.sem_alloc : memref<!tpu.dma_semaphore, #tpu.memory_space<semaphore_mem>>
        %dma_start3A_49 = arith.constant 2000 : i32
        %dma_start3A_50 = tpu.memref_slice %arg8[%dma_start3A_49] : memref<10000xf32, #tpu.memory_space<vmem_shared>> -> memref<1000xf32, #tpu.memory_space<vmem_shared>>
        %dma_start3A_51 = arith.constant 2000 : i32
        %dma_start3A_52 = tpu.memref_slice %arg8[%dma_start3A_51] : memref<10000xf32, #tpu.memory_space<vmem_shared>> -> memref<1000xf32, #tpu.memory_space<vmem_shared>>
        tpu.enqueue_dma source(%arg12 : memref<1000xf32, #tpu.memory_space<vmem>>) target(%dma_start3A_52 : memref<1000xf32, #tpu.memory_space<vmem_shared>>) target_semaphore(%run_scoped3A : memref<!tpu.dma_semaphore, #tpu.memory_space<semaphore_mem>>)
        %dma_wait3A = arith.constant 2000 : i32
        %dma_wait3A_53 = tpu.memref_slice %arg8[%dma_wait3A] : memref<10000xf32, #tpu.memory_space<vmem_shared>> -> memref<1000xf32, #tpu.memory_space<vmem_shared>>
        %dma_wait3A_54 = arith.constant 2000 : i32
        %dma_wait3A_55 = tpu.memref_slice %arg8[%dma_wait3A_54] : memref<10000xf32, #tpu.memory_space<vmem_shared>> -> memref<1000xf32, #tpu.memory_space<vmem_shared>>
        tpu.wait_dma2 semaphore(%run_scoped3A : memref<!tpu.dma_semaphore, #tpu.memory_space<semaphore_mem>>) src(%arg12 : memref<1000xf32, #tpu.memory_space<vmem>>) dst(%dma_wait3A_55 : memref<1000xf32, #tpu.memory_space<vmem_shared>>)
        tpu.yield
      }) : () -> ()
      "tpu.region"() ({
        %run_scoped3A = tpu.sem_alloc : memref<!tpu.dma_semaphore, #tpu.memory_space<semaphore_mem>>
        %dma_start3A_49 = arith.constant 3000 : i32
        %dma_start3A_50 = tpu.memref_slice %arg8[%dma_start3A_49] : memref<10000xf32, #tpu.memory_space<vmem_shared>> -> memref<1000xf32, #tpu.memory_space<vmem_shared>>
        %dma_start3A_51 = arith.constant 3000 : i32
        %dma_start3A_52 = tpu.memref_slice %arg8[%dma_start3A_51] : memref<10000xf32, #tpu.memory_space<vmem_shared>> -> memref<1000xf32, #tpu.memory_space<vmem_shared>>
        tpu.enqueue_dma source(%arg12 : memref<1000xf32, #tpu.memory_space<vmem>>) target(%dma_start3A_52 : memref<1000xf32, #tpu.memory_space<vmem_shared>>) target_semaphore(%run_scoped3A : memref<!tpu.dma_semaphore, #tpu.memory_space<semaphore_mem>>)
        %dma_wait3A = arith.constant 3000 : i32
        %dma_wait3A_53 = tpu.memref_slice %arg8[%dma_wait3A] : memref<10000xf32, #tpu.memory_space<vmem_shared>> -> memref<1000xf32, #tpu.memory_space<vmem_shared>>
        %dma_wait3A_54 = arith.constant 3000 : i32
        %dma_wait3A_55 = tpu.memref_slice %arg8[%dma_wait3A_54] : memref<10000xf32, #tpu.memory_space<vmem_shared>> -> memref<1000xf32, #tpu.memory_space<vmem_shared>>
        tpu.wait_dma2 semaphore(%run_scoped3A : memref<!tpu.dma_semaphore, #tpu.memory_space<semaphore_mem>>) src(%arg12 : memref<1000xf32, #tpu.memory_space<vmem>>) dst(%dma_wait3A_55 : memref<1000xf32, #tpu.memory_space<vmem_shared>>)
        tpu.yield
      }) : () -> ()
      "tpu.region"() ({
        %run_scoped3A = tpu.sem_alloc : memref<!tpu.dma_semaphore, #tpu.memory_space<semaphore_mem>>
        %dma_start3A_49 = arith.constant 4000 : i32
        %dma_start3A_50 = tpu.memref_slice %arg8[%dma_start3A_49] : memref<10000xf32, #tpu.memory_space<vmem_shared>> -> memref<1000xf32, #tpu.memory_space<vmem_shared>>
        %dma_start3A_51 = arith.constant 4000 : i32
        %dma_start3A_52 = tpu.memref_slice %arg8[%dma_start3A_51] : memref<10000xf32, #tpu.memory_space<vmem_shared>> -> memref<1000xf32, #tpu.memory_space<vmem_shared>>
        tpu.enqueue_dma source(%arg12 : memref<1000xf32, #tpu.memory_space<vmem>>) target(%dma_start3A_52 : memref<1000xf32, #tpu.memory_space<vmem_shared>>) target_semaphore(%run_scoped3A : memref<!tpu.dma_semaphore, #tpu.memory_space<semaphore_mem>>)
        %dma_wait3A = arith.constant 4000 : i32
        %dma_wait3A_53 = tpu.memref_slice %arg8[%dma_wait3A] : memref<10000xf32, #tpu.memory_space<vmem_shared>> -> memref<1000xf32, #tpu.memory_space<vmem_shared>>
        %dma_wait3A_54 = arith.constant 4000 : i32
        %dma_wait3A_55 = tpu.memref_slice %arg8[%dma_wait3A_54] : memref<10000xf32, #tpu.memory_space<vmem_shared>> -> memref<1000xf32, #tpu.memory_space<vmem_shared>>
        tpu.wait_dma2 semaphore(%run_scoped3A : memref<!tpu.dma_semaphore, #tpu.memory_space<semaphore_mem>>) src(%arg12 : memref<1000xf32, #tpu.memory_space<vmem>>) dst(%dma_wait3A_55 : memref<1000xf32, #tpu.memory_space<vmem_shared>>)
        tpu.yield
      }) : () -> ()
      "tpu.region"() ({
        %run_scoped3A = tpu.sem_alloc : memref<!tpu.dma_semaphore, #tpu.memory_space<semaphore_mem>>
        %dma_start3A_49 = arith.constant 5000 : i32
        %dma_start3A_50 = tpu.memref_slice %arg8[%dma_start3A_49] : memref<10000xf32, #tpu.memory_space<vmem_shared>> -> memref<1000xf32, #tpu.memory_space<vmem_shared>>
        %dma_start3A_51 = arith.constant 5000 : i32
        %dma_start3A_52 = tpu.memref_slice %arg8[%dma_start3A_51] : memref<10000xf32, #tpu.memory_space<vmem_shared>> -> memref<1000xf32, #tpu.memory_space<vmem_shared>>
        tpu.enqueue_dma source(%arg12 : memref<1000xf32, #tpu.memory_space<vmem>>) target(%dma_start3A_52 : memref<1000xf32, #tpu.memory_space<vmem_shared>>) target_semaphore(%run_scoped3A : memref<!tpu.dma_semaphore, #tpu.memory_space<semaphore_mem>>)
        %dma_wait3A = arith.constant 5000 : i32
        %dma_wait3A_53 = tpu.memref_slice %arg8[%dma_wait3A] : memref<10000xf32, #tpu.memory_space<vmem_shared>> -> memref<1000xf32, #tpu.memory_space<vmem_shared>>
        %dma_wait3A_54 = arith.constant 5000 : i32
        %dma_wait3A_55 = tpu.memref_slice %arg8[%dma_wait3A_54] : memref<10000xf32, #tpu.memory_space<vmem_shared>> -> memref<1000xf32, #tpu.memory_space<vmem_shared>>
        tpu.wait_dma2 semaphore(%run_scoped3A : memref<!tpu.dma_semaphore, #tpu.memory_space<semaphore_mem>>) src(%arg12 : memref<1000xf32, #tpu.memory_space<vmem>>) dst(%dma_wait3A_55 : memref<1000xf32, #tpu.memory_space<vmem_shared>>)
        tpu.yield
      }) : () -> ()
      "tpu.region"() ({
        %run_scoped3A = tpu.sem_alloc : memref<!tpu.dma_semaphore, #tpu.memory_space<semaphore_mem>>
        %dma_start3A_49 = arith.constant 6000 : i32
        %dma_start3A_50 = tpu.memref_slice %arg8[%dma_start3A_49] : memref<10000xf32, #tpu.memory_space<vmem_shared>> -> memref<1000xf32, #tpu.memory_space<vmem_shared>>
        %dma_start3A_51 = arith.constant 6000 : i32
        %dma_start3A_52 = tpu.memref_slice %arg8[%dma_start3A_51] : memref<10000xf32, #tpu.memory_space<vmem_shared>> -> memref<1000xf32, #tpu.memory_space<vmem_shared>>
        tpu.enqueue_dma source(%arg12 : memref<1000xf32, #tpu.memory_space<vmem>>) target(%dma_start3A_52 : memref<1000xf32, #tpu.memory_space<vmem_shared>>) target_semaphore(%run_scoped3A : memref<!tpu.dma_semaphore, #tpu.memory_space<semaphore_mem>>)
        %dma_wait3A = arith.constant 6000 : i32
        %dma_wait3A_53 = tpu.memref_slice %arg8[%dma_wait3A] : memref<10000xf32, #tpu.memory_space<vmem_shared>> -> memref<1000xf32, #tpu.memory_space<vmem_shared>>
        %dma_wait3A_54 = arith.constant 6000 : i32
        %dma_wait3A_55 = tpu.memref_slice %arg8[%dma_wait3A_54] : memref<10000xf32, #tpu.memory_space<vmem_shared>> -> memref<1000xf32, #tpu.memory_space<vmem_shared>>
        tpu.wait_dma2 semaphore(%run_scoped3A : memref<!tpu.dma_semaphore, #tpu.memory_space<semaphore_mem>>) src(%arg12 : memref<1000xf32, #tpu.memory_space<vmem>>) dst(%dma_wait3A_55 : memref<1000xf32, #tpu.memory_space<vmem_shared>>)
        tpu.yield
      }) : () -> ()
      "tpu.region"() ({
        %run_scoped3A = tpu.sem_alloc : memref<!tpu.dma_semaphore, #tpu.memory_space<semaphore_mem>>
        %dma_start3A_49 = arith.constant 7000 : i32
        %dma_start3A_50 = tpu.memref_slice %arg8[%dma_start3A_49] : memref<10000xf32, #tpu.memory_space<vmem_shared>> -> memref<1000xf32, #tpu.memory_space<vmem_shared>>
        %dma_start3A_51 = arith.constant 7000 : i32
        %dma_start3A_52 = tpu.memref_slice %arg8[%dma_start3A_51] : memref<10000xf32, #tpu.memory_space<vmem_shared>> -> memref<1000xf32, #tpu.memory_space<vmem_shared>>
        tpu.enqueue_dma source(%arg12 : memref<1000xf32, #tpu.memory_space<vmem>>) target(%dma_start3A_52 : memref<1000xf32, #tpu.memory_space<vmem_shared>>) target_semaphore(%run_scoped3A : memref<!tpu.dma_semaphore, #tpu.memory_space<semaphore_mem>>)
        %dma_wait3A = arith.constant 7000 : i32
        %dma_wait3A_53 = tpu.memref_slice %arg8[%dma_wait3A] : memref<10000xf32, #tpu.memory_space<vmem_shared>> -> memref<1000xf32, #tpu.memory_space<vmem_shared>>
        %dma_wait3A_54 = arith.constant 7000 : i32
        %dma_wait3A_55 = tpu.memref_slice %arg8[%dma_wait3A_54] : memref<10000xf32, #tpu.memory_space<vmem_shared>> -> memref<1000xf32, #tpu.memory_space<vmem_shared>>
        tpu.wait_dma2 semaphore(%run_scoped3A : memref<!tpu.dma_semaphore, #tpu.memory_space<semaphore_mem>>) src(%arg12 : memref<1000xf32, #tpu.memory_space<vmem>>) dst(%dma_wait3A_55 : memref<1000xf32, #tpu.memory_space<vmem_shared>>)
        tpu.yield
      }) : () -> ()
      "tpu.region"() ({
        %run_scoped3A = tpu.sem_alloc : memref<!tpu.dma_semaphore, #tpu.memory_space<semaphore_mem>>
        %dma_start3A_49 = arith.constant 8000 : i32
        %dma_start3A_50 = tpu.memref_slice %arg8[%dma_start3A_49] : memref<10000xf32, #tpu.memory_space<vmem_shared>> -> memref<1000xf32, #tpu.memory_space<vmem_shared>>
        %dma_start3A_51 = arith.constant 8000 : i32
        %dma_start3A_52 = tpu.memref_slice %arg8[%dma_start3A_51] : memref<10000xf32, #tpu.memory_space<vmem_shared>> -> memref<1000xf32, #tpu.memory_space<vmem_shared>>
        tpu.enqueue_dma source(%arg12 : memref<1000xf32, #tpu.memory_space<vmem>>) target(%dma_start3A_52 : memref<1000xf32, #tpu.memory_space<vmem_shared>>) target_semaphore(%run_scoped3A : memref<!tpu.dma_semaphore, #tpu.memory_space<semaphore_mem>>)
        %dma_wait3A = arith.constant 8000 : i32
        %dma_wait3A_53 = tpu.memref_slice %arg8[%dma_wait3A] : memref<10000xf32, #tpu.memory_space<vmem_shared>> -> memref<1000xf32, #tpu.memory_space<vmem_shared>>
        %dma_wait3A_54 = arith.constant 8000 : i32
        %dma_wait3A_55 = tpu.memref_slice %arg8[%dma_wait3A_54] : memref<10000xf32, #tpu.memory_space<vmem_shared>> -> memref<1000xf32, #tpu.memory_space<vmem_shared>>
        tpu.wait_dma2 semaphore(%run_scoped3A : memref<!tpu.dma_semaphore, #tpu.memory_space<semaphore_mem>>) src(%arg12 : memref<1000xf32, #tpu.memory_space<vmem>>) dst(%dma_wait3A_55 : memref<1000xf32, #tpu.memory_space<vmem_shared>>)
        tpu.yield
      }) : () -> ()
      "tpu.region"() ({
        %run_scoped3A = tpu.sem_alloc : memref<!tpu.dma_semaphore, #tpu.memory_space<semaphore_mem>>
        %dma_start3A_49 = arith.constant 9000 : i32
        %dma_start3A_50 = tpu.memref_slice %arg8[%dma_start3A_49] : memref<10000xf32, #tpu.memory_space<vmem_shared>> -> memref<1000xf32, #tpu.memory_space<vmem_shared>>
        %dma_start3A_51 = arith.constant 9000 : i32
        %dma_start3A_52 = tpu.memref_slice %arg8[%dma_start3A_51] : memref<10000xf32, #tpu.memory_space<vmem_shared>> -> memref<1000xf32, #tpu.memory_space<vmem_shared>>
        tpu.enqueue_dma source(%arg12 : memref<1000xf32, #tpu.memory_space<vmem>>) target(%dma_start3A_52 : memref<1000xf32, #tpu.memory_space<vmem_shared>>) target_semaphore(%run_scoped3A : memref<!tpu.dma_semaphore, #tpu.memory_space<semaphore_mem>>)
        %dma_wait3A = arith.constant 9000 : i32
        %dma_wait3A_53 = tpu.memref_slice %arg8[%dma_wait3A] : memref<10000xf32, #tpu.memory_space<vmem_shared>> -> memref<1000xf32, #tpu.memory_space<vmem_shared>>
        %dma_wait3A_54 = arith.constant 9000 : i32
        %dma_wait3A_55 = tpu.memref_slice %arg8[%dma_wait3A_54] : memref<10000xf32, #tpu.memory_space<vmem_shared>> -> memref<1000xf32, #tpu.memory_space<vmem_shared>>
        tpu.wait_dma2 semaphore(%run_scoped3A : memref<!tpu.dma_semaphore, #tpu.memory_space<semaphore_mem>>) src(%arg12 : memref<1000xf32, #tpu.memory_space<vmem>>) dst(%dma_wait3A_55 : memref<1000xf32, #tpu.memory_space<vmem_shared>>)
        tpu.yield
      }) : () -> ()
    } else {
    }
    "tpu.region"() ({
      %run_scoped3A = tpu.sem_alloc : memref<!tpu.dma_semaphore, #tpu.memory_space<semaphore_mem>>
      %dma_start3A_49 = arith.constant 0 : i32
      %dma_start3A_50 = arith.constant 0 : i32
      %dma_start3A_51 = tpu.memref_slice %arg3[%add3A, %dma_start3A_49, %dma_start3A_50] : memref<32x125x80xi32, #tpu.memory_space<hbm>> -> memref<1x125x80xi32, #tpu.memory_space<hbm>>
      %dma_start3A_52 = tpu.memref_squeeze %dma_start3A_51 : memref<1x125x80xi32, #tpu.memory_space<hbm>> -> memref<125x80xi32, #tpu.memory_space<hbm>>
      %dma_start3A_53 = arith.constant 0 : i32
      %dma_start3A_54 = arith.constant 0 : i32
      %dma_start3A_55 = tpu.memref_slice %arg3[%add3A, %dma_start3A_53, %dma_start3A_54] : memref<32x125x80xi32, #tpu.memory_space<hbm>> -> memref<1x125x80xi32, #tpu.memory_space<hbm>>
      %dma_start3A_56 = tpu.memref_squeeze %dma_start3A_55 : memref<1x125x80xi32, #tpu.memory_space<hbm>> -> memref<125x80xi32, #tpu.memory_space<hbm>>
      tpu.enqueue_dma source(%dma_start3A_56 : memref<125x80xi32, #tpu.memory_space<hbm>>) target(%arg9 : memref<125x80xi32, #tpu.memory_space<vmem>>) target_semaphore(%run_scoped3A : memref<!tpu.dma_semaphore, #tpu.memory_space<semaphore_mem>>)
      %dma_wait3A = arith.constant 0 : i32
      %dma_wait3A_57 = arith.constant 0 : i32
      %dma_wait3A_58 = tpu.memref_slice %arg3[%add3A, %dma_wait3A, %dma_wait3A_57] : memref<32x125x80xi32, #tpu.memory_space<hbm>> -> memref<1x125x80xi32, #tpu.memory_space<hbm>>
      %dma_wait3A_59 = tpu.memref_squeeze %dma_wait3A_58 : memref<1x125x80xi32, #tpu.memory_space<hbm>> -> memref<125x80xi32, #tpu.memory_space<hbm>>
      %dma_wait3A_60 = arith.constant 0 : i32
      %dma_wait3A_61 = arith.constant 0 : i32
      %dma_wait3A_62 = tpu.memref_slice %arg3[%add3A, %dma_wait3A_60, %dma_wait3A_61] : memref<32x125x80xi32, #tpu.memory_space<hbm>> -> memref<1x125x80xi32, #tpu.memory_space<hbm>>
      %dma_wait3A_63 = tpu.memref_squeeze %dma_wait3A_62 : memref<1x125x80xi32, #tpu.memory_space<hbm>> -> memref<125x80xi32, #tpu.memory_space<hbm>>
      tpu.wait_dma2 semaphore(%run_scoped3A : memref<!tpu.dma_semaphore, #tpu.memory_space<semaphore_mem>>) src(%dma_wait3A_63 : memref<125x80xi32, #tpu.memory_space<hbm>>) dst(%arg9 : memref<125x80xi32, #tpu.memory_space<vmem>>)
      tpu.yield
    }) : () -> ()
    "tpu.region"() ({
      %run_scoped3A = tpu.sem_alloc : memref<!tpu.dma_semaphore, #tpu.memory_space<semaphore_mem>>
      %dma_start3A_49 = tpu.memref_slice %arg4[%mul3A_2] : memref<320000xf32, #tpu.memory_space<hbm>> -> memref<10000xf32, #tpu.memory_space<hbm>>
      %dma_start3A_50 = tpu.memref_slice %arg4[%mul3A_2] : memref<320000xf32, #tpu.memory_space<hbm>> -> memref<10000xf32, #tpu.memory_space<hbm>>
      tpu.enqueue_dma source(%dma_start3A_50 : memref<10000xf32, #tpu.memory_space<hbm>>) target(%arg11 : memref<10000xf32, #tpu.memory_space<vmem>>) target_semaphore(%run_scoped3A : memref<!tpu.dma_semaphore, #tpu.memory_space<semaphore_mem>>)
      %dma_wait3A = tpu.memref_slice %arg4[%mul3A_2] : memref<320000xf32, #tpu.memory_space<hbm>> -> memref<10000xf32, #tpu.memory_space<hbm>>
      %dma_wait3A_51 = tpu.memref_slice %arg4[%mul3A_2] : memref<320000xf32, #tpu.memory_space<hbm>> -> memref<10000xf32, #tpu.memory_space<hbm>>
      tpu.wait_dma2 semaphore(%run_scoped3A : memref<!tpu.dma_semaphore, #tpu.memory_space<semaphore_mem>>) src(%dma_wait3A_51 : memref<10000xf32, #tpu.memory_space<hbm>>) dst(%arg11 : memref<10000xf32, #tpu.memory_space<vmem>>)
      tpu.yield
    }) : () -> ()
    %barrier3A = arith.constant 0 : index
    tpu.barrier barrier_id(%barrier3A)
    %add3A_20 = arith.constant 0 : i32
    %add3A_21 = arith.addi %mul3A_2, %add3A_20 : i32
    %dma_start3A = arith.constant 0 : i32
    %dma_start3A_22 = arith.constant 0 : i32
    %dma_start3A_23 = arith.constant 0 : i32
    %dma_start3A_24 = arith.constant 0 : i32
    %dma_start3A_25 = tpu.memref_slice %arg10[%dma_start3A, %dma_start3A_23, %dma_start3A_24] : memref<2x80x128xf32, #tpu.memory_space<vmem>> -> memref<1x80x128xf32, #tpu.memory_space<vmem>>
    %dma_start3A_26 = tpu.memref_squeeze %dma_start3A_25 : memref<1x80x128xf32, #tpu.memory_space<vmem>> -> memref<80x128xf32, #tpu.memory_space<vmem>>
    %dma_start3A_27 = arith.constant 0 : i32
    %dma_start3A_28 = tpu.memref_slice %arg2[%add3A_21, %dma_start3A_27] : memref<320000x128xf32, #tpu.memory_space<hbm>> -> memref<80x128xf32, #tpu.memory_space<hbm>>
    %dma_start3A_29 = tpu.memref_slice %arg13[%dma_start3A_22] : memref<2x!tpu.dma_semaphore, #tpu.memory_space<semaphore_mem>> -> memref<1x!tpu.dma_semaphore, #tpu.memory_space<semaphore_mem>>
    %dma_start3A_30 = tpu.memref_squeeze %dma_start3A_29 : memref<1x!tpu.dma_semaphore, #tpu.memory_space<semaphore_mem>> -> memref<!tpu.dma_semaphore, #tpu.memory_space<semaphore_mem>>
    %dma_start3A_31 = arith.constant 0 : i32
    %dma_start3A_32 = arith.constant 0 : i32
    %dma_start3A_33 = tpu.memref_slice %arg10[%dma_start3A, %dma_start3A_31, %dma_start3A_32] : memref<2x80x128xf32, #tpu.memory_space<vmem>> -> memref<1x80x128xf32, #tpu.memory_space<vmem>>
    %dma_start3A_34 = tpu.memref_squeeze %dma_start3A_33 : memref<1x80x128xf32, #tpu.memory_space<vmem>> -> memref<80x128xf32, #tpu.memory_space<vmem>>
    %dma_start3A_35 = arith.constant 0 : i32
    %dma_start3A_36 = tpu.memref_slice %arg2[%add3A_21, %dma_start3A_35] : memref<320000x128xf32, #tpu.memory_space<hbm>> -> memref<80x128xf32, #tpu.memory_space<hbm>>
    tpu.enqueue_dma source(%dma_start3A_36 : memref<80x128xf32, #tpu.memory_space<hbm>>) target(%dma_start3A_34 : memref<80x128xf32, #tpu.memory_space<vmem>>) target_semaphore(%dma_start3A_30 : memref<!tpu.dma_semaphore, #tpu.memory_space<semaphore_mem>>)
    %scan3A_37 = arith.constant 0 : i32
    %scan3A_38 = arith.constant 0 : i32
    %scan3A_39 = arith.constant 125 : i32
    %scan3A_40 = arith.addi %scan3A_38, %scan3A_39 : i32
    %scan3A_41 = arith.constant 1 : i32
    scf.for %scan3A_49 = %scan3A_38 to %scan3A_40 step %scan3A_41  : i32 {
      %rem3A = arith.constant 2 : i32
      %rem3A_50 = arith.remsi %scan3A_49, %rem3A : i32
      %sub3A = arith.constant 1 : i32
      %sub3A_51 = arith.subi %sub3A, %rem3A_50 : i32
      %add3A_52 = arith.constant 1 : i32
      %add3A_53 = arith.addi %scan3A_49, %add3A_52 : i32
      %lt3A_54 = arith.constant 125 : i32
      %lt3A_55 = arith.cmpi slt, %add3A_53, %lt3A_54 : i32
      %convert_element_type3A_56 = arith.extui %lt3A_55 : i1 to i32
      %cond3A_57 = arith.constant 0 : i32
      %cond3A_58 = arith.cmpi ne, %convert_element_type3A_56, %cond3A_57 : i32
      scf.if %cond3A_58 {
        %add3A_74 = arith.constant 1 : i32
        %add3A_75 = arith.addi %scan3A_49, %add3A_74 : i32
        %mul3A_76 = arith.constant 80 : i32
        %mul3A_77 = arith.muli %add3A_75, %mul3A_76 : i32
        %add3A_78 = arith.addi %mul3A_2, %mul3A_77 : i32
        %dma_start3A_79 = arith.constant 0 : i32
        %dma_start3A_80 = arith.constant 0 : i32
        %dma_start3A_81 = tpu.memref_slice %arg10[%sub3A_51, %dma_start3A_79, %dma_start3A_80] : memref<2x80x128xf32, #tpu.memory_space<vmem>> -> memref<1x80x128xf32, #tpu.memory_space<vmem>>
        %dma_start3A_82 = tpu.memref_squeeze %dma_start3A_81 : memref<1x80x128xf32, #tpu.memory_space<vmem>> -> memref<80x128xf32, #tpu.memory_space<vmem>>
        %dma_start3A_83 = arith.constant 0 : i32
        %dma_start3A_84 = tpu.memref_slice %arg2[%add3A_78, %dma_start3A_83] : memref<320000x128xf32, #tpu.memory_space<hbm>> -> memref<80x128xf32, #tpu.memory_space<hbm>>
        %dma_start3A_85 = tpu.memref_slice %arg13[%sub3A_51] : memref<2x!tpu.dma_semaphore, #tpu.memory_space<semaphore_mem>> -> memref<1x!tpu.dma_semaphore, #tpu.memory_space<semaphore_mem>>
        %dma_start3A_86 = tpu.memref_squeeze %dma_start3A_85 : memref<1x!tpu.dma_semaphore, #tpu.memory_space<semaphore_mem>> -> memref<!tpu.dma_semaphore, #tpu.memory_space<semaphore_mem>>
        %dma_start3A_87 = arith.constant 0 : i32
        %dma_start3A_88 = arith.constant 0 : i32
        %dma_start3A_89 = tpu.memref_slice %arg10[%sub3A_51, %dma_start3A_87, %dma_start3A_88] : memref<2x80x128xf32, #tpu.memory_space<vmem>> -> memref<1x80x128xf32, #tpu.memory_space<vmem>>
        %dma_start3A_90 = tpu.memref_squeeze %dma_start3A_89 : memref<1x80x128xf32, #tpu.memory_space<vmem>> -> memref<80x128xf32, #tpu.memory_space<vmem>>
        %dma_start3A_91 = arith.constant 0 : i32
        %dma_start3A_92 = tpu.memref_slice %arg2[%add3A_78, %dma_start3A_91] : memref<320000x128xf32, #tpu.memory_space<hbm>> -> memref<80x128xf32, #tpu.memory_space<hbm>>
        tpu.enqueue_dma source(%dma_start3A_92 : memref<80x128xf32, #tpu.memory_space<hbm>>) target(%dma_start3A_90 : memref<80x128xf32, #tpu.memory_space<vmem>>) target_semaphore(%dma_start3A_86 : memref<!tpu.dma_semaphore, #tpu.memory_space<semaphore_mem>>)
      } else {
      }
      %dma_wait3A = arith.constant 0 : i32
      %dma_wait3A_59 = arith.constant 0 : i32
      %dma_wait3A_60 = tpu.memref_slice %arg10[%rem3A_50, %dma_wait3A, %dma_wait3A_59] : memref<2x80x128xf32, #tpu.memory_space<vmem>> -> memref<1x80x128xf32, #tpu.memory_space<vmem>>
      %dma_wait3A_61 = tpu.memref_squeeze %dma_wait3A_60 : memref<1x80x128xf32, #tpu.memory_space<vmem>> -> memref<80x128xf32, #tpu.memory_space<vmem>>
      %dma_wait3A_62 = arith.constant 0 : i32
      %dma_wait3A_63 = tpu.memref_slice %arg2[%mul3A_2, %dma_wait3A_62] : memref<320000x128xf32, #tpu.memory_space<hbm>> -> memref<80x128xf32, #tpu.memory_space<hbm>>
      %dma_wait3A_64 = tpu.memref_slice %arg13[%rem3A_50] : memref<2x!tpu.dma_semaphore, #tpu.memory_space<semaphore_mem>> -> memref<1x!tpu.dma_semaphore, #tpu.memory_space<semaphore_mem>>
      %dma_wait3A_65 = tpu.memref_squeeze %dma_wait3A_64 : memref<1x!tpu.dma_semaphore, #tpu.memory_space<semaphore_mem>> -> memref<!tpu.dma_semaphore, #tpu.memory_space<semaphore_mem>>
      %dma_wait3A_66 = arith.constant 0 : i32
      %dma_wait3A_67 = arith.constant 0 : i32
      %dma_wait3A_68 = tpu.memref_slice %arg10[%rem3A_50, %dma_wait3A_66, %dma_wait3A_67] : memref<2x80x128xf32, #tpu.memory_space<vmem>> -> memref<1x80x128xf32, #tpu.memory_space<vmem>>
      %dma_wait3A_69 = tpu.memref_squeeze %dma_wait3A_68 : memref<1x80x128xf32, #tpu.memory_space<vmem>> -> memref<80x128xf32, #tpu.memory_space<vmem>>
      %dma_wait3A_70 = arith.constant 0 : i32
      %dma_wait3A_71 = tpu.memref_slice %arg2[%mul3A_2, %dma_wait3A_70] : memref<320000x128xf32, #tpu.memory_space<hbm>> -> memref<80x128xf32, #tpu.memory_space<hbm>>
      tpu.wait_dma2 semaphore(%dma_wait3A_65 : memref<!tpu.dma_semaphore, #tpu.memory_space<semaphore_mem>>) src(%dma_wait3A_71 : memref<80x128xf32, #tpu.memory_space<hbm>>) dst(%dma_wait3A_69 : memref<80x128xf32, #tpu.memory_space<vmem>>)
      "tpu.region"() ({
        %run_scoped3A = tpu.sem_alloc : memref<!tpu.dma_semaphore, #tpu.memory_space<semaphore_mem>>
        %dma_start3A_74 = arith.constant 0 : i32
        %dma_start3A_75 = arith.constant 0 : i32
        %dma_start3A_76 = tpu.memref_slice %arg10[%rem3A_50, %dma_start3A_74, %dma_start3A_75] : memref<2x80x128xf32, #tpu.memory_space<vmem>> -> memref<1x80x128xf32, #tpu.memory_space<vmem>>
        %dma_start3A_77 = tpu.memref_squeeze %dma_start3A_76 : memref<1x80x128xf32, #tpu.memory_space<vmem>> -> memref<80x128xf32, #tpu.memory_space<vmem>>
        %dma_start3A_78 = arith.constant 0 : i32
        %dma_start3A_79 = tpu.memref_slice %arg9[%scan3A_49, %dma_start3A_78] : memref<125x80xi32, #tpu.memory_space<vmem>> -> memref<1x80xi32, #tpu.memory_space<vmem>>
        %dma_start3A_80 = tpu.memref_squeeze %dma_start3A_79 : memref<1x80xi32, #tpu.memory_space<vmem>> -> memref<80xi32, #tpu.memory_space<vmem>>
        %dma_start3A_81 = arith.constant 0 : i32
        %dma_start3A_82 = arith.constant 0 : i32
        %dma_start3A_83 = tpu.memref_slice %arg7[%dma_start3A_81, %dma_start3A_82] : memref<10000x128xf32, #tpu.memory_space<vmem_shared>> -> memref<10000x128xf32, #tpu.memory_space<vmem_shared>>
        tpu.enqueue_indirect_dma source(%dma_start3A_77 : memref<80x128xf32, #tpu.memory_space<vmem>>) target(%dma_start3A_83 : memref<10000x128xf32, #tpu.memory_space<vmem_shared>>) offsets(%dma_start3A_80 : memref<80xi32, #tpu.memory_space<vmem>>) semaphore(%run_scoped3A : memref<!tpu.dma_semaphore, #tpu.memory_space<semaphore_mem>>) {add = true}
        %dma_wait3A_84 = arith.constant 0 : i32
        %dma_wait3A_85 = arith.constant 0 : i32
        %dma_wait3A_86 = tpu.memref_slice %arg10[%rem3A_50, %dma_wait3A_84, %dma_wait3A_85] : memref<2x80x128xf32, #tpu.memory_space<vmem>> -> memref<1x80x128xf32, #tpu.memory_space<vmem>>
        %dma_wait3A_87 = tpu.memref_squeeze %dma_wait3A_86 : memref<1x80x128xf32, #tpu.memory_space<vmem>> -> memref<80x128xf32, #tpu.memory_space<vmem>>
        %dma_wait3A_88 = arith.constant 0 : i32
        %dma_wait3A_89 = tpu.memref_slice %arg9[%scan3A_49, %dma_wait3A_88] : memref<125x80xi32, #tpu.memory_space<vmem>> -> memref<1x80xi32, #tpu.memory_space<vmem>>
        %dma_wait3A_90 = tpu.memref_squeeze %dma_wait3A_89 : memref<1x80xi32, #tpu.memory_space<vmem>> -> memref<80xi32, #tpu.memory_space<vmem>>
        %dma_wait3A_91 = arith.constant 0 : i32
        %dma_wait3A_92 = arith.constant 0 : i32
        %dma_wait3A_93 = tpu.memref_slice %arg7[%dma_wait3A_91, %dma_wait3A_92] : memref<10000x128xf32, #tpu.memory_space<vmem_shared>> -> memref<10000x128xf32, #tpu.memory_space<vmem_shared>>
        tpu.wait_indirect_dma semaphore(%run_scoped3A : memref<!tpu.dma_semaphore, #tpu.memory_space<semaphore_mem>>) src(%dma_wait3A_87 : memref<80x128xf32, #tpu.memory_space<vmem>>) dst(%dma_wait3A_93 : memref<10000x128xf32, #tpu.memory_space<vmem_shared>>)
        tpu.yield
      }) : () -> ()
      %mul3A_72 = arith.constant 80 : i32
      %mul3A_73 = arith.muli %scan3A_49, %mul3A_72 : i32
      "tpu.region"() ({
        %run_scoped3A = tpu.sem_alloc : memref<!tpu.dma_semaphore, #tpu.memory_space<semaphore_mem>>
        %dma_start3A_74 = tpu.memref_slice %arg11[%mul3A_73] : memref<10000xf32, #tpu.memory_space<vmem>> -> memref<80xf32, #tpu.memory_space<vmem>>
        %dma_start3A_75 = arith.constant 0 : i32
        %dma_start3A_76 = tpu.memref_slice %arg9[%scan3A_49, %dma_start3A_75] : memref<125x80xi32, #tpu.memory_space<vmem>> -> memref<1x80xi32, #tpu.memory_space<vmem>>
        %dma_start3A_77 = tpu.memref_squeeze %dma_start3A_76 : memref<1x80xi32, #tpu.memory_space<vmem>> -> memref<80xi32, #tpu.memory_space<vmem>>
        %dma_start3A_78 = arith.constant 0 : i32
        %dma_start3A_79 = tpu.memref_slice %arg8[%dma_start3A_78] : memref<10000xf32, #tpu.memory_space<vmem_shared>> -> memref<10000xf32, #tpu.memory_space<vmem_shared>>
        tpu.enqueue_indirect_dma source(%dma_start3A_74 : memref<80xf32, #tpu.memory_space<vmem>>) target(%dma_start3A_79 : memref<10000xf32, #tpu.memory_space<vmem_shared>>) offsets(%dma_start3A_77 : memref<80xi32, #tpu.memory_space<vmem>>) semaphore(%run_scoped3A : memref<!tpu.dma_semaphore, #tpu.memory_space<semaphore_mem>>) {add = true}
        %dma_wait3A_80 = tpu.memref_slice %arg11[%mul3A_73] : memref<10000xf32, #tpu.memory_space<vmem>> -> memref<80xf32, #tpu.memory_space<vmem>>
        %dma_wait3A_81 = arith.constant 0 : i32
        %dma_wait3A_82 = tpu.memref_slice %arg9[%scan3A_49, %dma_wait3A_81] : memref<125x80xi32, #tpu.memory_space<vmem>> -> memref<1x80xi32, #tpu.memory_space<vmem>>
        %dma_wait3A_83 = tpu.memref_squeeze %dma_wait3A_82 : memref<1x80xi32, #tpu.memory_space<vmem>> -> memref<80xi32, #tpu.memory_space<vmem>>
        %dma_wait3A_84 = arith.constant 0 : i32
        %dma_wait3A_85 = tpu.memref_slice %arg8[%dma_wait3A_84] : memref<10000xf32, #tpu.memory_space<vmem_shared>> -> memref<10000xf32, #tpu.memory_space<vmem_shared>>
        tpu.wait_indirect_dma semaphore(%run_scoped3A : memref<!tpu.dma_semaphore, #tpu.memory_space<semaphore_mem>>) src(%dma_wait3A_80 : memref<80xf32, #tpu.memory_space<vmem>>) dst(%dma_wait3A_85 : memref<10000xf32, #tpu.memory_space<vmem_shared>>)
        tpu.yield
      }) : () -> ()
    }
    %scan3A_42 = arith.constant 125 : i32
    %barrier3A_43 = arith.constant 0 : index
    tpu.barrier barrier_id(%barrier3A_43)
    %lt3A_44 = arith.constant 10 : i32
    %lt3A_45 = arith.cmpi slt, %arg1, %lt3A_44 : i32
    %convert_element_type3A_46 = arith.extui %lt3A_45 : i1 to i32
    %cond3A_47 = arith.constant 0 : i32
    %cond3A_48 = arith.cmpi ne, %convert_element_type3A_46, %cond3A_47 : i32
    scf.if %cond3A_48 {
      %mul3A_49 = arith.constant 1000 : i32
      %mul3A_50 = arith.muli %arg1, %mul3A_49 : i32
      "tpu.region"() ({
        %run_scoped3A = tpu.sem_alloc : memref<!tpu.dma_semaphore, #tpu.memory_space<semaphore_mem>>
        %dma_start3A_54 = arith.constant 0 : i32
        %dma_start3A_55 = tpu.memref_slice %arg5[%arg0, %mul3A_50, %dma_start3A_54] : memref<2x10000x128xf32, #tpu.memory_space<hbm>> -> memref<1x1000x128xf32, #tpu.memory_space<hbm>>
        %dma_start3A_56 = tpu.memref_squeeze %dma_start3A_55 : memref<1x1000x128xf32, #tpu.memory_space<hbm>> -> memref<1000x128xf32, #tpu.memory_space<hbm>>
        %dma_start3A_57 = arith.constant 0 : i32
        %dma_start3A_58 = tpu.memref_slice %arg7[%mul3A_50, %dma_start3A_57] : memref<10000x128xf32, #tpu.memory_space<vmem_shared>> -> memref<1000x128xf32, #tpu.memory_space<vmem_shared>>
        tpu.enqueue_dma source(%dma_start3A_58 : memref<1000x128xf32, #tpu.memory_space<vmem_shared>>) target(%dma_start3A_56 : memref<1000x128xf32, #tpu.memory_space<hbm>>) target_semaphore(%run_scoped3A : memref<!tpu.dma_semaphore, #tpu.memory_space<semaphore_mem>>)
        %dma_wait3A = arith.constant 0 : i32
        %dma_wait3A_59 = tpu.memref_slice %arg5[%arg0, %mul3A_50, %dma_wait3A] : memref<2x10000x128xf32, #tpu.memory_space<hbm>> -> memref<1x1000x128xf32, #tpu.memory_space<hbm>>
        %dma_wait3A_60 = tpu.memref_squeeze %dma_wait3A_59 : memref<1x1000x128xf32, #tpu.memory_space<hbm>> -> memref<1000x128xf32, #tpu.memory_space<hbm>>
        %dma_wait3A_61 = arith.constant 0 : i32
        %dma_wait3A_62 = tpu.memref_slice %arg7[%mul3A_50, %dma_wait3A_61] : memref<10000x128xf32, #tpu.memory_space<vmem_shared>> -> memref<1000x128xf32, #tpu.memory_space<vmem_shared>>
        tpu.wait_dma2 semaphore(%run_scoped3A : memref<!tpu.dma_semaphore, #tpu.memory_space<semaphore_mem>>) src(%dma_wait3A_62 : memref<1000x128xf32, #tpu.memory_space<vmem_shared>>) dst(%dma_wait3A_60 : memref<1000x128xf32, #tpu.memory_space<hbm>>)
        tpu.yield
      }) : () -> ()
      "tpu.region"() ({
        %run_scoped3A = tpu.sem_alloc : memref<!tpu.dma_semaphore, #tpu.memory_space<semaphore_mem>>
        %dma_start3A_54 = tpu.memref_slice %arg8[%mul3A_50] : memref<10000xf32, #tpu.memory_space<vmem_shared>> -> memref<1000xf32, #tpu.memory_space<vmem_shared>>
        %dma_start3A_55 = tpu.memref_slice %arg8[%mul3A_50] : memref<10000xf32, #tpu.memory_space<vmem_shared>> -> memref<1000xf32, #tpu.memory_space<vmem_shared>>
        tpu.enqueue_dma source(%dma_start3A_55 : memref<1000xf32, #tpu.memory_space<vmem_shared>>) target(%arg12 : memref<1000xf32, #tpu.memory_space<vmem>>) target_semaphore(%run_scoped3A : memref<!tpu.dma_semaphore, #tpu.memory_space<semaphore_mem>>)
        %dma_wait3A = tpu.memref_slice %arg8[%mul3A_50] : memref<10000xf32, #tpu.memory_space<vmem_shared>> -> memref<1000xf32, #tpu.memory_space<vmem_shared>>
        %dma_wait3A_56 = tpu.memref_slice %arg8[%mul3A_50] : memref<10000xf32, #tpu.memory_space<vmem_shared>> -> memref<1000xf32, #tpu.memory_space<vmem_shared>>
        tpu.wait_dma2 semaphore(%run_scoped3A : memref<!tpu.dma_semaphore, #tpu.memory_space<semaphore_mem>>) src(%dma_wait3A_56 : memref<1000xf32, #tpu.memory_space<vmem_shared>>) dst(%arg12 : memref<1000xf32, #tpu.memory_space<vmem>>)
        tpu.yield
      }) : () -> ()
      %mul3A_51 = arith.constant 10000 : i32
      %mul3A_52 = arith.muli %arg0, %mul3A_51 : i32
      %add3A_53 = arith.addi %mul3A_52, %mul3A_50 : i32
      "tpu.region"() ({
        %run_scoped3A = tpu.sem_alloc : memref<!tpu.dma_semaphore, #tpu.memory_space<semaphore_mem>>
        %dma_start3A_54 = tpu.memref_slice %arg6[%add3A_53] : memref<20000xf32, #tpu.memory_space<hbm>> -> memref<1000xf32, #tpu.memory_space<hbm>>
        %dma_start3A_55 = tpu.memref_slice %arg6[%add3A_53] : memref<20000xf32, #tpu.memory_space<hbm>> -> memref<1000xf32, #tpu.memory_space<hbm>>
        tpu.enqueue_dma source(%arg12 : memref<1000xf32, #tpu.memory_space<vmem>>) target(%dma_start3A_55 : memref<1000xf32, #tpu.memory_space<hbm>>) target_semaphore(%run_scoped3A : memref<!tpu.dma_semaphore, #tpu.memory_space<semaphore_mem>>)
        %dma_wait3A = tpu.memref_slice %arg6[%add3A_53] : memref<20000xf32, #tpu.memory_space<hbm>> -> memref<1000xf32, #tpu.memory_space<hbm>>
        %dma_wait3A_56 = tpu.memref_slice %arg6[%add3A_53] : memref<20000xf32, #tpu.memory_space<hbm>> -> memref<1000xf32, #tpu.memory_space<hbm>>
        tpu.wait_dma2 semaphore(%run_scoped3A : memref<!tpu.dma_semaphore, #tpu.memory_space<semaphore_mem>>) src(%arg12 : memref<1000xf32, #tpu.memory_space<vmem>>) dst(%dma_wait3A_56 : memref<1000xf32, #tpu.memory_space<hbm>>)
        tpu.yield
      }) : () -> ()
    } else {
    }
    return
  }
}

#map = affine_map<(d0, d1) -> (0, 0)>
#map1 = affine_map<(d0, d1) -> (0, 0, 0)>
module attributes {stable_mosaic.version = 14 : i64} {
  func.func @_edge_gather_body(%arg0: i32, %arg1: i32, %arg2: memref<10000x128xi32, #tpu.memory_space<hbm>>, %arg3: memref<10000x128xf32, #tpu.memory_space<hbm>>, %arg4: memref<32x125x80xi32, #tpu.memory_space<hbm>>, %arg5: memref<32x125x80xi32, #tpu.memory_space<hbm>>, %arg6: memref<320000x128xi32, #tpu.memory_space<hbm>>, %arg7: memref<320000x128xf32, #tpu.memory_space<hbm>>, %arg8: memref<125x80xi32, #tpu.memory_space<vmem>>, %arg9: memref<125x80xi32, #tpu.memory_space<vmem>>, %arg10: memref<2x80x128xi32, #tpu.memory_space<vmem>>, %arg11: memref<2x80x128xf32, #tpu.memory_space<vmem>>, %arg12: memref<2x!tpu.dma_semaphore, #tpu.memory_space<semaphore_mem>>, %arg13: memref<2x!tpu.dma_semaphore, #tpu.memory_space<semaphore_mem>>, %arg14: memref<2x!tpu.dma_semaphore, #tpu.memory_space<semaphore_mem>>, %arg15: memref<2x!tpu.dma_semaphore, #tpu.memory_space<semaphore_mem>>) attributes {dimension_semantics = [#tpu.dimension_semantics<core_parallel>, #tpu.dimension_semantics<subcore_parallel>], iteration_bounds = array<i64: 2, 16>, scalar_prefetch = 0 : i64, scratch_operands = 8 : i64, tpu.core_type = #tpu.core_type<sc_vector_subcore>, window_params = [{transform_indices = #map}, {transform_indices = #map}, {transform_indices = #map1}, {transform_indices = #map1}, {transform_indices = #map}, {transform_indices = #map}]} {
    %mul3A = arith.constant 2 : i32
    %mul3A_0 = arith.muli %arg1, %mul3A : i32
    %add3A = arith.addi %mul3A_0, %arg0 : i32
    %mul3A_1 = arith.constant 10000 : i32
    %mul3A_2 = arith.muli %add3A, %mul3A_1 : i32
    "tpu.region"() ({
      %run_scoped3A = tpu.sem_alloc : memref<!tpu.dma_semaphore, #tpu.memory_space<semaphore_mem>>
      %dma_start3A_100 = arith.constant 0 : i32
      %dma_start3A_101 = arith.constant 0 : i32
      %dma_start3A_102 = tpu.memref_slice %arg4[%add3A, %dma_start3A_100, %dma_start3A_101] : memref<32x125x80xi32, #tpu.memory_space<hbm>> -> memref<1x125x80xi32, #tpu.memory_space<hbm>>
      %dma_start3A_103 = tpu.memref_squeeze %dma_start3A_102 : memref<1x125x80xi32, #tpu.memory_space<hbm>> -> memref<125x80xi32, #tpu.memory_space<hbm>>
      %dma_start3A_104 = arith.constant 0 : i32
      %dma_start3A_105 = arith.constant 0 : i32
      %dma_start3A_106 = tpu.memref_slice %arg4[%add3A, %dma_start3A_104, %dma_start3A_105] : memref<32x125x80xi32, #tpu.memory_space<hbm>> -> memref<1x125x80xi32, #tpu.memory_space<hbm>>
      %dma_start3A_107 = tpu.memref_squeeze %dma_start3A_106 : memref<1x125x80xi32, #tpu.memory_space<hbm>> -> memref<125x80xi32, #tpu.memory_space<hbm>>
      tpu.enqueue_dma source(%dma_start3A_107 : memref<125x80xi32, #tpu.memory_space<hbm>>) target(%arg8 : memref<125x80xi32, #tpu.memory_space<vmem>>) target_semaphore(%run_scoped3A : memref<!tpu.dma_semaphore, #tpu.memory_space<semaphore_mem>>)
      %dma_wait3A_108 = arith.constant 0 : i32
      %dma_wait3A_109 = arith.constant 0 : i32
      %dma_wait3A_110 = tpu.memref_slice %arg4[%add3A, %dma_wait3A_108, %dma_wait3A_109] : memref<32x125x80xi32, #tpu.memory_space<hbm>> -> memref<1x125x80xi32, #tpu.memory_space<hbm>>
      %dma_wait3A_111 = tpu.memref_squeeze %dma_wait3A_110 : memref<1x125x80xi32, #tpu.memory_space<hbm>> -> memref<125x80xi32, #tpu.memory_space<hbm>>
      %dma_wait3A_112 = arith.constant 0 : i32
      %dma_wait3A_113 = arith.constant 0 : i32
      %dma_wait3A_114 = tpu.memref_slice %arg4[%add3A, %dma_wait3A_112, %dma_wait3A_113] : memref<32x125x80xi32, #tpu.memory_space<hbm>> -> memref<1x125x80xi32, #tpu.memory_space<hbm>>
      %dma_wait3A_115 = tpu.memref_squeeze %dma_wait3A_114 : memref<1x125x80xi32, #tpu.memory_space<hbm>> -> memref<125x80xi32, #tpu.memory_space<hbm>>
      tpu.wait_dma2 semaphore(%run_scoped3A : memref<!tpu.dma_semaphore, #tpu.memory_space<semaphore_mem>>) src(%dma_wait3A_115 : memref<125x80xi32, #tpu.memory_space<hbm>>) dst(%arg8 : memref<125x80xi32, #tpu.memory_space<vmem>>)
      tpu.yield
    }) : () -> ()
    "tpu.region"() ({
      %run_scoped3A = tpu.sem_alloc : memref<!tpu.dma_semaphore, #tpu.memory_space<semaphore_mem>>
      %dma_start3A_100 = arith.constant 0 : i32
      %dma_start3A_101 = arith.constant 0 : i32
      %dma_start3A_102 = tpu.memref_slice %arg5[%add3A, %dma_start3A_100, %dma_start3A_101] : memref<32x125x80xi32, #tpu.memory_space<hbm>> -> memref<1x125x80xi32, #tpu.memory_space<hbm>>
      %dma_start3A_103 = tpu.memref_squeeze %dma_start3A_102 : memref<1x125x80xi32, #tpu.memory_space<hbm>> -> memref<125x80xi32, #tpu.memory_space<hbm>>
      %dma_start3A_104 = arith.constant 0 : i32
      %dma_start3A_105 = arith.constant 0 : i32
      %dma_start3A_106 = tpu.memref_slice %arg5[%add3A, %dma_start3A_104, %dma_start3A_105] : memref<32x125x80xi32, #tpu.memory_space<hbm>> -> memref<1x125x80xi32, #tpu.memory_space<hbm>>
      %dma_start3A_107 = tpu.memref_squeeze %dma_start3A_106 : memref<1x125x80xi32, #tpu.memory_space<hbm>> -> memref<125x80xi32, #tpu.memory_space<hbm>>
      tpu.enqueue_dma source(%dma_start3A_107 : memref<125x80xi32, #tpu.memory_space<hbm>>) target(%arg9 : memref<125x80xi32, #tpu.memory_space<vmem>>) target_semaphore(%run_scoped3A : memref<!tpu.dma_semaphore, #tpu.memory_space<semaphore_mem>>)
      %dma_wait3A_108 = arith.constant 0 : i32
      %dma_wait3A_109 = arith.constant 0 : i32
      %dma_wait3A_110 = tpu.memref_slice %arg5[%add3A, %dma_wait3A_108, %dma_wait3A_109] : memref<32x125x80xi32, #tpu.memory_space<hbm>> -> memref<1x125x80xi32, #tpu.memory_space<hbm>>
      %dma_wait3A_111 = tpu.memref_squeeze %dma_wait3A_110 : memref<1x125x80xi32, #tpu.memory_space<hbm>> -> memref<125x80xi32, #tpu.memory_space<hbm>>
      %dma_wait3A_112 = arith.constant 0 : i32
      %dma_wait3A_113 = arith.constant 0 : i32
      %dma_wait3A_114 = tpu.memref_slice %arg5[%add3A, %dma_wait3A_112, %dma_wait3A_113] : memref<32x125x80xi32, #tpu.memory_space<hbm>> -> memref<1x125x80xi32, #tpu.memory_space<hbm>>
      %dma_wait3A_115 = tpu.memref_squeeze %dma_wait3A_114 : memref<1x125x80xi32, #tpu.memory_space<hbm>> -> memref<125x80xi32, #tpu.memory_space<hbm>>
      tpu.wait_dma2 semaphore(%run_scoped3A : memref<!tpu.dma_semaphore, #tpu.memory_space<semaphore_mem>>) src(%dma_wait3A_115 : memref<125x80xi32, #tpu.memory_space<hbm>>) dst(%arg9 : memref<125x80xi32, #tpu.memory_space<vmem>>)
      tpu.yield
    }) : () -> ()
    %dma_start3A = arith.constant 0 : i32
    %dma_start3A_3 = arith.constant 0 : i32
    %dma_start3A_4 = arith.constant 0 : i32
    %dma_start3A_5 = arith.constant 0 : i32
    %dma_start3A_6 = arith.constant 0 : i32
    %dma_start3A_7 = tpu.memref_slice %arg10[%dma_start3A_3, %dma_start3A_5, %dma_start3A_6] : memref<2x80x128xi32, #tpu.memory_space<vmem>> -> memref<1x80x128xi32, #tpu.memory_space<vmem>>
    %dma_start3A_8 = tpu.memref_squeeze %dma_start3A_7 : memref<1x80x128xi32, #tpu.memory_space<vmem>> -> memref<80x128xi32, #tpu.memory_space<vmem>>
    %dma_start3A_9 = arith.constant 0 : i32
    %dma_start3A_10 = tpu.memref_slice %arg8[%dma_start3A, %dma_start3A_9] : memref<125x80xi32, #tpu.memory_space<vmem>> -> memref<1x80xi32, #tpu.memory_space<vmem>>
    %dma_start3A_11 = tpu.memref_squeeze %dma_start3A_10 : memref<1x80xi32, #tpu.memory_space<vmem>> -> memref<80xi32, #tpu.memory_space<vmem>>
    %dma_start3A_12 = arith.constant 0 : i32
    %dma_start3A_13 = arith.constant 0 : i32
    %dma_start3A_14 = tpu.memref_slice %arg2[%dma_start3A_12, %dma_start3A_13] : memref<10000x128xi32, #tpu.memory_space<hbm>> -> memref<10000x128xi32, #tpu.memory_space<hbm>>
    %dma_start3A_15 = tpu.memref_slice %arg12[%dma_start3A_4] : memref<2x!tpu.dma_semaphore, #tpu.memory_space<semaphore_mem>> -> memref<1x!tpu.dma_semaphore, #tpu.memory_space<semaphore_mem>>
    %dma_start3A_16 = tpu.memref_squeeze %dma_start3A_15 : memref<1x!tpu.dma_semaphore, #tpu.memory_space<semaphore_mem>> -> memref<!tpu.dma_semaphore, #tpu.memory_space<semaphore_mem>>
    tpu.enqueue_indirect_dma source(%dma_start3A_14 : memref<10000x128xi32, #tpu.memory_space<hbm>>) target(%dma_start3A_8 : memref<80x128xi32, #tpu.memory_space<vmem>>) offsets(%dma_start3A_11 : memref<80xi32, #tpu.memory_space<vmem>>) semaphore(%dma_start3A_16 : memref<!tpu.dma_semaphore, #tpu.memory_space<semaphore_mem>>)
    %dma_start3A_17 = arith.constant 0 : i32
    %dma_start3A_18 = arith.constant 0 : i32
    %dma_start3A_19 = arith.constant 0 : i32
    %dma_start3A_20 = arith.constant 0 : i32
    %dma_start3A_21 = arith.constant 0 : i32
    %dma_start3A_22 = tpu.memref_slice %arg11[%dma_start3A_18, %dma_start3A_20, %dma_start3A_21] : memref<2x80x128xf32, #tpu.memory_space<vmem>> -> memref<1x80x128xf32, #tpu.memory_space<vmem>>
    %dma_start3A_23 = tpu.memref_squeeze %dma_start3A_22 : memref<1x80x128xf32, #tpu.memory_space<vmem>> -> memref<80x128xf32, #tpu.memory_space<vmem>>
    %dma_start3A_24 = arith.constant 0 : i32
    %dma_start3A_25 = tpu.memref_slice %arg9[%dma_start3A_17, %dma_start3A_24] : memref<125x80xi32, #tpu.memory_space<vmem>> -> memref<1x80xi32, #tpu.memory_space<vmem>>
    %dma_start3A_26 = tpu.memref_squeeze %dma_start3A_25 : memref<1x80xi32, #tpu.memory_space<vmem>> -> memref<80xi32, #tpu.memory_space<vmem>>
    %dma_start3A_27 = arith.constant 0 : i32
    %dma_start3A_28 = arith.constant 0 : i32
    %dma_start3A_29 = tpu.memref_slice %arg3[%dma_start3A_27, %dma_start3A_28] : memref<10000x128xf32, #tpu.memory_space<hbm>> -> memref<10000x128xf32, #tpu.memory_space<hbm>>
    %dma_start3A_30 = tpu.memref_slice %arg13[%dma_start3A_19] : memref<2x!tpu.dma_semaphore, #tpu.memory_space<semaphore_mem>> -> memref<1x!tpu.dma_semaphore, #tpu.memory_space<semaphore_mem>>
    %dma_start3A_31 = tpu.memref_squeeze %dma_start3A_30 : memref<1x!tpu.dma_semaphore, #tpu.memory_space<semaphore_mem>> -> memref<!tpu.dma_semaphore, #tpu.memory_space<semaphore_mem>>
    tpu.enqueue_indirect_dma source(%dma_start3A_29 : memref<10000x128xf32, #tpu.memory_space<hbm>>) target(%dma_start3A_23 : memref<80x128xf32, #tpu.memory_space<vmem>>) offsets(%dma_start3A_26 : memref<80xi32, #tpu.memory_space<vmem>>) semaphore(%dma_start3A_31 : memref<!tpu.dma_semaphore, #tpu.memory_space<semaphore_mem>>)
    %scan3A = arith.constant 0 : i32
    %scan3A_32 = arith.constant 0 : i32
    %scan3A_33 = arith.constant 125 : i32
    %scan3A_34 = arith.addi %scan3A_32, %scan3A_33 : i32
    %scan3A_35 = arith.constant 1 : i32
    scf.for %scan3A_100 = %scan3A_32 to %scan3A_34 step %scan3A_35  : i32 {
      %rem3A = arith.constant 2 : i32
      %rem3A_101 = arith.remsi %scan3A_100, %rem3A : i32
      %sub3A = arith.constant 1 : i32
      %sub3A_102 = arith.subi %sub3A, %rem3A_101 : i32
      %add3A_103 = arith.constant 1 : i32
      %add3A_104 = arith.addi %scan3A_100, %add3A_103 : i32
      %lt3A = arith.constant 125 : i32
      %lt3A_105 = arith.cmpi slt, %add3A_104, %lt3A : i32
      %convert_element_type3A = arith.extui %lt3A_105 : i1 to i32
      %cond3A = arith.constant 0 : i32
      %cond3A_106 = arith.cmpi ne, %convert_element_type3A, %cond3A : i32
      scf.if %cond3A_106 {
        %ge3A = arith.constant 1 : i32
        %ge3A_162 = arith.cmpi sge, %scan3A_100, %ge3A : i32
        %convert_element_type3A_163 = arith.extui %ge3A_162 : i1 to i32
        %cond3A_164 = arith.constant 0 : i32
        %cond3A_165 = arith.cmpi ne, %convert_element_type3A_163, %cond3A_164 : i32
        scf.if %cond3A_165 {
          %dma_wait3A_192 = arith.constant 0 : i32
          %dma_wait3A_193 = arith.constant 0 : i32
          %dma_wait3A_194 = tpu.memref_slice %arg10[%sub3A_102, %dma_wait3A_192, %dma_wait3A_193] : memref<2x80x128xi32, #tpu.memory_space<vmem>> -> memref<1x80x128xi32, #tpu.memory_space<vmem>>
          %dma_wait3A_195 = tpu.memref_squeeze %dma_wait3A_194 : memref<1x80x128xi32, #tpu.memory_space<vmem>> -> memref<80x128xi32, #tpu.memory_space<vmem>>
          %dma_wait3A_196 = arith.constant 0 : i32
          %dma_wait3A_197 = tpu.memref_slice %arg6[%mul3A_2, %dma_wait3A_196] : memref<320000x128xi32, #tpu.memory_space<hbm>> -> memref<80x128xi32, #tpu.memory_space<hbm>>
          %dma_wait3A_198 = tpu.memref_slice %arg14[%sub3A_102] : memref<2x!tpu.dma_semaphore, #tpu.memory_space<semaphore_mem>> -> memref<1x!tpu.dma_semaphore, #tpu.memory_space<semaphore_mem>>
          %dma_wait3A_199 = tpu.memref_squeeze %dma_wait3A_198 : memref<1x!tpu.dma_semaphore, #tpu.memory_space<semaphore_mem>> -> memref<!tpu.dma_semaphore, #tpu.memory_space<semaphore_mem>>
          %dma_wait3A_200 = arith.constant 0 : i32
          %dma_wait3A_201 = tpu.memref_slice %arg6[%mul3A_2, %dma_wait3A_200] : memref<320000x128xi32, #tpu.memory_space<hbm>> -> memref<80x128xi32, #tpu.memory_space<hbm>>
          %dma_wait3A_202 = arith.constant 0 : i32
          %dma_wait3A_203 = arith.constant 0 : i32
          %dma_wait3A_204 = tpu.memref_slice %arg10[%sub3A_102, %dma_wait3A_202, %dma_wait3A_203] : memref<2x80x128xi32, #tpu.memory_space<vmem>> -> memref<1x80x128xi32, #tpu.memory_space<vmem>>
          %dma_wait3A_205 = tpu.memref_squeeze %dma_wait3A_204 : memref<1x80x128xi32, #tpu.memory_space<vmem>> -> memref<80x128xi32, #tpu.memory_space<vmem>>
          tpu.wait_dma2 semaphore(%dma_wait3A_199 : memref<!tpu.dma_semaphore, #tpu.memory_space<semaphore_mem>>) src(%dma_wait3A_205 : memref<80x128xi32, #tpu.memory_space<vmem>>) dst(%dma_wait3A_201 : memref<80x128xi32, #tpu.memory_space<hbm>>)
          %dma_wait3A_206 = arith.constant 0 : i32
          %dma_wait3A_207 = arith.constant 0 : i32
          %dma_wait3A_208 = tpu.memref_slice %arg11[%sub3A_102, %dma_wait3A_206, %dma_wait3A_207] : memref<2x80x128xf32, #tpu.memory_space<vmem>> -> memref<1x80x128xf32, #tpu.memory_space<vmem>>
          %dma_wait3A_209 = tpu.memref_squeeze %dma_wait3A_208 : memref<1x80x128xf32, #tpu.memory_space<vmem>> -> memref<80x128xf32, #tpu.memory_space<vmem>>
          %dma_wait3A_210 = arith.constant 0 : i32
          %dma_wait3A_211 = tpu.memref_slice %arg7[%mul3A_2, %dma_wait3A_210] : memref<320000x128xf32, #tpu.memory_space<hbm>> -> memref<80x128xf32, #tpu.memory_space<hbm>>
          %dma_wait3A_212 = tpu.memref_slice %arg15[%sub3A_102] : memref<2x!tpu.dma_semaphore, #tpu.memory_space<semaphore_mem>> -> memref<1x!tpu.dma_semaphore, #tpu.memory_space<semaphore_mem>>
          %dma_wait3A_213 = tpu.memref_squeeze %dma_wait3A_212 : memref<1x!tpu.dma_semaphore, #tpu.memory_space<semaphore_mem>> -> memref<!tpu.dma_semaphore, #tpu.memory_space<semaphore_mem>>
          %dma_wait3A_214 = arith.constant 0 : i32
          %dma_wait3A_215 = tpu.memref_slice %arg7[%mul3A_2, %dma_wait3A_214] : memref<320000x128xf32, #tpu.memory_space<hbm>> -> memref<80x128xf32, #tpu.memory_space<hbm>>
          %dma_wait3A_216 = arith.constant 0 : i32
          %dma_wait3A_217 = arith.constant 0 : i32
          %dma_wait3A_218 = tpu.memref_slice %arg11[%sub3A_102, %dma_wait3A_216, %dma_wait3A_217] : memref<2x80x128xf32, #tpu.memory_space<vmem>> -> memref<1x80x128xf32, #tpu.memory_space<vmem>>
          %dma_wait3A_219 = tpu.memref_squeeze %dma_wait3A_218 : memref<1x80x128xf32, #tpu.memory_space<vmem>> -> memref<80x128xf32, #tpu.memory_space<vmem>>
          tpu.wait_dma2 semaphore(%dma_wait3A_213 : memref<!tpu.dma_semaphore, #tpu.memory_space<semaphore_mem>>) src(%dma_wait3A_219 : memref<80x128xf32, #tpu.memory_space<vmem>>) dst(%dma_wait3A_215 : memref<80x128xf32, #tpu.memory_space<hbm>>)
        } else {
        }
        %add3A_166 = arith.constant 1 : i32
        %add3A_167 = arith.addi %scan3A_100, %add3A_166 : i32
        %dma_start3A_168 = arith.constant 0 : i32
        %dma_start3A_169 = arith.constant 0 : i32
        %dma_start3A_170 = tpu.memref_slice %arg10[%sub3A_102, %dma_start3A_168, %dma_start3A_169] : memref<2x80x128xi32, #tpu.memory_space<vmem>> -> memref<1x80x128xi32, #tpu.memory_space<vmem>>
        %dma_start3A_171 = tpu.memref_squeeze %dma_start3A_170 : memref<1x80x128xi32, #tpu.memory_space<vmem>> -> memref<80x128xi32, #tpu.memory_space<vmem>>
        %dma_start3A_172 = arith.constant 0 : i32
        %dma_start3A_173 = tpu.memref_slice %arg8[%add3A_167, %dma_start3A_172] : memref<125x80xi32, #tpu.memory_space<vmem>> -> memref<1x80xi32, #tpu.memory_space<vmem>>
        %dma_start3A_174 = tpu.memref_squeeze %dma_start3A_173 : memref<1x80xi32, #tpu.memory_space<vmem>> -> memref<80xi32, #tpu.memory_space<vmem>>
        %dma_start3A_175 = arith.constant 0 : i32
        %dma_start3A_176 = arith.constant 0 : i32
        %dma_start3A_177 = tpu.memref_slice %arg2[%dma_start3A_175, %dma_start3A_176] : memref<10000x128xi32, #tpu.memory_space<hbm>> -> memref<10000x128xi32, #tpu.memory_space<hbm>>
        %dma_start3A_178 = tpu.memref_slice %arg12[%sub3A_102] : memref<2x!tpu.dma_semaphore, #tpu.memory_space<semaphore_mem>> -> memref<1x!tpu.dma_semaphore, #tpu.memory_space<semaphore_mem>>
        %dma_start3A_179 = tpu.memref_squeeze %dma_start3A_178 : memref<1x!tpu.dma_semaphore, #tpu.memory_space<semaphore_mem>> -> memref<!tpu.dma_semaphore, #tpu.memory_space<semaphore_mem>>
        tpu.enqueue_indirect_dma source(%dma_start3A_177 : memref<10000x128xi32, #tpu.memory_space<hbm>>) target(%dma_start3A_171 : memref<80x128xi32, #tpu.memory_space<vmem>>) offsets(%dma_start3A_174 : memref<80xi32, #tpu.memory_space<vmem>>) semaphore(%dma_start3A_179 : memref<!tpu.dma_semaphore, #tpu.memory_space<semaphore_mem>>)
        %dma_start3A_180 = arith.constant 0 : i32
        %dma_start3A_181 = arith.constant 0 : i32
        %dma_start3A_182 = tpu.memref_slice %arg11[%sub3A_102, %dma_start3A_180, %dma_start3A_181] : memref<2x80x128xf32, #tpu.memory_space<vmem>> -> memref<1x80x128xf32, #tpu.memory_space<vmem>>
        %dma_start3A_183 = tpu.memref_squeeze %dma_start3A_182 : memref<1x80x128xf32, #tpu.memory_space<vmem>> -> memref<80x128xf32, #tpu.memory_space<vmem>>
        %dma_start3A_184 = arith.constant 0 : i32
        %dma_start3A_185 = tpu.memref_slice %arg9[%add3A_167, %dma_start3A_184] : memref<125x80xi32, #tpu.memory_space<vmem>> -> memref<1x80xi32, #tpu.memory_space<vmem>>
        %dma_start3A_186 = tpu.memref_squeeze %dma_start3A_185 : memref<1x80xi32, #tpu.memory_space<vmem>> -> memref<80xi32, #tpu.memory_space<vmem>>
        %dma_start3A_187 = arith.constant 0 : i32
        %dma_start3A_188 = arith.constant 0 : i32
        %dma_start3A_189 = tpu.memref_slice %arg3[%dma_start3A_187, %dma_start3A_188] : memref<10000x128xf32, #tpu.memory_space<hbm>> -> memref<10000x128xf32, #tpu.memory_space<hbm>>
        %dma_start3A_190 = tpu.memref_slice %arg13[%sub3A_102] : memref<2x!tpu.dma_semaphore, #tpu.memory_space<semaphore_mem>> -> memref<1x!tpu.dma_semaphore, #tpu.memory_space<semaphore_mem>>
        %dma_start3A_191 = tpu.memref_squeeze %dma_start3A_190 : memref<1x!tpu.dma_semaphore, #tpu.memory_space<semaphore_mem>> -> memref<!tpu.dma_semaphore, #tpu.memory_space<semaphore_mem>>
        tpu.enqueue_indirect_dma source(%dma_start3A_189 : memref<10000x128xf32, #tpu.memory_space<hbm>>) target(%dma_start3A_183 : memref<80x128xf32, #tpu.memory_space<vmem>>) offsets(%dma_start3A_186 : memref<80xi32, #tpu.memory_space<vmem>>) semaphore(%dma_start3A_191 : memref<!tpu.dma_semaphore, #tpu.memory_space<semaphore_mem>>)
      } else {
      }
      %dma_wait3A_107 = arith.constant 0 : i32
      %dma_wait3A_108 = arith.constant 0 : i32
      %dma_wait3A_109 = tpu.memref_slice %arg10[%rem3A_101, %dma_wait3A_107, %dma_wait3A_108] : memref<2x80x128xi32, #tpu.memory_space<vmem>> -> memref<1x80x128xi32, #tpu.memory_space<vmem>>
      %dma_wait3A_110 = tpu.memref_squeeze %dma_wait3A_109 : memref<1x80x128xi32, #tpu.memory_space<vmem>> -> memref<80x128xi32, #tpu.memory_space<vmem>>
      %dma_wait3A_111 = arith.constant 0 : i32
      %dma_wait3A_112 = tpu.memref_slice %arg8[%scan3A_100, %dma_wait3A_111] : memref<125x80xi32, #tpu.memory_space<vmem>> -> memref<1x80xi32, #tpu.memory_space<vmem>>
      %dma_wait3A_113 = tpu.memref_squeeze %dma_wait3A_112 : memref<1x80xi32, #tpu.memory_space<vmem>> -> memref<80xi32, #tpu.memory_space<vmem>>
      %dma_wait3A_114 = arith.constant 0 : i32
      %dma_wait3A_115 = arith.constant 0 : i32
      %dma_wait3A_116 = tpu.memref_slice %arg2[%dma_wait3A_114, %dma_wait3A_115] : memref<10000x128xi32, #tpu.memory_space<hbm>> -> memref<10000x128xi32, #tpu.memory_space<hbm>>
      %dma_wait3A_117 = tpu.memref_slice %arg12[%rem3A_101] : memref<2x!tpu.dma_semaphore, #tpu.memory_space<semaphore_mem>> -> memref<1x!tpu.dma_semaphore, #tpu.memory_space<semaphore_mem>>
      %dma_wait3A_118 = tpu.memref_squeeze %dma_wait3A_117 : memref<1x!tpu.dma_semaphore, #tpu.memory_space<semaphore_mem>> -> memref<!tpu.dma_semaphore, #tpu.memory_space<semaphore_mem>>
      tpu.wait_indirect_dma semaphore(%dma_wait3A_118 : memref<!tpu.dma_semaphore, #tpu.memory_space<semaphore_mem>>) src(%dma_wait3A_116 : memref<10000x128xi32, #tpu.memory_space<hbm>>) dst(%dma_wait3A_110 : memref<80x128xi32, #tpu.memory_space<vmem>>)
      %dma_wait3A_119 = arith.constant 0 : i32
      %dma_wait3A_120 = arith.constant 0 : i32
      %dma_wait3A_121 = tpu.memref_slice %arg11[%rem3A_101, %dma_wait3A_119, %dma_wait3A_120] : memref<2x80x128xf32, #tpu.memory_space<vmem>> -> memref<1x80x128xf32, #tpu.memory_space<vmem>>
      %dma_wait3A_122 = tpu.memref_squeeze %dma_wait3A_121 : memref<1x80x128xf32, #tpu.memory_space<vmem>> -> memref<80x128xf32, #tpu.memory_space<vmem>>
      %dma_wait3A_123 = arith.constant 0 : i32
      %dma_wait3A_124 = tpu.memref_slice %arg9[%scan3A_100, %dma_wait3A_123] : memref<125x80xi32, #tpu.memory_space<vmem>> -> memref<1x80xi32, #tpu.memory_space<vmem>>
      %dma_wait3A_125 = tpu.memref_squeeze %dma_wait3A_124 : memref<1x80xi32, #tpu.memory_space<vmem>> -> memref<80xi32, #tpu.memory_space<vmem>>
      %dma_wait3A_126 = arith.constant 0 : i32
      %dma_wait3A_127 = arith.constant 0 : i32
      %dma_wait3A_128 = tpu.memref_slice %arg3[%dma_wait3A_126, %dma_wait3A_127] : memref<10000x128xf32, #tpu.memory_space<hbm>> -> memref<10000x128xf32, #tpu.memory_space<hbm>>
      %dma_wait3A_129 = tpu.memref_slice %arg13[%rem3A_101] : memref<2x!tpu.dma_semaphore, #tpu.memory_space<semaphore_mem>> -> memref<1x!tpu.dma_semaphore, #tpu.memory_space<semaphore_mem>>
      %dma_wait3A_130 = tpu.memref_squeeze %dma_wait3A_129 : memref<1x!tpu.dma_semaphore, #tpu.memory_space<semaphore_mem>> -> memref<!tpu.dma_semaphore, #tpu.memory_space<semaphore_mem>>
      tpu.wait_indirect_dma semaphore(%dma_wait3A_130 : memref<!tpu.dma_semaphore, #tpu.memory_space<semaphore_mem>>) src(%dma_wait3A_128 : memref<10000x128xf32, #tpu.memory_space<hbm>>) dst(%dma_wait3A_122 : memref<80x128xf32, #tpu.memory_space<vmem>>)
      %mul3A_131 = arith.constant 80 : i32
      %mul3A_132 = arith.muli %scan3A_100, %mul3A_131 : i32
      %add3A_133 = arith.addi %mul3A_2, %mul3A_132 : i32
      %dma_start3A_134 = arith.constant 0 : i32
      %dma_start3A_135 = arith.constant 0 : i32
      %dma_start3A_136 = tpu.memref_slice %arg10[%rem3A_101, %dma_start3A_134, %dma_start3A_135] : memref<2x80x128xi32, #tpu.memory_space<vmem>> -> memref<1x80x128xi32, #tpu.memory_space<vmem>>
      %dma_start3A_137 = tpu.memref_squeeze %dma_start3A_136 : memref<1x80x128xi32, #tpu.memory_space<vmem>> -> memref<80x128xi32, #tpu.memory_space<vmem>>
      %dma_start3A_138 = arith.constant 0 : i32
      %dma_start3A_139 = tpu.memref_slice %arg6[%add3A_133, %dma_start3A_138] : memref<320000x128xi32, #tpu.memory_space<hbm>> -> memref<80x128xi32, #tpu.memory_space<hbm>>
      %dma_start3A_140 = tpu.memref_slice %arg14[%rem3A_101] : memref<2x!tpu.dma_semaphore, #tpu.memory_space<semaphore_mem>> -> memref<1x!tpu.dma_semaphore, #tpu.memory_space<semaphore_mem>>
      %dma_start3A_141 = tpu.memref_squeeze %dma_start3A_140 : memref<1x!tpu.dma_semaphore, #tpu.memory_space<semaphore_mem>> -> memref<!tpu.dma_semaphore, #tpu.memory_space<semaphore_mem>>
      %dma_start3A_142 = arith.constant 0 : i32
      %dma_start3A_143 = tpu.memref_slice %arg6[%add3A_133, %dma_start3A_142] : memref<320000x128xi32, #tpu.memory_space<hbm>> -> memref<80x128xi32, #tpu.memory_space<hbm>>
      %dma_start3A_144 = arith.constant 0 : i32
      %dma_start3A_145 = arith.constant 0 : i32
      %dma_start3A_146 = tpu.memref_slice %arg10[%rem3A_101, %dma_start3A_144, %dma_start3A_145] : memref<2x80x128xi32, #tpu.memory_space<vmem>> -> memref<1x80x128xi32, #tpu.memory_space<vmem>>
      %dma_start3A_147 = tpu.memref_squeeze %dma_start3A_146 : memref<1x80x128xi32, #tpu.memory_space<vmem>> -> memref<80x128xi32, #tpu.memory_space<vmem>>
      tpu.enqueue_dma source(%dma_start3A_147 : memref<80x128xi32, #tpu.memory_space<vmem>>) target(%dma_start3A_143 : memref<80x128xi32, #tpu.memory_space<hbm>>) target_semaphore(%dma_start3A_141 : memref<!tpu.dma_semaphore, #tpu.memory_space<semaphore_mem>>)
      %dma_start3A_148 = arith.constant 0 : i32
      %dma_start3A_149 = arith.constant 0 : i32
      %dma_start3A_150 = tpu.memref_slice %arg11[%rem3A_101, %dma_start3A_148, %dma_start3A_149] : memref<2x80x128xf32, #tpu.memory_space<vmem>> -> memref<1x80x128xf32, #tpu.memory_space<vmem>>
      %dma_start3A_151 = tpu.memref_squeeze %dma_start3A_150 : memref<1x80x128xf32, #tpu.memory_space<vmem>> -> memref<80x128xf32, #tpu.memory_space<vmem>>
      %dma_start3A_152 = arith.constant 0 : i32
      %dma_start3A_153 = tpu.memref_slice %arg7[%add3A_133, %dma_start3A_152] : memref<320000x128xf32, #tpu.memory_space<hbm>> -> memref<80x128xf32, #tpu.memory_space<hbm>>
      %dma_start3A_154 = tpu.memref_slice %arg15[%rem3A_101] : memref<2x!tpu.dma_semaphore, #tpu.memory_space<semaphore_mem>> -> memref<1x!tpu.dma_semaphore, #tpu.memory_space<semaphore_mem>>
      %dma_start3A_155 = tpu.memref_squeeze %dma_start3A_154 : memref<1x!tpu.dma_semaphore, #tpu.memory_space<semaphore_mem>> -> memref<!tpu.dma_semaphore, #tpu.memory_space<semaphore_mem>>
      %dma_start3A_156 = arith.constant 0 : i32
      %dma_start3A_157 = tpu.memref_slice %arg7[%add3A_133, %dma_start3A_156] : memref<320000x128xf32, #tpu.memory_space<hbm>> -> memref<80x128xf32, #tpu.memory_space<hbm>>
      %dma_start3A_158 = arith.constant 0 : i32
      %dma_start3A_159 = arith.constant 0 : i32
      %dma_start3A_160 = tpu.memref_slice %arg11[%rem3A_101, %dma_start3A_158, %dma_start3A_159] : memref<2x80x128xf32, #tpu.memory_space<vmem>> -> memref<1x80x128xf32, #tpu.memory_space<vmem>>
      %dma_start3A_161 = tpu.memref_squeeze %dma_start3A_160 : memref<1x80x128xf32, #tpu.memory_space<vmem>> -> memref<80x128xf32, #tpu.memory_space<vmem>>
      tpu.enqueue_dma source(%dma_start3A_161 : memref<80x128xf32, #tpu.memory_space<vmem>>) target(%dma_start3A_157 : memref<80x128xf32, #tpu.memory_space<hbm>>) target_semaphore(%dma_start3A_155 : memref<!tpu.dma_semaphore, #tpu.memory_space<semaphore_mem>>)
    }
    %scan3A_36 = arith.constant 125 : i32
    %dma_wait3A = arith.constant 0 : i32
    %dma_wait3A_37 = arith.constant 0 : i32
    %dma_wait3A_38 = arith.constant 0 : i32
    %dma_wait3A_39 = arith.constant 0 : i32
    %dma_wait3A_40 = tpu.memref_slice %arg10[%dma_wait3A, %dma_wait3A_38, %dma_wait3A_39] : memref<2x80x128xi32, #tpu.memory_space<vmem>> -> memref<1x80x128xi32, #tpu.memory_space<vmem>>
    %dma_wait3A_41 = tpu.memref_squeeze %dma_wait3A_40 : memref<1x80x128xi32, #tpu.memory_space<vmem>> -> memref<80x128xi32, #tpu.memory_space<vmem>>
    %dma_wait3A_42 = arith.constant 0 : i32
    %dma_wait3A_43 = tpu.memref_slice %arg6[%mul3A_2, %dma_wait3A_42] : memref<320000x128xi32, #tpu.memory_space<hbm>> -> memref<80x128xi32, #tpu.memory_space<hbm>>
    %dma_wait3A_44 = tpu.memref_slice %arg14[%dma_wait3A_37] : memref<2x!tpu.dma_semaphore, #tpu.memory_space<semaphore_mem>> -> memref<1x!tpu.dma_semaphore, #tpu.memory_space<semaphore_mem>>
    %dma_wait3A_45 = tpu.memref_squeeze %dma_wait3A_44 : memref<1x!tpu.dma_semaphore, #tpu.memory_space<semaphore_mem>> -> memref<!tpu.dma_semaphore, #tpu.memory_space<semaphore_mem>>
    %dma_wait3A_46 = arith.constant 0 : i32
    %dma_wait3A_47 = tpu.memref_slice %arg6[%mul3A_2, %dma_wait3A_46] : memref<320000x128xi32, #tpu.memory_space<hbm>> -> memref<80x128xi32, #tpu.memory_space<hbm>>
    %dma_wait3A_48 = arith.constant 0 : i32
    %dma_wait3A_49 = arith.constant 0 : i32
    %dma_wait3A_50 = tpu.memref_slice %arg10[%dma_wait3A, %dma_wait3A_48, %dma_wait3A_49] : memref<2x80x128xi32, #tpu.memory_space<vmem>> -> memref<1x80x128xi32, #tpu.memory_space<vmem>>
    %dma_wait3A_51 = tpu.memref_squeeze %dma_wait3A_50 : memref<1x80x128xi32, #tpu.memory_space<vmem>> -> memref<80x128xi32, #tpu.memory_space<vmem>>
    tpu.wait_dma2 semaphore(%dma_wait3A_45 : memref<!tpu.dma_semaphore, #tpu.memory_space<semaphore_mem>>) src(%dma_wait3A_51 : memref<80x128xi32, #tpu.memory_space<vmem>>) dst(%dma_wait3A_47 : memref<80x128xi32, #tpu.memory_space<hbm>>)
    %dma_wait3A_52 = arith.constant 0 : i32
    %dma_wait3A_53 = arith.constant 0 : i32
    %dma_wait3A_54 = arith.constant 0 : i32
    %dma_wait3A_55 = arith.constant 0 : i32
    %dma_wait3A_56 = tpu.memref_slice %arg11[%dma_wait3A_52, %dma_wait3A_54, %dma_wait3A_55] : memref<2x80x128xf32, #tpu.memory_space<vmem>> -> memref<1x80x128xf32, #tpu.memory_space<vmem>>
    %dma_wait3A_57 = tpu.memref_squeeze %dma_wait3A_56 : memref<1x80x128xf32, #tpu.memory_space<vmem>> -> memref<80x128xf32, #tpu.memory_space<vmem>>
    %dma_wait3A_58 = arith.constant 0 : i32
    %dma_wait3A_59 = tpu.memref_slice %arg7[%mul3A_2, %dma_wait3A_58] : memref<320000x128xf32, #tpu.memory_space<hbm>> -> memref<80x128xf32, #tpu.memory_space<hbm>>
    %dma_wait3A_60 = tpu.memref_slice %arg15[%dma_wait3A_53] : memref<2x!tpu.dma_semaphore, #tpu.memory_space<semaphore_mem>> -> memref<1x!tpu.dma_semaphore, #tpu.memory_space<semaphore_mem>>
    %dma_wait3A_61 = tpu.memref_squeeze %dma_wait3A_60 : memref<1x!tpu.dma_semaphore, #tpu.memory_space<semaphore_mem>> -> memref<!tpu.dma_semaphore, #tpu.memory_space<semaphore_mem>>
    %dma_wait3A_62 = arith.constant 0 : i32
    %dma_wait3A_63 = tpu.memref_slice %arg7[%mul3A_2, %dma_wait3A_62] : memref<320000x128xf32, #tpu.memory_space<hbm>> -> memref<80x128xf32, #tpu.memory_space<hbm>>
    %dma_wait3A_64 = arith.constant 0 : i32
    %dma_wait3A_65 = arith.constant 0 : i32
    %dma_wait3A_66 = tpu.memref_slice %arg11[%dma_wait3A_52, %dma_wait3A_64, %dma_wait3A_65] : memref<2x80x128xf32, #tpu.memory_space<vmem>> -> memref<1x80x128xf32, #tpu.memory_space<vmem>>
    %dma_wait3A_67 = tpu.memref_squeeze %dma_wait3A_66 : memref<1x80x128xf32, #tpu.memory_space<vmem>> -> memref<80x128xf32, #tpu.memory_space<vmem>>
    tpu.wait_dma2 semaphore(%dma_wait3A_61 : memref<!tpu.dma_semaphore, #tpu.memory_space<semaphore_mem>>) src(%dma_wait3A_67 : memref<80x128xf32, #tpu.memory_space<vmem>>) dst(%dma_wait3A_63 : memref<80x128xf32, #tpu.memory_space<hbm>>)
    %dma_wait3A_68 = arith.constant 1 : i32
    %dma_wait3A_69 = arith.constant 1 : i32
    %dma_wait3A_70 = arith.constant 0 : i32
    %dma_wait3A_71 = arith.constant 0 : i32
    %dma_wait3A_72 = tpu.memref_slice %arg10[%dma_wait3A_68, %dma_wait3A_70, %dma_wait3A_71] : memref<2x80x128xi32, #tpu.memory_space<vmem>> -> memref<1x80x128xi32, #tpu.memory_space<vmem>>
    %dma_wait3A_73 = tpu.memref_squeeze %dma_wait3A_72 : memref<1x80x128xi32, #tpu.memory_space<vmem>> -> memref<80x128xi32, #tpu.memory_space<vmem>>
    %dma_wait3A_74 = arith.constant 0 : i32
    %dma_wait3A_75 = tpu.memref_slice %arg6[%mul3A_2, %dma_wait3A_74] : memref<320000x128xi32, #tpu.memory_space<hbm>> -> memref<80x128xi32, #tpu.memory_space<hbm>>
    %dma_wait3A_76 = tpu.memref_slice %arg14[%dma_wait3A_69] : memref<2x!tpu.dma_semaphore, #tpu.memory_space<semaphore_mem>> -> memref<1x!tpu.dma_semaphore, #tpu.memory_space<semaphore_mem>>
    %dma_wait3A_77 = tpu.memref_squeeze %dma_wait3A_76 : memref<1x!tpu.dma_semaphore, #tpu.memory_space<semaphore_mem>> -> memref<!tpu.dma_semaphore, #tpu.memory_space<semaphore_mem>>
    %dma_wait3A_78 = arith.constant 0 : i32
    %dma_wait3A_79 = tpu.memref_slice %arg6[%mul3A_2, %dma_wait3A_78] : memref<320000x128xi32, #tpu.memory_space<hbm>> -> memref<80x128xi32, #tpu.memory_space<hbm>>
    %dma_wait3A_80 = arith.constant 0 : i32
    %dma_wait3A_81 = arith.constant 0 : i32
    %dma_wait3A_82 = tpu.memref_slice %arg10[%dma_wait3A_68, %dma_wait3A_80, %dma_wait3A_81] : memref<2x80x128xi32, #tpu.memory_space<vmem>> -> memref<1x80x128xi32, #tpu.memory_space<vmem>>
    %dma_wait3A_83 = tpu.memref_squeeze %dma_wait3A_82 : memref<1x80x128xi32, #tpu.memory_space<vmem>> -> memref<80x128xi32, #tpu.memory_space<vmem>>
    tpu.wait_dma2 semaphore(%dma_wait3A_77 : memref<!tpu.dma_semaphore, #tpu.memory_space<semaphore_mem>>) src(%dma_wait3A_83 : memref<80x128xi32, #tpu.memory_space<vmem>>) dst(%dma_wait3A_79 : memref<80x128xi32, #tpu.memory_space<hbm>>)
    %dma_wait3A_84 = arith.constant 1 : i32
    %dma_wait3A_85 = arith.constant 1 : i32
    %dma_wait3A_86 = arith.constant 0 : i32
    %dma_wait3A_87 = arith.constant 0 : i32
    %dma_wait3A_88 = tpu.memref_slice %arg11[%dma_wait3A_84, %dma_wait3A_86, %dma_wait3A_87] : memref<2x80x128xf32, #tpu.memory_space<vmem>> -> memref<1x80x128xf32, #tpu.memory_space<vmem>>
    %dma_wait3A_89 = tpu.memref_squeeze %dma_wait3A_88 : memref<1x80x128xf32, #tpu.memory_space<vmem>> -> memref<80x128xf32, #tpu.memory_space<vmem>>
    %dma_wait3A_90 = arith.constant 0 : i32
    %dma_wait3A_91 = tpu.memref_slice %arg7[%mul3A_2, %dma_wait3A_90] : memref<320000x128xf32, #tpu.memory_space<hbm>> -> memref<80x128xf32, #tpu.memory_space<hbm>>
    %dma_wait3A_92 = tpu.memref_slice %arg15[%dma_wait3A_85] : memref<2x!tpu.dma_semaphore, #tpu.memory_space<semaphore_mem>> -> memref<1x!tpu.dma_semaphore, #tpu.memory_space<semaphore_mem>>
    %dma_wait3A_93 = tpu.memref_squeeze %dma_wait3A_92 : memref<1x!tpu.dma_semaphore, #tpu.memory_space<semaphore_mem>> -> memref<!tpu.dma_semaphore, #tpu.memory_space<semaphore_mem>>
    %dma_wait3A_94 = arith.constant 0 : i32
    %dma_wait3A_95 = tpu.memref_slice %arg7[%mul3A_2, %dma_wait3A_94] : memref<320000x128xf32, #tpu.memory_space<hbm>> -> memref<80x128xf32, #tpu.memory_space<hbm>>
    %dma_wait3A_96 = arith.constant 0 : i32
    %dma_wait3A_97 = arith.constant 0 : i32
    %dma_wait3A_98 = tpu.memref_slice %arg11[%dma_wait3A_84, %dma_wait3A_96, %dma_wait3A_97] : memref<2x80x128xf32, #tpu.memory_space<vmem>> -> memref<1x80x128xf32, #tpu.memory_space<vmem>>
    %dma_wait3A_99 = tpu.memref_squeeze %dma_wait3A_98 : memref<1x80x128xf32, #tpu.memory_space<vmem>> -> memref<80x128xf32, #tpu.memory_space<vmem>>
    tpu.wait_dma2 semaphore(%dma_wait3A_93 : memref<!tpu.dma_semaphore, #tpu.memory_space<semaphore_mem>>) src(%dma_wait3A_99 : memref<80x128xf32, #tpu.memory_space<vmem>>) dst(%dma_wait3A_95 : memref<80x128xf32, #tpu.memory_space<hbm>>)
    return
  }
}

module attributes {stable_mosaic.version = 14 : i64} {
  func.func @_node_proj_body(%arg0: i32, %arg1: memref<1000x128xf32, #tpu.memory_space<vmem>>, %arg2: memref<1000x128xf32, #tpu.memory_space<vmem>>, %arg3: memref<128x128xf32, #tpu.memory_space<vmem>>, %arg4: memref<128x128xf32, #tpu.memory_space<vmem>>, %arg5: memref<1x128xf32, #tpu.memory_space<vmem>>, %arg6: memref<1000x128xi32, #tpu.memory_space<vmem>>, %arg7: memref<1000x128xf32, #tpu.memory_space<vmem>>) attributes {dimension_semantics = [#tpu.dimension_semantics<arbitrary>], iteration_bounds = array<i64: 10>, scalar_prefetch = 0 : i64, scratch_operands = 0 : i64, tpu.core_type = #tpu.core_type<tc>, window_params = [{transform_indices = @transform_0, window_bounds = array<i64: 1000, 128>}, {transform_indices = @transform_1, window_bounds = array<i64: 1000, 128>}, {pipeline_mode = #tpu.pipeline_mode<synchronous>, transform_indices = @transform_2, window_bounds = array<i64: 128, 128>}, {pipeline_mode = #tpu.pipeline_mode<synchronous>, transform_indices = @transform_3, window_bounds = array<i64: 128, 128>}, {pipeline_mode = #tpu.pipeline_mode<synchronous>, transform_indices = @transform_4, window_bounds = array<i64: 1, 128>}, {transform_indices = @transform_5, window_bounds = array<i64: 1000, 128>}, {transform_indices = @transform_6, window_bounds = array<i64: 1000, 128>}]} {
    %get3A = arith.constant 0 : index
    %get3A_0 = arith.constant 0 : index
    %get3A_1 = vector.load %arg1[%get3A, %get3A_0] : memref<1000x128xf32, #tpu.memory_space<vmem>>, vector<1000x128xf32>
    %get3A_2 = arith.constant 0 : index
    %get3A_3 = arith.constant 0 : index
    %get3A_4 = vector.load %arg3[%get3A_2, %get3A_3] : memref<128x128xf32, #tpu.memory_space<vmem>>, vector<128x128xf32>
    %dot_general3A = arith.constant dense<0.000000e+00> : vector<1000x128xf32>
    %dot_general3A_5 = tpu.matmul %get3A_1, %get3A_4, %dot_general3A {dimension_numbers = #tpu.dot_dimension_numbers<[1], [0], [0], [1], [0, 0, 1, 1], [], []>, transpose_lhs_hint = false} : vector<1000x128xf32>, vector<128x128xf32>, vector<1000x128xf32> -> vector<1000x128xf32>
    %get3A_6 = arith.constant 0 : index
    %get3A_7 = arith.constant 0 : index
    %get3A_8 = vector.load %arg5[%get3A_6, %get3A_7] : memref<1x128xf32, #tpu.memory_space<vmem>>, vector<1x128xf32>
    %add3A = vector.broadcast %get3A_8 : vector<1x128xf32> to vector<1000x128xf32>
    %add3A_9 = arith.addf %dot_general3A_5, %add3A : vector<1000x128xf32>
    %convert_element_type3A = arith.truncf %add3A_9 : vector<1000x128xf32> to vector<1000x128xbf16>
    %bitcast_convert_type3A = tpu.bitcast %convert_element_type3A : vector<1000x128xbf16> -> vector<1000x128xi16>
    %slice3A = vector.extract_strided_slice %bitcast_convert_type3A {offsets = [0, 0], sizes = [1000, 64], strides = [1, 1]} : vector<1000x128xi16> to vector<1000x64xi16>
    %convert_element_type3A_10 = arith.extui %slice3A : vector<1000x64xi16> to vector<1000x64xi32>
    %slice3A_11 = vector.extract_strided_slice %bitcast_convert_type3A {offsets = [0, 64], sizes = [1000, 64], strides = [1, 1]} : vector<1000x128xi16> to vector<1000x64xi16>
    %convert_element_type3A_12 = arith.extui %slice3A_11 : vector<1000x64xi16> to vector<1000x64xi32>
    %shift_left3A = arith.constant 16 : i32
    %shift_left3A_13 = vector.broadcast %shift_left3A : i32 to vector<1000x64xi32>
    %shift_left3A_14 = arith.shli %convert_element_type3A_12, %shift_left3A_13 : vector<1000x64xi32>
    %or3A = arith.ori %convert_element_type3A_10, %shift_left3A_14 : vector<1000x64xi32>
    %swap3A = arith.constant 0 : index
    %swap3A_15 = arith.constant 0 : index
    %swap3A_16 = vector.load %arg6[%swap3A, %swap3A_15] : memref<1000x128xi32, #tpu.memory_space<vmem>>, vector<1000x64xi32>
    tpu.vector_store %arg6[%swap3A, %swap3A_15], %or3A {strides = array<i32>} : memref<1000x128xi32, #tpu.memory_space<vmem>>, vector<1000x64xi32>,
    %get3A_17 = arith.constant 0 : index
    %get3A_18 = arith.constant 0 : index
    %get3A_19 = vector.load %arg2[%get3A_17, %get3A_18] : memref<1000x128xf32, #tpu.memory_space<vmem>>, vector<1000x128xf32>
    %convert_element_type3A_20 = arith.truncf %get3A_19 : vector<1000x128xf32> to vector<1000x128xbf16>
    %bitcast_convert_type3A_21 = tpu.bitcast %convert_element_type3A_20 : vector<1000x128xbf16> -> vector<1000x128xi16>
    %slice3A_22 = vector.extract_strided_slice %bitcast_convert_type3A_21 {offsets = [0, 0], sizes = [1000, 64], strides = [1, 1]} : vector<1000x128xi16> to vector<1000x64xi16>
    %convert_element_type3A_23 = arith.extui %slice3A_22 : vector<1000x64xi16> to vector<1000x64xi32>
    %slice3A_24 = vector.extract_strided_slice %bitcast_convert_type3A_21 {offsets = [0, 64], sizes = [1000, 64], strides = [1, 1]} : vector<1000x128xi16> to vector<1000x64xi16>
    %convert_element_type3A_25 = arith.extui %slice3A_24 : vector<1000x64xi16> to vector<1000x64xi32>
    %shift_left3A_26 = arith.constant 16 : i32
    %shift_left3A_27 = vector.broadcast %shift_left3A_26 : i32 to vector<1000x64xi32>
    %shift_left3A_28 = arith.shli %convert_element_type3A_25, %shift_left3A_27 : vector<1000x64xi32>
    %or3A_29 = arith.ori %convert_element_type3A_23, %shift_left3A_28 : vector<1000x64xi32>
    %swap3A_30 = arith.constant 0 : index
    %swap3A_31 = arith.constant 64 : index
    %swap3A_32 = vector.load %arg6[%swap3A_30, %swap3A_31] : memref<1000x128xi32, #tpu.memory_space<vmem>>, vector<1000x64xi32>
    tpu.vector_store %arg6[%swap3A_30, %swap3A_31], %or3A_29 {strides = array<i32>} : memref<1000x128xi32, #tpu.memory_space<vmem>>, vector<1000x64xi32>,
    %get3A_33 = arith.constant 0 : index
    %get3A_34 = arith.constant 0 : index
    %get3A_35 = vector.load %arg2[%get3A_33, %get3A_34] : memref<1000x128xf32, #tpu.memory_space<vmem>>, vector<1000x128xf32>
    %get3A_36 = arith.constant 0 : index
    %get3A_37 = arith.constant 0 : index
    %get3A_38 = vector.load %arg4[%get3A_36, %get3A_37] : memref<128x128xf32, #tpu.memory_space<vmem>>, vector<128x128xf32>
    %dot_general3A_39 = arith.constant dense<0.000000e+00> : vector<1000x128xf32>
    %dot_general3A_40 = tpu.matmul %get3A_35, %get3A_38, %dot_general3A_39 {dimension_numbers = #tpu.dot_dimension_numbers<[1], [0], [0], [1], [0, 0, 1, 1], [], []>, transpose_lhs_hint = false} : vector<1000x128xf32>, vector<128x128xf32>, vector<1000x128xf32> -> vector<1000x128xf32>
    %swap3A_41 = arith.constant 0 : index
    %swap3A_42 = arith.constant 0 : index
    %swap3A_43 = vector.load %arg7[%swap3A_41, %swap3A_42] : memref<1000x128xf32, #tpu.memory_space<vmem>>, vector<1000x128xf32>
    tpu.vector_store %arg7[%swap3A_41, %swap3A_42], %dot_general3A_40 {strides = array<i32>} : memref<1000x128xf32, #tpu.memory_space<vmem>>, vector<1000x128xf32>,
    return
  }
  func.func @transform_0(%arg0: i32) -> (i32, i32) {
    %c0_i32 = arith.constant 0 : i32
    %c0_i32_0 = arith.constant 0 : i32
    return %arg0, %c0_i32 : i32, i32
  }
  func.func @transform_1(%arg0: i32) -> (i32, i32) {
    %c0_i32 = arith.constant 0 : i32
    %c0_i32_0 = arith.constant 0 : i32
    return %arg0, %c0_i32 : i32, i32
  }
  func.func @transform_2(%arg0: i32) -> (i32, i32) {
    %c0_i32 = arith.constant 0 : i32
    %c0_i32_0 = arith.constant 0 : i32
    %c0_i32_1 = arith.constant 0 : i32
    return %c0_i32, %c0_i32_0 : i32, i32
  }
  func.func @transform_3(%arg0: i32) -> (i32, i32) {
    %c0_i32 = arith.constant 0 : i32
    %c0_i32_0 = arith.constant 0 : i32
    %c0_i32_1 = arith.constant 0 : i32
    return %c0_i32, %c0_i32_0 : i32, i32
  }
  func.func @transform_4(%arg0: i32) -> (i32, i32) {
    %c0_i32 = arith.constant 0 : i32
    %c0_i32_0 = arith.constant 0 : i32
    %c0_i32_1 = arith.constant 0 : i32
    return %c0_i32, %c0_i32_0 : i32, i32
  }
  func.func @transform_5(%arg0: i32) -> (i32, i32) {
    %c0_i32 = arith.constant 0 : i32
    %c0_i32_0 = arith.constant 0 : i32
    return %arg0, %c0_i32 : i32, i32
  }
  func.func @transform_6(%arg0: i32) -> (i32, i32) {
    %c0_i32 = arith.constant 0 : i32
    %c0_i32_0 = arith.constant 0 : i32
    return %arg0, %c0_i32 : i32, i32
  }
}

module attributes {stable_mosaic.version = 14 : i64} {
  func.func @_mlp_body(%arg0: i32, %arg1: memref<2560x128xi32, #tpu.memory_space<vmem>>, %arg2: memref<2560x128xf32, #tpu.memory_space<vmem>>, %arg3: memref<128x128xf32, #tpu.memory_space<vmem>>, %arg4: memref<1x128xf32, #tpu.memory_space<vmem>>, %arg5: memref<1x128xf32, #tpu.memory_space<vmem>>, %arg6: memref<1x1xf32, #tpu.memory_space<vmem>>, %arg7: memref<2560x128xf32, #tpu.memory_space<vmem>>, %arg8: memref<2560x1xf32, #tpu.memory_space<vmem>>) attributes {dimension_semantics = [#tpu.dimension_semantics<arbitrary>], iteration_bounds = array<i64: 125>, scalar_prefetch = 0 : i64, scratch_operands = 0 : i64, tpu.core_type = #tpu.core_type<tc>, window_params = [{transform_indices = @transform_0, window_bounds = array<i64: 2560, 128>}, {transform_indices = @transform_1, window_bounds = array<i64: 2560, 128>}, {pipeline_mode = #tpu.pipeline_mode<synchronous>, transform_indices = @transform_2, window_bounds = array<i64: 128, 128>}, {pipeline_mode = #tpu.pipeline_mode<synchronous>, transform_indices = @transform_3, window_bounds = array<i64: 1, 128>}, {pipeline_mode = #tpu.pipeline_mode<synchronous>, transform_indices = @transform_4, window_bounds = array<i64: 1, 128>}, {pipeline_mode = #tpu.pipeline_mode<synchronous>, transform_indices = @transform_5, window_bounds = array<i64: 1, 1>}, {transform_indices = @transform_6, window_bounds = array<i64: 2560, 128>}, {transform_indices = @transform_7, window_bounds = array<i64: 2560, 1>}]} {
    %get3A = arith.constant 0 : index
    %get3A_0 = arith.constant 0 : index
    %get3A_1 = vector.load %arg1[%get3A, %get3A_0] : memref<2560x128xi32, #tpu.memory_space<vmem>>, vector<2560x128xi32>
    %slice3A = vector.extract_strided_slice %get3A_1 {offsets = [0, 0], sizes = [2560, 64], strides = [1, 1]} : vector<2560x128xi32> to vector<2560x64xi32>
    %and3A = arith.constant 65535 : i32
    %and3A_2 = vector.broadcast %and3A : i32 to vector<2560x64xi32>
    %and3A_3 = arith.andi %slice3A, %and3A_2 : vector<2560x64xi32>
    %convert_element_type3A = arith.trunci %and3A_3 : vector<2560x64xi32> to vector<2560x64xi16>
    %bitcast_convert_type3A = tpu.bitcast %convert_element_type3A : vector<2560x64xi16> -> vector<2560x64xbf16>
    %convert_element_type3A_4 = arith.extf %bitcast_convert_type3A : vector<2560x64xbf16> to vector<2560x64xf32>
    %shift_right_logical3A = arith.constant 16 : i32
    %shift_right_logical3A_5 = vector.broadcast %shift_right_logical3A : i32 to vector<2560x64xi32>
    %shift_right_logical3A_6 = arith.shrui %slice3A, %shift_right_logical3A_5 : vector<2560x64xi32>
    %convert_element_type3A_7 = arith.trunci %shift_right_logical3A_6 : vector<2560x64xi32> to vector<2560x64xi16>
    %bitcast_convert_type3A_8 = tpu.bitcast %convert_element_type3A_7 : vector<2560x64xi16> -> vector<2560x64xbf16>
    %convert_element_type3A_9 = arith.extf %bitcast_convert_type3A_8 : vector<2560x64xbf16> to vector<2560x64xf32>
    %get3A_10 = arith.constant 0 : index
    %get3A_11 = arith.constant 0 : index
    %get3A_12 = vector.load %arg2[%get3A_10, %get3A_11] : memref<2560x128xf32, #tpu.memory_space<vmem>>, vector<2560x128xf32>
    %slice3A_13 = vector.extract_strided_slice %get3A_12 {offsets = [0, 0], sizes = [2560, 64], strides = [1, 1]} : vector<2560x128xf32> to vector<2560x64xf32>
    %add3A = arith.addf %convert_element_type3A_4, %slice3A_13 : vector<2560x64xf32>
    %max3A = arith.constant 0.000000e+00 : f32
    %max3A_14 = vector.broadcast %max3A : f32 to vector<2560x64xf32>
    %max3A_15 = arith.maximumf %add3A, %max3A_14 : vector<2560x64xf32>
    %slice3A_16 = vector.extract_strided_slice %get3A_12 {offsets = [0, 64], sizes = [2560, 64], strides = [1, 1]} : vector<2560x128xf32> to vector<2560x64xf32>
    %add3A_17 = arith.addf %convert_element_type3A_9, %slice3A_16 : vector<2560x64xf32>
    %max3A_18 = arith.constant 0.000000e+00 : f32
    %max3A_19 = vector.broadcast %max3A_18 : f32 to vector<2560x64xf32>
    %max3A_20 = arith.maximumf %add3A_17, %max3A_19 : vector<2560x64xf32>
    %get3A_21 = arith.constant 0 : index
    %get3A_22 = arith.constant 0 : index
    %get3A_23 = vector.load %arg3[%get3A_21, %get3A_22] : memref<128x128xf32, #tpu.memory_space<vmem>>, vector<128x128xf32>
    %slice3A_24 = vector.extract_strided_slice %get3A_23 {offsets = [0, 0], sizes = [64, 128], strides = [1, 1]} : vector<128x128xf32> to vector<64x128xf32>
    %dot_general3A = arith.constant dense<0.000000e+00> : vector<2560x128xf32>
    %dot_general3A_25 = tpu.matmul %max3A_15, %slice3A_24, %dot_general3A {dimension_numbers = #tpu.dot_dimension_numbers<[1], [0], [0], [1], [0, 0, 1, 1], [], []>, transpose_lhs_hint = false} : vector<2560x64xf32>, vector<64x128xf32>, vector<2560x128xf32> -> vector<2560x128xf32>
    %slice3A_26 = vector.extract_strided_slice %get3A_23 {offsets = [64, 0], sizes = [64, 128], strides = [1, 1]} : vector<128x128xf32> to vector<64x128xf32>
    %dot_general3A_27 = arith.constant dense<0.000000e+00> : vector<2560x128xf32>
    %dot_general3A_28 = tpu.matmul %max3A_20, %slice3A_26, %dot_general3A_27 {dimension_numbers = #tpu.dot_dimension_numbers<[1], [0], [0], [1], [0, 0, 1, 1], [], []>, transpose_lhs_hint = false} : vector<2560x64xf32>, vector<64x128xf32>, vector<2560x128xf32> -> vector<2560x128xf32>
    %add3A_29 = arith.addf %dot_general3A_25, %dot_general3A_28 : vector<2560x128xf32>
    %get3A_30 = arith.constant 0 : index
    %get3A_31 = arith.constant 0 : index
    %get3A_32 = vector.load %arg4[%get3A_30, %get3A_31] : memref<1x128xf32, #tpu.memory_space<vmem>>, vector<1x128xf32>
    %add3A_33 = vector.broadcast %get3A_32 : vector<1x128xf32> to vector<2560x128xf32>
    %add3A_34 = arith.addf %add3A_29, %add3A_33 : vector<2560x128xf32>
    %max3A_35 = arith.constant 0.000000e+00 : f32
    %max3A_36 = vector.broadcast %max3A_35 : f32 to vector<2560x128xf32>
    %max3A_37 = arith.maximumf %add3A_34, %max3A_36 : vector<2560x128xf32>
    %get3A_38 = arith.constant 0 : index
    %get3A_39 = arith.constant 0 : index
    %get3A_40 = vector.load %arg5[%get3A_38, %get3A_39] : memref<1x128xf32, #tpu.memory_space<vmem>>, vector<1x128xf32>
    %mul3A = vector.broadcast %get3A_40 : vector<1x128xf32> to vector<2560x128xf32>
    %mul3A_41 = arith.mulf %max3A_37, %mul3A : vector<2560x128xf32>
    %reduce_sum3A = arith.constant dense<0.000000e+00> : vector<2560xf32>
    %reduce_sum3A_42 = vector.multi_reduction <add>, %mul3A_41, %reduce_sum3A [1] : vector<2560x128xf32> to vector<2560xf32>
    %broadcast_in_dim3A = vector.shape_cast %reduce_sum3A_42 : vector<2560xf32> to vector<2560x1xf32>
    %get3A_43 = arith.constant 0 : index
    %get3A_44 = arith.constant 0 : index
    %get3A_45 = vector.load %arg6[%get3A_43, %get3A_44] : memref<1x1xf32, #tpu.memory_space<vmem>>, vector<1x1xf32>
    %add3A_46 = vector.broadcast %get3A_45 : vector<1x1xf32> to vector<2560x1xf32>
    %add3A_47 = arith.addf %broadcast_in_dim3A, %add3A_46 : vector<2560x1xf32>
    %exp3A = math.exp %add3A_47 : vector<2560x1xf32>
    %swap3A = arith.constant 0 : index
    %swap3A_48 = arith.constant 0 : index
    %swap3A_49 = vector.load %arg8[%swap3A, %swap3A_48] : memref<2560x1xf32, #tpu.memory_space<vmem>>, vector<2560x1xf32>
    tpu.vector_store %arg8[%swap3A, %swap3A_48], %exp3A {strides = array<i32>} : memref<2560x1xf32, #tpu.memory_space<vmem>>, vector<2560x1xf32>,
    %slice3A_50 = vector.extract_strided_slice %get3A_1 {offsets = [0, 64], sizes = [2560, 64], strides = [1, 1]} : vector<2560x128xi32> to vector<2560x64xi32>
    %and3A_51 = arith.constant 65535 : i32
    %and3A_52 = vector.broadcast %and3A_51 : i32 to vector<2560x64xi32>
    %and3A_53 = arith.andi %slice3A_50, %and3A_52 : vector<2560x64xi32>
    %convert_element_type3A_54 = arith.trunci %and3A_53 : vector<2560x64xi32> to vector<2560x64xi16>
    %bitcast_convert_type3A_55 = tpu.bitcast %convert_element_type3A_54 : vector<2560x64xi16> -> vector<2560x64xbf16>
    %convert_element_type3A_56 = arith.extf %bitcast_convert_type3A_55 : vector<2560x64xbf16> to vector<2560x64xf32>
    %shift_right_logical3A_57 = arith.constant 16 : i32
    %shift_right_logical3A_58 = vector.broadcast %shift_right_logical3A_57 : i32 to vector<2560x64xi32>
    %shift_right_logical3A_59 = arith.shrui %slice3A_50, %shift_right_logical3A_58 : vector<2560x64xi32>
    %convert_element_type3A_60 = arith.trunci %shift_right_logical3A_59 : vector<2560x64xi32> to vector<2560x64xi16>
    %bitcast_convert_type3A_61 = tpu.bitcast %convert_element_type3A_60 : vector<2560x64xi16> -> vector<2560x64xbf16>
    %convert_element_type3A_62 = arith.extf %bitcast_convert_type3A_61 : vector<2560x64xbf16> to vector<2560x64xf32>
    %mul3A_63 = vector.broadcast %exp3A : vector<2560x1xf32> to vector<2560x64xf32>
    %mul3A_64 = arith.mulf %mul3A_63, %convert_element_type3A_56 : vector<2560x64xf32>
    %swap3A_65 = arith.constant 0 : index
    %swap3A_66 = arith.constant 0 : index
    %swap3A_67 = vector.load %arg7[%swap3A_65, %swap3A_66] : memref<2560x128xf32, #tpu.memory_space<vmem>>, vector<2560x64xf32>
    tpu.vector_store %arg7[%swap3A_65, %swap3A_66], %mul3A_64 {strides = array<i32>} : memref<2560x128xf32, #tpu.memory_space<vmem>>, vector<2560x64xf32>,
    %mul3A_68 = vector.broadcast %exp3A : vector<2560x1xf32> to vector<2560x64xf32>
    %mul3A_69 = arith.mulf %mul3A_68, %convert_element_type3A_62 : vector<2560x64xf32>
    %swap3A_70 = arith.constant 0 : index
    %swap3A_71 = arith.constant 64 : index
    %swap3A_72 = vector.load %arg7[%swap3A_70, %swap3A_71] : memref<2560x128xf32, #tpu.memory_space<vmem>>, vector<2560x64xf32>
    tpu.vector_store %arg7[%swap3A_70, %swap3A_71], %mul3A_69 {strides = array<i32>} : memref<2560x128xf32, #tpu.memory_space<vmem>>, vector<2560x64xf32>,
    return
  }
  func.func @transform_0(%arg0: i32) -> (i32, i32) {
    %c0_i32 = arith.constant 0 : i32
    %c0_i32_0 = arith.constant 0 : i32
    return %arg0, %c0_i32 : i32, i32
  }
  func.func @transform_1(%arg0: i32) -> (i32, i32) {
    %c0_i32 = arith.constant 0 : i32
    %c0_i32_0 = arith.constant 0 : i32
    return %arg0, %c0_i32 : i32, i32
  }
  func.func @transform_2(%arg0: i32) -> (i32, i32) {
    %c0_i32 = arith.constant 0 : i32
    %c0_i32_0 = arith.constant 0 : i32
    %c0_i32_1 = arith.constant 0 : i32
    return %c0_i32, %c0_i32_0 : i32, i32
  }
  func.func @transform_3(%arg0: i32) -> (i32, i32) {
    %c0_i32 = arith.constant 0 : i32
    %c0_i32_0 = arith.constant 0 : i32
    %c0_i32_1 = arith.constant 0 : i32
    return %c0_i32, %c0_i32_0 : i32, i32
  }
  func.func @transform_4(%arg0: i32) -> (i32, i32) {
    %c0_i32 = arith.constant 0 : i32
    %c0_i32_0 = arith.constant 0 : i32
    %c0_i32_1 = arith.constant 0 : i32
    return %c0_i32, %c0_i32_0 : i32, i32
  }
  func.func @transform_5(%arg0: i32) -> (i32, i32) {
    %c0_i32 = arith.constant 0 : i32
    %c0_i32_0 = arith.constant 0 : i32
    %c0_i32_1 = arith.constant 0 : i32
    return %c0_i32, %c0_i32_0 : i32, i32
  }
  func.func @transform_6(%arg0: i32) -> (i32, i32) {
    %c0_i32 = arith.constant 0 : i32
    %c0_i32_0 = arith.constant 0 : i32
    return %arg0, %c0_i32 : i32, i32
  }
  func.func @transform_7(%arg0: i32) -> (i32, i32) {
    %c0_i32 = arith.constant 0 : i32
    %c0_i32_0 = arith.constant 0 : i32
    return %arg0, %c0_i32 : i32, i32
  }
}

module attributes {stable_mosaic.version = 14 : i64} {
  func.func @_finish_body(%arg0: i32, %arg1: memref<1000x128xf32, #tpu.memory_space<vmem>>, %arg2: memref<1000x128xf32, #tpu.memory_space<vmem>>, %arg3: memref<1000x1xf32, #tpu.memory_space<vmem>>, %arg4: memref<1000x1xf32, #tpu.memory_space<vmem>>, %arg5: memref<128x128xf32, #tpu.memory_space<vmem>>, %arg6: memref<1x128xf32, #tpu.memory_space<vmem>>, %arg7: memref<1000x128xf32, #tpu.memory_space<vmem>>) attributes {dimension_semantics = [#tpu.dimension_semantics<arbitrary>], iteration_bounds = array<i64: 10>, scalar_prefetch = 0 : i64, scratch_operands = 0 : i64, tpu.core_type = #tpu.core_type<tc>, window_params = [{transform_indices = @transform_0, window_bounds = array<i64: 1000, 128>}, {transform_indices = @transform_1, window_bounds = array<i64: 1000, 128>}, {transform_indices = @transform_2, window_bounds = array<i64: 1000, 1>}, {transform_indices = @transform_3, window_bounds = array<i64: 1000, 1>}, {pipeline_mode = #tpu.pipeline_mode<synchronous>, transform_indices = @transform_4, window_bounds = array<i64: 128, 128>}, {pipeline_mode = #tpu.pipeline_mode<synchronous>, transform_indices = @transform_5, window_bounds = array<i64: 1, 128>}, {transform_indices = @transform_6, window_bounds = array<i64: 1000, 128>}]} {
    %get3A = arith.constant 0 : index
    %get3A_0 = arith.constant 0 : index
    %get3A_1 = vector.load %arg3[%get3A, %get3A_0] : memref<1000x1xf32, #tpu.memory_space<vmem>>, vector<1000x1xf32>
    %get3A_2 = arith.constant 0 : index
    %get3A_3 = arith.constant 0 : index
    %get3A_4 = vector.load %arg4[%get3A_2, %get3A_3] : memref<1000x1xf32, #tpu.memory_space<vmem>>, vector<1000x1xf32>
    %add3A = arith.addf %get3A_1, %get3A_4 : vector<1000x1xf32>
    %gt3A = arith.constant 0.000000e+00 : f32
    %gt3A_5 = vector.broadcast %gt3A : f32 to vector<1000x1xf32>
    %gt3A_6 = arith.cmpf ogt, %add3A, %gt3A_5 : vector<1000x1xf32>
    %div3A = arith.constant 1.000000e+00 : f32
    %div3A_7 = vector.broadcast %div3A : f32 to vector<1000x1xf32>
    %div3A_8 = arith.divf %div3A_7, %add3A : vector<1000x1xf32>
    %jit3A = arith.constant 0.000000e+00 : f32
    %broadcast_in_dim3A = vector.broadcast %jit3A : f32 to vector<1000x1xf32>
    %select_n3A = arith.select %gt3A_6, %div3A_8, %broadcast_in_dim3A : vector<1000x1xi1>, vector<1000x1xf32>
    %get3A_9 = arith.constant 0 : index
    %get3A_10 = arith.constant 0 : index
    %get3A_11 = vector.load %arg1[%get3A_9, %get3A_10] : memref<1000x128xf32, #tpu.memory_space<vmem>>, vector<1000x128xf32>
    %get3A_12 = arith.constant 0 : index
    %get3A_13 = arith.constant 0 : index
    %get3A_14 = vector.load %arg2[%get3A_12, %get3A_13] : memref<1000x128xf32, #tpu.memory_space<vmem>>, vector<1000x128xf32>
    %add3A_15 = arith.addf %get3A_11, %get3A_14 : vector<1000x128xf32>
    %mul3A = vector.broadcast %select_n3A : vector<1000x1xf32> to vector<1000x128xf32>
    %mul3A_16 = arith.mulf %add3A_15, %mul3A : vector<1000x128xf32>
    %get3A_17 = arith.constant 0 : index
    %get3A_18 = arith.constant 0 : index
    %get3A_19 = vector.load %arg5[%get3A_17, %get3A_18] : memref<128x128xf32, #tpu.memory_space<vmem>>, vector<128x128xf32>
    %dot_general3A = arith.constant dense<0.000000e+00> : vector<1000x128xf32>
    %dot_general3A_20 = tpu.matmul %mul3A_16, %get3A_19, %dot_general3A {dimension_numbers = #tpu.dot_dimension_numbers<[1], [0], [0], [1], [0, 0, 1, 1], [], []>, transpose_lhs_hint = false} : vector<1000x128xf32>, vector<128x128xf32>, vector<1000x128xf32> -> vector<1000x128xf32>
    %get3A_21 = arith.constant 0 : index
    %get3A_22 = arith.constant 0 : index
    %get3A_23 = vector.load %arg6[%get3A_21, %get3A_22] : memref<1x128xf32, #tpu.memory_space<vmem>>, vector<1x128xf32>
    %add3A_24 = vector.broadcast %get3A_23 : vector<1x128xf32> to vector<1000x128xf32>
    %add3A_25 = arith.addf %dot_general3A_20, %add3A_24 : vector<1000x128xf32>
    %swap3A = arith.constant 0 : index
    %swap3A_26 = arith.constant 0 : index
    %swap3A_27 = vector.load %arg7[%swap3A, %swap3A_26] : memref<1000x128xf32, #tpu.memory_space<vmem>>, vector<1000x128xf32>
    tpu.vector_store %arg7[%swap3A, %swap3A_26], %add3A_25 {strides = array<i32>} : memref<1000x128xf32, #tpu.memory_space<vmem>>, vector<1000x128xf32>,
    return
  }
  func.func @transform_0(%arg0: i32) -> (i32, i32) {
    %c0_i32 = arith.constant 0 : i32
    %c0_i32_0 = arith.constant 0 : i32
    return %arg0, %c0_i32 : i32, i32
  }
  func.func @transform_1(%arg0: i32) -> (i32, i32) {
    %c0_i32 = arith.constant 0 : i32
    %c0_i32_0 = arith.constant 0 : i32
    return %arg0, %c0_i32 : i32, i32
  }
  func.func @transform_2(%arg0: i32) -> (i32, i32) {
    %c0_i32 = arith.constant 0 : i32
    %c0_i32_0 = arith.constant 0 : i32
    return %arg0, %c0_i32 : i32, i32
  }
  func.func @transform_3(%arg0: i32) -> (i32, i32) {
    %c0_i32 = arith.constant 0 : i32
    %c0_i32_0 = arith.constant 0 : i32
    return %arg0, %c0_i32 : i32, i32
  }
  func.func @transform_4(%arg0: i32) -> (i32, i32) {
    %c0_i32 = arith.constant 0 : i32
    %c0_i32_0 = arith.constant 0 : i32
    %c0_i32_1 = arith.constant 0 : i32
    return %c0_i32, %c0_i32_0 : i32, i32
  }
  func.func @transform_5(%arg0: i32) -> (i32, i32) {
    %c0_i32 = arith.constant 0 : i32
    %c0_i32_0 = arith.constant 0 : i32
    %c0_i32_1 = arith.constant 0 : i32
    return %c0_i32, %c0_i32_0 : i32, i32
  }
  func.func @transform_6(%arg0: i32) -> (i32, i32) {
    %c0_i32 = arith.constant 0 : i32
    %c0_i32_0 = arith.constant 0 : i32
    return %arg0, %c0_i32 : i32, i32
  }
}

</mosaic_0001>

<sc_bundles>
// kernel: kernel.10.cloned.1.call-start
scs
__scs_entry_jumppad:
0x0: {  	(pc) =	sbr.rel $0x88, $3  }
0x1: {  	(tag) =	ssettag $0x0;
	lr =	simm.s32 $0x1  }
0x2: {  	[smem:$0x3F96] =	sst lr;
	_ =	strace $0xD0000000  }
0x3: {  	_ = 	snop  }
0x4: {  	_ = 	snop  }
0x5: {  	_ = 	snop  }
0x6: {  	_ = 	snop  }
0x7: {  	_ = 	snop  }
__scs_overlays_trampoline_lowered:
0x8: {  	[smem:$0x3FA5] =	sst s0  }
0x9: {  	[smem:$0x3FA6] =	sst s1  }
0xa: {  	[smem:$0x3FA7] =	sst s2  }
0xb: {  	[smem:$0x3FA8] =	sst s3  }
0xc: {  	[smem:$0x3FA9] =	sst s4  }
0xd: {  	[smem:$0x3FAA] =	sst s5  }
0xe: {  	[smem:$0x3FAB] =	sst s6  }
0xf: {  	[smem:$0x3FAC] =	sst s7  }
0x10: {  	[smem:$0x3FAD] =	sst s8  }
0x11: {  	[smem:$0x3FAE] =	sst s9;
	s0 =	simm.s32 @!p0 $0x0  }
0x12: {  	s1 =	sld [smem:$0x3F94];
	s0 =	simm.s32 @p0 $0x1  }
0x13: {  	[smem:$0x3FAF] =	sst s0;
	s0 =	simm.s32 @!p1 $0x0  }
0x14: {  	s2 =	sld [smem:$0x3F93];
	s0 =	simm.s32 @p1 $0x1  }
0x15: {  	[smem:$0x3FB0] =	sst s0;
	s0 =	simm.s32 @!p2 $0x0  }
0x16: {  	s3 =	sld [smem:$0x3FDB];
	s0 =	simm.s32 @p2 $0x1  }
0x17: {  	s4 =	simm.s32 $0x1BF5;
	[smem:$0x3FB2] =	sst s0  }
0x18: {  	s0 =	sld [smem:$0x3F95];
	_ =	swait.ge [sflag:s4], $0x0  }
0x19: {  	s7 =	sld [smem:$0x3F96]  }
0x1a: {  	s8 =	sadd.s32 $0xFFFFE003, lr  }
0x1b: {  	s9 =	sadd.s32 $0xFFFFFEF7, lr;
	s5 =	simm.s32 $0xFFFFFFFF;
	p2 =	slt.u32 s8, $0xFFFFF086  }
0x1c: {  	p1 =	slt.u32 s9, $0xF7A;
	s5 =	simm.s32 @!p2 $0x0  }
0x1d: {  	s5 =	simm.s32 @p1 $0x1;
	p0 =	seq.s32 s7, s2  }
0x1e: {  	s7 =	smul.u32 @!p0 $0xF7A, s2;
	p2 =	seq.s32 @!p0 s5, $0x0  }
0x1f: {  	s9 =	smul.u32 $0xF7A, s1;
	s8 =	simm.s32 @!p0 $0x1BF5;
	p2 =	por !p2, p0  }
0x20: {  	[sflag:s8] =	ssyncset.s32 @!p0 $0xFFFFF086;
	s6 =	sadd.s32 @!p0 s3, s7;
	s7 =	simm.s32 @!p0 $0x108  }
0x21: {  	s3 =	sadd.s32 s3, s9;
	s6 =	sadd.s32 @!p0 $0x88, s6;
	s7 =	simm.s32 @p2 $0x1082  }
0x22: {  	[simem:s7], [sflag:s8] =	dma.local @!p0 [hbm:s6], $0xF7A  }
0x23: {  	s9 =	sor.u32 $0xD0000000, s2;
	s6 =	simm.s32 $0x108;
	_ =	swait.ge @!p0 [sflag:s8], $0x0  }
0x24: {  	s3 =	sadd.s32 $0x88, s3;
	s6 =	simm.s32 @!p1 $0x1082;
	[sflag:s4] =	ssyncset.s32 $0xFFFFF086  }
0x25: {  	[simem:s6], [sflag:s4] =	dma.local [hbm:s3], $0xF7A  }
0x26: {  	[smem:$0x3F96] =	sst s1;
	(tag) =	ssettag s2;
	_ =	strace s9  }
0x27: {  	s1 =	sld [smem:$0x3FA6]  }
0x28: {  	s2 =	sld [smem:$0x3FA7]  }
0x29: {  	s4 =	sld [smem:$0x3FA9]  }
0x2a: {  	p0 =	seq.s32 s5, $0x0;
	s5 =	sld [smem:$0x3FAA]  }
0x2b: {  	s6 =	sld [smem:$0x3FAB]  }
0x2c: {  	s7 =	sld [smem:$0x3FAC]  }
0x2d: {  	s3 =	simm.s32 $0x108;
	s8 =	sld [smem:$0x3FAD]  }
0x2e: {  	s3 =	simm.s32 @!p0 $0x1082;
	s9 =	sld [smem:$0x3FAE]  }
0x2f: {  	lr =	sadd.s32 s0, s3;
	s0 =	sld [smem:$0x3FA5]  }
0x30: {  	s3 =	sld [smem:$0x3FA8]  }
0x31: {  	[smem:$0x3FB1] =	sst s10  }
0x32: {  	s10 =	sld [smem:$0x3FAF];
	_ =	sdelay $0x3  }
0x33: {  	p0 =	seq.s32 s10, $0x1;
	s10 =	sld [smem:$0x3FB1];
	_ =	sdelay $0x3  }
0x34: {  	[smem:$0x3FB1] =	sst s10  }
0x35: {  	s10 =	sld [smem:$0x3FB0];
	_ =	sdelay $0x3  }
0x36: {  	p1 =	seq.s32 s10, $0x1;
	s10 =	sld [smem:$0x3FB1];
	_ =	sdelay $0x3  }
0x37: {  	[smem:$0x3FB1] =	sst s10  }
0x38: {  	s10 =	sld [smem:$0x3FB2]  }
0x39: {  	_ = 	snop;
	(pc) =	sbr.ind lr, $3  }
0x3a: {  	_ = 	snop  }
0x3b: {  	_ = 	snop  }
0x3c: {  	p2 =	seq.s32 s10, $0x1;
	s10 =	sld [smem:$0x3FB1]  }
0x3d: {  	_ =	shalt  }
0x3e: {  	_ =	shalt  }
0x3f: {  	_ =	shalt  }
0x40: {  	_ =	shalt  }
0x41: {  	_ =	shalt  }
0x42: {  	_ =	shalt  }
0x43: {  	_ =	shalt  }
0x44: {  	_ =	shalt  }
0x45: {  	_ =	shalt  }
0x46: {  	_ =	shalt  }
0x47: {  	_ =	shalt  }
0x48: {  	_ =	shalt  }
0x49: {  	_ =	shalt  }
0x4a: {  	_ =	shalt  }
0x4b: {  	_ =	shalt  }
0x4c: {  	_ =	shalt  }
0x4d: {  	_ =	shalt  }
0x4e: {  	_ =	shalt  }
0x4f: {  	_ =	shalt  }
0x50: {  	_ =	shalt  }
0x51: {  	_ =	shalt  }
0x52: {  	_ =	shalt  }
0x53: {  	_ =	shalt  }
0x54: {  	_ =	shalt  }
0x55: {  	_ =	shalt  }
0x56: {  	_ =	shalt  }
0x57: {  	_ =	shalt  }
0x58: {  	_ =	shalt  }
0x59: {  	_ =	shalt  }
0x5a: {  	_ =	shalt  }
0x5b: {  	_ =	shalt  }
0x5c: {  	_ =	shalt  }
0x5d: {  	_ =	shalt  }
0x5e: {  	_ =	shalt  }
0x5f: {  	_ =	shalt  }
0x60: {  	_ =	shalt  }
0x61: {  	_ =	shalt  }
0x62: {  	_ =	shalt  }
0x63: {  	_ =	shalt  }
0x64: {  	_ =	shalt  }
0x65: {  	_ =	shalt  }
0x66: {  	_ =	shalt  }
0x67: {  	_ =	shalt  }
0x68: {  	_ =	shalt  }
0x69: {  	_ =	shalt  }
0x6a: {  	_ =	shalt  }
0x6b: {  	_ =	shalt  }
0x6c: {  	_ =	shalt  }
0x6d: {  	_ =	shalt  }
0x6e: {  	_ =	shalt  }
0x6f: {  	_ =	shalt  }
0x70: {  	_ =	shalt  }
0x71: {  	_ =	shalt  }
0x72: {  	_ =	shalt  }
0x73: {  	_ =	shalt  }
0x74: {  	_ =	shalt  }
0x75: {  	_ =	shalt  }
0x76: {  	_ =	shalt  }
0x77: {  	_ =	shalt  }
0x78: {  	_ =	shalt  }
0x79: {  	_ =	shalt  }
0x7a: {  	_ =	shalt  }
0x7b: {  	_ =	shalt  }
0x7c: {  	_ =	shalt  }
0x7d: {  	_ =	shalt  }
0x7e: {  	_ =	shalt  }
0x7f: {  	_ =	shalt  }
0x80: {  	_ =	shalt  }
0x81: {  	_ =	shalt  }
0x82: {  	_ =	shalt  }
0x83: {  	_ =	shalt  }
0x84: {  	_ =	shalt  }
0x85: {  	_ =	shalt  }
0x86: {  	_ =	shalt  }
0x87: {  	_ =	shalt  }
.Lfunc_end0:
.L_simem_size_0:
called_computation.1_lowered:
.L_overlay_start_0:
0x88: {  	s2 =	sld [smem:$0x3FD9]  }
0x89: {  	s3 =	sld [smem:$0x3FFE];
	_ =	sdelay $0x1  }
0x8a: {  	s1 =	srdreg.scid  }
0x8b: {  	s0 =	sand.u32 $0x1, s1  }
0x8c: {  	s17 =	sshll.u32 s0, $0xA;
	s2 =	sadd.s32 s3, s2  }
0x8d: {  	s2 =	sadd.s32 s2, s17  }
0x8e: {  	[smem:$0x3FBD] =	sst s2  }
0x8f: {  	_ = 	snop  }
0x90: {  	s2 =	sld [smem:$0x3FD0];
	(tm) =	ssettm $0x1  }
0x91: {  	s18 =	sld [smem:$0x3FFB];
	_ =	sdelay $0x3  }
0x92: {  	_ =	strace s18  }
0x93: {  	s3 =	sld [smem:$0x3FFC];
	_ =	sdelay $0x3  }
0x94: {  	_ =	strace s3  }
0x95: {  	s3 =	sld [smem:$0x3FFD];
	_ =	sdelay $0x3  }
0x96: {  	_ =	strace s3  }
0x97: {  	_ =	strace $0x8FFFFFFF  }
0x98: {  	s19 =	sld [smem:$0x3FDB];
	_ =	sdelay $0x1  }
0x99: {  	s4 =	simm.s32 $_scs_section_size  }
0x9a: {  	s5 =	simm.s32 $_size__tile_overlayer_lowered;
	s6 =	simm.s32 $_tile_overlayer_lowered  }
0x9b: {  	s22 =	simm.s32 $0x1BFF;
	s21 =	sshll.u32 s6, $0x1;
	s3 =	sadd.s32 s4, s19  }
0x9c: {  	s7 =	simm.s32 $0x0;
	s20 =	sshll.u32 s5, $0x1;
	s5 =	sadd.s32 s21, s3  }
0x9d: {  	[timem:s7], [sflag:s22] =	dma.local [hbm:s5], s20  }
0x9e: {  	_ =	swait.ge [sflag:s22], s20  }
0x9f: {  	s4 =	ssub.s32 $0x0, s20;
	[sflag:s22] =	ssyncset.done $0x0  }
0xa0: {  	[sflag:s22] =	ssyncadd.s32 s4;
	_ =	sdelay $0x1  }
0xa1: {  	s23 =	simm.s32 $0x1B8B  }
0xa2: {  	_ =	swait.ge [sflag:s23], $0x1  }
0xa3: {  	[sflag:s23] =	ssyncset.done $0x0  }
0xa4: {  	s25 =	simm.s32 $0x1B8E;
	s24 =	sld [smem:$0x3FFE];
	[sflag:s23] =	ssyncadd.s32 $0xFFFFFFFF  }
0xa5: {  	s26 =	simm.s32 $execute0_lowered;
	[smem:$0x3FD2] =	sst s25  }
0xa6: {  	s5 =	sshll.u32 s26, $0x1;
	_ =	strace $0x80000049;
	[dreg:$0x1] =	wrdreg $0xFFFFFFFF  }
0xa7: {  	s28 =	simm.s32 $_size_execute0_lowered;
	s3 =	sadd.s32 s3, s5;
	[dreg:$0x0] =	wrdreg $0x0  }
0xa8: {  	s5 =	sshll.u32 s28, $0x1;
	[dreg:$0x2] =	wrdreg s3  }
0xa9: {  	[dreg:$0x3] =	wrdreg s5  }
0xaa: {  	[dreg:$0x4] =	wrdreg $0xC0  }
0xab: {  	_ =	task [dreg:s7], $0x5FFFF  }
0xac: {  	[dreg:$0x1] =	wrdreg $0xFFFFFFFF  }
0xad: {  	[dreg:$0x0] =	wrdreg $0x60  }
0xae: {  	[dreg:$0x2] =	wrdreg s24  }
0xaf: {  	[dreg:$0x3] =	wrdreg s2  }
0xb0: {  	[dreg:$0x4] =	wrdreg $0x0  }
0xb1: {  	[dreg:$0x5] =	wrdreg $0x138800  }
0xb2: {  	[dreg:$0x6] =	wrdreg $0x9  }
0xb3: {  	_ =	task.clear_ibuf [dreg:s7], $0x7FFFF;
	_ =	strace $0x90000049  }
0xb4: {  	s29 =	simm.s32 $0x9;
	_ =	strace $0x8000004B  }
0xb5: {  	_ =	swait.ge [sflag:s29], $0x1  }
0xb6: {  	[sflag:s29] =	ssyncadd.s32 $0xFFFFFFFF  }
0xb7: {  	_ =	strace $0x9000004B  }
0xb8: {  	_ =	sfence  }
0xb9: {  	s30 =	sld [smem:$0x0];
	_ =	sdelay $0x2  }
0xba: {  	s31 =	sshll.u32 s1, $0xD;
	s1 =	sshrl.u32 s1, $0x2  }
0xbb: {  	s3 =	sand.u32 $0x4000, s31;
	s1 =	sadd.s32 s1, s30  }
0xbc: {  	s0 =	sor.u32 s3, s0;
	s1 =	sshll.u32 s1, $0x11  }
0xbd: {  	s0 =	sor.u32 s1, s0  }
0xbe: {  	s0 =	sadd.s32 $0x8F2B, s0  }
0xbf: {  	[sflag:s0] =	ssyncadd.remote.s32 $0x1  }
0xc0: {  	_ =	sfence.sel $0xFFFF  }
0xc1: {  	[dreg:$0x0] =	wrdreg $0xFFFFFFFF;
	(pc) =	sbr.abs _section_cstart, $3  }
0xc2: {  	[dreg:$0x1] =	wrdreg $0xFFFFFFFF  }
0xc3: {  	_ =	task.clear_ibuf [dreg:s7], $0x2FFFF;
	_ =	strace $0x9FFFFFFF  }
0xc4: {  	(tm) =	ssettm $0x7FFFFFFF  }
0xc5: {  	_ =	shalt  }
tec
execute0_lowered:
.L_overlay_start_1:
0x0: {  	(tag) =	ssettag $0x1  }
0x1: {  	s0 =	rddreg [dreg:$0x0];
	s4 =	srdreg.scid  }
0x2: {  	s6 =	rddreg [dreg:$0x1];
	s7 =	sand.u32 $0x1, s4  }
0x3: {  	s4 =	stileid.u32;
	s5 =	smul.u32 $0x138800, s7  }
0x4: {  	s1 =	rddreg [dreg:$0x2];
	s9 =	smul.u32 $0x1F400, s4  }
0x5: {  	s2 =	rddreg [dreg:$0x3];
	s3 =	simm.s32 $0x0;
	s11 =	smul.u32 $0x3E8, s4  }
0x6: {  	[smem:$0x7FF] =	sst s3;
	s10 =	sadd.s32 $0xEEF200, s0;
	s15 =	smul.u32 $0x2710, s7  }
0x7: {  	_ =	strace $0x8000004A;
	s8 =	sshll.u32 s4, $0x1;
	s13 =	smul.u32 $0x7D000, s4  }
0x8: {  	s17 =	ssub.s32 $0x2, s7;
	s8 =	sor.u32 s7, s8;
	s5 =	sadd.s32 s9, s5  }
0x9: {  	s12 =	sshll.u32 s8, $0xB;
	s16 =	sadd.s32 s11, s15;
	s5 =	sshrl.u32 s5, $0x3  }
0xa: {  	s18 =	smul.u32 $0x2710, s8;
	s14 =	sadd.s32 s5, s0;
	s5 =	sshrl.u32 s16, $0x3  }
0xb: {  	s13 =	sshrl.u32 s13, $0x2;
	s12 =	sadd.s32 s12, s0;
	s0 =	sadd.s32 s5, s0  }
0xc: {  	s5 =	sadd.s32 s13, s1;
	s13 =	sshrl.u32 s18, $0x3;
	s18 =	sadd.s32 $0x7D0, s2  }
0xd: {  	s29 =	smul.u32 $0x27100, s7;
	s19 =	sadd.s32 $0x2800, s5;
	[dreg:$0x12] =	wrdreg s18  }
0xe: {  	p1 =	sgt.u32 s4, $0x9;
	s20 =	sadd.s32 $0x5000, s5;
	[dreg:$0x5] =	wrdreg s19  }
0xf: {  	p0 =	sne.s32 s4, $0x0;
	s21 =	sadd.s32 $0x7800, s5;
	[dreg:$0x6] =	wrdreg s20  }
0x10: {  	s15 =	sshrl.u32 s17, $0x1;
	s22 =	sadd.s32 $0xA000, s5;
	[dreg:$0x7] =	wrdreg s21  }
0x11: {  	s8 =	smul.u32 $0x27100, s8;
	s23 =	sadd.s32 $0xC800, s5;
	[dreg:$0x8] =	wrdreg s22  }
0x12: {  	s9 =	ssub.s32 s17, s15;
	s24 =	sadd.s32 $0xF000, s5;
	[dreg:$0x9] =	wrdreg s23  }
0x13: {  	s16 =	smul.u32 $0x4E200, s4;
	s25 =	sadd.s32 $0x11800, s5;
	[dreg:$0xa] =	wrdreg s24  }
0x14: {  	s17 =	sadd.s32 s10, s8;
	s26 =	sadd.s32 $0x14000, s5;
	[dreg:$0xb] =	wrdreg s25  }
0x15: {  	s8 =	sadd.s32 $0x2328, s2;
	s28 =	sadd.s32 $0x16800, s5;
	[dreg:$0xc] =	wrdreg s26  }
0x16: {  	s15 =	sadd.s32 s6, s13;
	s30 =	sadd.s32 $0x19000, s5;
	[dreg:$0xd] =	wrdreg s28  }
0x17: {  	s31 =	sadd.s32 s16, s10;
	s10 =	sadd.s32 $0x1B800, s5;
	[dreg:$0xe] =	wrdreg s30  }
0x18: {  	s13 =	sadd.s32 $0x1E000, s5;
	s16 =	sadd.s32 $0x3E8, s2;
	[dreg:$0xf] =	wrdreg s10  }
0x19: {  	s6 =	sadd.s32 s29, s31;
	[dreg:$0x10] =	wrdreg s13;
	s20 =	sadd.s32 $0x1E00, s12  }
0x1a: {  	s21 =	sadd.s32 $0x12800, s14;
	s22 =	sadd.s32 s11, s2;
	s23 =	sadd.s32 $0x11E00, s0  }
0x1b: {  	s24 =	smax.u32 s9, $0x1;
	[dreg:$0x11] =	wrdreg s16;
	s19 =	sadd.s32 $0xBB8, s2  }
0x1c: {  	s26 =	sadd.s32 $0xFA0, s2;
	s28 =	sadd.s32 $0x1388, s2;
	[dreg:$0x13] =	wrdreg s19  }
0x1d: {  	s29 =	sadd.s32 $0x1770, s2;
	s30 =	sadd.s32 $0x1B58, s2;
	[dreg:$0x14] =	wrdreg s26  }
0x1e: {  	s31 =	sadd.s32 $0x1F40, s2;
	s9 =	simm.s32 $0x17AF8;
	[dreg:$0x15] =	wrdreg s28  }
0x1f: {  	s10 =	simm.s32 $0x3;
	s11 =	simm.s32 $0x50;
	[dreg:$0x16] =	wrdreg s29  }
0x20: {  	s12 =	simm.s32 $0x1;
	s13 =	simm.s32 $0x178F8;
	[dreg:$0x17] =	wrdreg s30  }
0x21: {  	v0 =	vimm.f32 $0.0e+00;
	s16 =	simm.s32 $0x0;
	s25 =	sadd.s32 $0x500, s6;
	[dreg:$0x18] =	wrdreg s31  }
.LBB2_1:
0x22: {  	s18 =	simm.s32 $0x0;
	s19 =	simm.s32 $0x200  }
.LBB2_2:
0x23: {  	p2 =	sne.s32 s19, $0x9E00;
	[tilespmem:s18+$0x17B68] =	vst v0  }
0x24: {  	[tilespmem:s18+$0x17AF8] =	vst v0  }
0x25: {  	[tilespmem:s18+$0x17B08] =	vst v0  }
.Ltmp0:
0x26: {  	[tilespmem:s18+$0x17B18] =	vst v0;
	(pc) =	sbr.rel @p2 .LBB2_2-.Ltmp0, $4  }
0x27: {  	[tilespmem:s18+$0x17B28] =	vst v0  }
0x28: {  	[tilespmem:s18+$0x17B38] =	vst v0  }
0x29: {  	[tilespmem:s18+$0x17B48] =	vst v0  }
0x2a: {  	[tilespmem:s18+$0x17B58] =	vst v0;
	s18 =	sshra.s32 s19, $0x2;
	s19 =	sadd.s32 $0x200, s19  }
0x2b: {  	[tilespmem:s18+$0x17B68] =	vst v0  }
0x2c: {  	[tilespmem:s18+$0x17AF8] =	vst v0  }
0x2d: {  	[tilespmem:s18+$0x17B08] =	vst v0  }
0x2e: {  	[tilespmem:s18+$0x17B18] =	vst v0  }
0x2f: {  	[tilespmem:s18+$0x17B28] =	vst v0  }
0x30: {  	[tilespmem:s18+$0x17B38] =	vst v0  }
0x31: {  	[tilespmem:s18+$0x17B48] =	vst v0  }
0x32: {  	[tilespmem:s18+$0x17B58] =	vst v0;
	s18 =	simm.s32 $0x40;
	s0 =	simm.s32 $0x0  }
.LBB2_4:
0x33: {  	p2 =	sne.s32 s18, $0xF40;
	[tilespmem:s0+$0x1F278] =	vst v0;
	s0 =	smov.u32 s18;
	s18 =	sadd.s32 $0x40, s18  }
.Ltmp1:
0x34: {  	(pc) =	sbr.rel @p2 .LBB2_4-.Ltmp1, $2  }
0x35: {  	_ =	sdelay $0x2  }
0x36: {  	s0 =	sshra.s32 s0, $0x2  }
.Ltmp2:
0x37: {  	(pc) =	sbr.rel @p1 .LBB2_7-.Ltmp2, $2  }
0x38: {  	_ =	sdelay $0x2  }
0x39: {  	[tilespmem:s0+$0x1F278] =	vst v0  }
0x3a: {  	[spmem:s5] =	stream.linear.scatter [tilespmem:s9], [sflag:$0x3], $0x2800, $0x38;
	[tilespmem:$0x1F678] =	vst v63  }
0x3b: {  	_ =	swait.ge [sflag:s10], $0x2800  }
0x3c: {  	[sflag:s10] =	ssyncset.done $0x0  }
0x3d: {  	s0 =	rddreg [dreg:$0x5];
	[sflag:s10] =	ssyncadd.s32 $0xFFFFD800  }
0x3e: {  	[spmem:s0] =	stream.linear.scatter [tilespmem:s9], [sflag:$0x3], $0x2800, $0x38;
	[tilespmem:$0x1F678] =	vst v63  }
0x3f: {  	_ =	swait.ge [sflag:s10], $0x2800  }
0x40: {  	[sflag:s10] =	ssyncset.done $0x0  }
0x41: {  	s4 =	rddreg [dreg:$0x6];
	[sflag:s10] =	ssyncadd.s32 $0xFFFFD800  }
0x42: {  	[spmem:s4] =	stream.linear.scatter [tilespmem:s9], [sflag:$0x3], $0x2800, $0x38;
	[tilespmem:$0x1F678] =	vst v63  }
0x43: {  	_ =	swait.ge [sflag:s10], $0x2800  }
0x44: {  	[sflag:s10] =	ssyncset.done $0x0  }
0x45: {  	s6 =	rddreg [dreg:$0x7];
	[sflag:s10] =	ssyncadd.s32 $0xFFFFD800  }
0x46: {  	[spmem:s6] =	stream.linear.scatter [tilespmem:s9], [sflag:$0x3], $0x2800, $0x38;
	[tilespmem:$0x1F678] =	vst v63  }
0x47: {  	_ =	swait.ge [sflag:s10], $0x2800  }
0x48: {  	[sflag:s10] =	ssyncset.done $0x0  }
0x49: {  	s7 =	rddreg [dreg:$0x8];
	[sflag:s10] =	ssyncadd.s32 $0xFFFFD800  }
0x4a: {  	[spmem:s7] =	stream.linear.scatter [tilespmem:s9], [sflag:$0x3], $0x2800, $0x38;
	[tilespmem:$0x1F678] =	vst v63  }
0x4b: {  	_ =	swait.ge [sflag:s10], $0x2800  }
0x4c: {  	[sflag:s10] =	ssyncset.done $0x0  }
0x4d: {  	s14 =	rddreg [dreg:$0x9];
	[sflag:s10] =	ssyncadd.s32 $0xFFFFD800  }
0x4e: {  	[spmem:s14] =	stream.linear.scatter [tilespmem:s9], [sflag:$0x3], $0x2800, $0x38;
	[tilespmem:$0x1F678] =	vst v63  }
0x4f: {  	_ =	swait.ge [sflag:s10], $0x2800  }
0x50: {  	[sflag:s10] =	ssyncset.done $0x0  }
0x51: {  	s18 =	rddreg [dreg:$0xa];
	[sflag:s10] =	ssyncadd.s32 $0xFFFFD800  }
0x52: {  	[spmem:s18] =	stream.linear.scatter [tilespmem:s9], [sflag:$0x3], $0x2800, $0x38;
	[tilespmem:$0x1F678] =	vst v63  }
0x53: {  	_ =	swait.ge [sflag:s10], $0x2800  }
0x54: {  	[sflag:s10] =	ssyncset.done $0x0  }
0x55: {  	s19 =	rddreg [dreg:$0xb];
	[sflag:s10] =	ssyncadd.s32 $0xFFFFD800  }
0x56: {  	[spmem:s19] =	stream.linear.scatter [tilespmem:s9], [sflag:$0x3], $0x2800, $0x38;
	[tilespmem:$0x1F678] =	vst v63  }
0x57: {  	_ =	swait.ge [sflag:s10], $0x2800  }
0x58: {  	[sflag:s10] =	ssyncset.done $0x0  }
0x59: {  	s26 =	rddreg [dreg:$0xc];
	[sflag:s10] =	ssyncadd.s32 $0xFFFFD800  }
0x5a: {  	[spmem:s26] =	stream.linear.scatter [tilespmem:s9], [sflag:$0x3], $0x2800, $0x38;
	[tilespmem:$0x1F678] =	vst v63  }
0x5b: {  	_ =	swait.ge [sflag:s10], $0x2800  }
0x5c: {  	[sflag:s10] =	ssyncset.done $0x0  }
0x5d: {  	s28 =	rddreg [dreg:$0xd];
	[sflag:s10] =	ssyncadd.s32 $0xFFFFD800  }
0x5e: {  	[spmem:s28] =	stream.linear.scatter [tilespmem:s9], [sflag:$0x3], $0x2800, $0x38;
	[tilespmem:$0x1F678] =	vst v63  }
0x5f: {  	_ =	swait.ge [sflag:s10], $0x2800  }
0x60: {  	[sflag:s10] =	ssyncset.done $0x0  }
0x61: {  	s29 =	rddreg [dreg:$0xe];
	[sflag:s10] =	ssyncadd.s32 $0xFFFFD800  }
0x62: {  	[spmem:s29] =	stream.linear.scatter [tilespmem:s9], [sflag:$0x3], $0x2800, $0x38;
	[tilespmem:$0x1F678] =	vst v63  }
0x63: {  	_ =	swait.ge [sflag:s10], $0x2800  }
0x64: {  	[sflag:s10] =	ssyncset.done $0x0  }
0x65: {  	s30 =	rddreg [dreg:$0xf];
	[sflag:s10] =	ssyncadd.s32 $0xFFFFD800  }
0x66: {  	[spmem:s30] =	stream.linear.scatter [tilespmem:s9], [sflag:$0x3], $0x2800, $0x38;
	[tilespmem:$0x1F678] =	vst v63  }
0x67: {  	_ =	swait.ge [sflag:s10], $0x2800  }
0x68: {  	[sflag:s10] =	ssyncset.done $0x0  }
0x69: {  	s31 =	rddreg [dreg:$0x10];
	[sflag:s10] =	ssyncadd.s32 $0xFFFFD800  }
0x6a: {  	[spmem:s31] =	stream.linear.scatter [tilespmem:s9], [sflag:$0x3], $0x1400, $0x38;
	[tilespmem:$0x1F678] =	vst v63  }
0x6b: {  	_ =	swait.ge [sflag:s10], $0x1400  }
0x6c: {  	[sflag:s10] =	ssyncset.done $0x0  }
0x6d: {  	s0 =	simm.s32 @!p0 $0x1F278;
	s18 =	simm.s32 @!p0 $0x3;
	[sflag:s10] =	ssyncadd.s32 $0xFFFFEC00  }
0x6e: {  	[spmem:s2] =	stream.linear.scatter @!p0 [tilespmem:s0], [sflag:$0x3], $0x3E8, $0x38;
	[tilespmem:$0x1F678] =	vst v63  }
0x6f: {  	_ =	swait.ge @!p0 [sflag:s18], $0x3E8  }
0x70: {  	[sflag:s18] =	ssyncset.done @!p0 $0x0  }
0x71: {  	s4 =	rddreg [dreg:$0x11];
	[sflag:s18] =	ssyncadd.s32 @!p0 $0xFFFFFC18  }
0x72: {  	[spmem:s4] =	stream.linear.scatter @!p0 [tilespmem:s0], [sflag:$0x3], $0x3E8, $0x38;
	[tilespmem:$0x1F678] =	vst v63  }
0x73: {  	_ =	swait.ge @!p0 [sflag:s18], $0x3E8  }
0x74: {  	[sflag:s18] =	ssyncset.done @!p0 $0x0  }
0x75: {  	s4 =	rddreg [dreg:$0x12];
	[sflag:s18] =	ssyncadd.s32 @!p0 $0xFFFFFC18  }
0x76: {  	[spmem:s4] =	stream.linear.scatter @!p0 [tilespmem:s0], [sflag:$0x3], $0x3E8, $0x38;
	[tilespmem:$0x1F678] =	vst v63  }
0x77: {  	_ =	swait.ge @!p0 [sflag:s18], $0x3E8  }
0x78: {  	[sflag:s18] =	ssyncset.done @!p0 $0x0  }
0x79: {  	s4 =	rddreg [dreg:$0x13];
	[sflag:s18] =	ssyncadd.s32 @!p0 $0xFFFFFC18  }
0x7a: {  	[spmem:s4] =	stream.linear.scatter @!p0 [tilespmem:s0], [sflag:$0x3], $0x3E8, $0x38;
	[tilespmem:$0x1F678] =	vst v63  }
0x7b: {  	_ =	swait.ge @!p0 [sflag:s18], $0x3E8  }
0x7c: {  	[sflag:s18] =	ssyncset.done @!p0 $0x0  }
0x7d: {  	s4 =	rddreg [dreg:$0x14];
	[sflag:s18] =	ssyncadd.s32 @!p0 $0xFFFFFC18  }
0x7e: {  	[spmem:s4] =	stream.linear.scatter @!p0 [tilespmem:s0], [sflag:$0x3], $0x3E8, $0x38;
	[tilespmem:$0x1F678] =	vst v63  }
0x7f: {  	_ =	swait.ge @!p0 [sflag:s18], $0x3E8  }
0x80: {  	[sflag:s18] =	ssyncset.done @!p0 $0x0  }
0x81: {  	s4 =	rddreg [dreg:$0x15];
	[sflag:s18] =	ssyncadd.s32 @!p0 $0xFFFFFC18  }
0x82: {  	[spmem:s4] =	stream.linear.scatter @!p0 [tilespmem:s0], [sflag:$0x3], $0x3E8, $0x38;
	[tilespmem:$0x1F678] =	vst v63  }
0x83: {  	_ =	swait.ge @!p0 [sflag:s18], $0x3E8  }
0x84: {  	[sflag:s18] =	ssyncset.done @!p0 $0x0  }
0x85: {  	s4 =	rddreg [dreg:$0x16];
	[sflag:s18] =	ssyncadd.s32 @!p0 $0xFFFFFC18  }
0x86: {  	[spmem:s4] =	stream.linear.scatter @!p0 [tilespmem:s0], [sflag:$0x3], $0x3E8, $0x38;
	[tilespmem:$0x1F678] =	vst v63  }
0x87: {  	_ =	swait.ge @!p0 [sflag:s18], $0x3E8  }
0x88: {  	[sflag:s18] =	ssyncset.done @!p0 $0x0  }
0x89: {  	s4 =	rddreg [dreg:$0x17];
	[sflag:s18] =	ssyncadd.s32 @!p0 $0xFFFFFC18  }
0x8a: {  	[spmem:s4] =	stream.linear.scatter @!p0 [tilespmem:s0], [sflag:$0x3], $0x3E8, $0x38;
	[tilespmem:$0x1F678] =	vst v63  }
0x8b: {  	_ =	swait.ge @!p0 [sflag:s18], $0x3E8  }
0x8c: {  	[sflag:s18] =	ssyncset.done @!p0 $0x0  }
0x8d: {  	s4 =	rddreg [dreg:$0x18];
	[sflag:s18] =	ssyncadd.s32 @!p0 $0xFFFFFC18  }
0x8e: {  	[spmem:s4] =	stream.linear.scatter @!p0 [tilespmem:s0], [sflag:$0x3], $0x3E8, $0x38;
	[tilespmem:$0x1F678] =	vst v63  }
0x8f: {  	_ =	swait.ge @!p0 [sflag:s18], $0x3E8  }
0x90: {  	[sflag:s18] =	ssyncset.done @!p0 $0x0  }
0x91: {  	[sflag:s18] =	ssyncadd.s32 @!p0 $0xFFFFFC18  }
0x92: {  	[spmem:s8] =	stream.linear.scatter @!p0 [tilespmem:s0], [sflag:$0x3], $0x3E8, $0x38;
	[tilespmem:$0x1F678] =	vst v63  }
0x93: {  	_ =	swait.ge @!p0 [sflag:s18], $0x3E8  }
0x94: {  	[sflag:s18] =	ssyncset.done @!p0 $0x0  }
0x95: {  	[sflag:s18] =	ssyncadd.s32 @!p0 $0xFFFFFC18  }
.LBB2_7:
0x96: {  	s0 =	simm.s32 $0x0;
	s18 =	simm.s32 $0x13AF8  }
0x97: {  	[tilespmem:s18], [sflag:$0x3] =	stream.linear.gather [hbm4b:s20+s0], $0x3E80, $0x38;
	[tilespmem:$0x1F678] =	vst v63  }
0x98: {  	_ =	swait.ge [sflag:s10], $0x3E80  }
0x99: {  	[sflag:s10] =	ssyncset.done $0x0  }
0x9a: {  	s19 =	simm.s32 $0x1CAF8;
	s26 =	sand.u32 $0x1, s0;
	[sflag:s10] =	ssyncadd.s32 $0xFFFFC180  }
0x9b: {  	[tilespmem:s19], [sflag:$0x3] =	stream.linear.gather [hbm4b:s15+s0], $0x2710, $0x38;
	[tilespmem:$0x1F678] =	vst v63  }
0x9c: {  	s28 =	sxor.u32 $0x1, s26;
	_ =	swait.ge [sflag:s10], $0x2710  }
0x9d: {  	s29 =	smul.u32 $0xA000, s28;
	[sflag:s10] =	ssyncset.done $0x0  }
0x9e: {  	[sflag:s10] =	ssyncadd.s32 $0xFFFFD8F0  }
0x9f: {  	s7 =	smul.u32 $0xA000, s26;
	s29 =	sshrl.u32 s29, $0x2;
	[bflag:$0x0] =	sbarrier.arrive $0xFFFF  }
0xa0: {  	[tilespmem:s9], [sflag:$0x1] =	stream.linear.gather [hbm4b:s17+s0], $0x2800, $0x38;
	[tilespmem:$0x1F678] =	vst v63  }
0xa1: {  	s26 =	sadd.s32 $0x1, s26;
	s28 =	sadd.s32 $0x1, s28;
	s29 =	sadd.s32 $0x17AF8, s29  }
0xa2: {  	[tilespmem:s29], [sflag:s28] =	stream.linear.gather [hbm4b:s25+s3], $0x2800, $0x38;
	[tilespmem:$0x1F678] =	vst v63  }
0xa3: {  	s0 =	sshrl.u32 s7, $0x2;
	s28 =	simm.s32 $0x1;
	_ =	swait.ge [sflag:s26], $0x2800  }
0xa4: {  	s0 =	sadd.s32 $0x17AF8, s0;
	s28 =	sand.u32 $0x1, s28;
	[sflag:s26] =	ssyncset.done $0x0  }
0xa5: {  	s29 =	sxor.u32 $0x1, s28;
	s30 =	smul.u32 $0xA000, s28;
	[sflag:s26] =	ssyncadd.s32 $0xFFFFD800  }
0xa6: {  	[spmem:s1] =	stream.indirect.scatter.add.f32 [tilespmem:s0], [sflag:$0x3], $0x80, s18, s11, $0xb8;
	[tilespmem:$0x1F678] =	vst v63  }
0xa7: {  	s14 =	smul.u32 $0xA000, s29;
	_ =	swait.ge [sflag:s10], $0x2800  }
0xa8: {  	s31 =	simm.s32 $0x2;
	s26 =	sadd.s32 $0x500, s25;
	[sflag:s10] =	ssyncset.done $0x0  }
0xa9: {  	s30 =	sshrl.u32 s30, $0x2;
	s0 =	sshrl.u32 s14, $0x2;
	[sflag:s10] =	ssyncadd.s32 $0xFFFFD800  }
0xaa: {  	[spmem:s2] =	stream.indirect.scatter.add.f32 [tilespmem:s19], [sflag:$0x3], $0x1, s18, s11, $0xb8;
	[tilespmem:$0x1F678] =	vst v63  }
0xab: {  	s18 =	simm.s32 $0x13B78;
	s19 =	simm.s32 $0x1CB48;
	_ =	swait.ge [sflag:s10], $0x50  }
.LBB2_8:
0xac: {  	s0 =	sadd.s32 $0x17AF8, s0;
	[sflag:s10] =	ssyncset.done $0x0;
	s14 =	smov.u32 s31  }
0xad: {  	s6 =	sadd.s32 $0x1, s31;
	s4 =	smov.u32 s18;
	s7 =	smov.u32 s19  }
0xae: {  	s29 =	sadd.s32 $0x1, s29;
	s28 =	sadd.s32 $0x1, s28;
	[sflag:s10] =	ssyncadd.s32 $0xFFFFFFB0  }
0xaf: {  	[tilespmem:s0], [sflag:s29] =	stream.linear.gather [hbm4b:s26+s3], $0x2800, $0x38;
	[tilespmem:$0x1F678] =	vst v63  }
0xb0: {  	p2 =	sne.s32 s31, $0x7B;
	_ =	swait.ge [sflag:s28], $0x2800  }
0xb1: {  	s18 =	sadd.s32 $0x80, s18;
	s26 =	sadd.s32 $0x500, s26;
	[sflag:s28] =	ssyncset.done $0x0  }
0xb2: {  	s19 =	sadd.s32 $0x50, s19;
	s0 =	sadd.s32 $0x17AF8, s30;
	[sflag:s28] =	ssyncadd.s32 $0xFFFFD800  }
0xb3: {  	[spmem:s1] =	stream.indirect.scatter.add.f32 [tilespmem:s0], [sflag:$0x3], $0x80, s4, s11, $0xb8;
	[tilespmem:$0x1F678] =	vst v63  }
.Ltmp3:
0xb4: {  	s28 =	sand.u32 $0x1, s14;
	_ =	swait.ge [sflag:s10], $0x2800;
	(pc) =	sbr.rel @p2 .LBB2_8-.Ltmp3, $4  }
0xb5: {  	s29 =	sxor.u32 $0x1, s28;
	s14 =	smul.u32 $0xA000, s28;
	[sflag:s10] =	ssyncset.done $0x0  }
0xb6: {  	s31 =	smov.u32 s6;
	s0 =	smul.u32 $0xA000, s29;
	[sflag:s10] =	ssyncadd.s32 $0xFFFFD800  }
0xb7: {  	[spmem:s2] =	stream.indirect.scatter.add.f32 [tilespmem:s7], [sflag:$0x3], $0x1, s4, s11, $0xb8;
	[tilespmem:$0x1F678] =	vst v63  }
0xb8: {  	s30 =	sshrl.u32 s14, $0x2;
	s0 =	sshrl.u32 s0, $0x2;
	_ =	swait.ge [sflag:s10], $0x50  }
0xb9: {  	s0 =	sadd.s32 $0x17AF8, s0;
	[sflag:s10] =	ssyncset.done $0x0  }
0xba: {  	s4 =	sadd.s32 $0x1, s29;
	s6 =	sadd.s32 $0x1, s28;
	[sflag:s10] =	ssyncadd.s32 $0xFFFFFFB0  }
0xbb: {  	[tilespmem:s0], [sflag:s4] =	stream.linear.gather [hbm4b:s26+s3], $0x2800, $0x38;
	[tilespmem:$0x1F678] =	vst v63  }
0xbc: {  	_ =	swait.ge [sflag:s6], $0x2800  }
0xbd: {  	[sflag:s6] =	ssyncset.done $0x0  }
0xbe: {  	s30 =	sadd.s32 $0x17AF8, s30;
	[sflag:s6] =	ssyncadd.s32 $0xFFFFD800  }
0xbf: {  	[spmem:s1] =	stream.indirect.scatter.add.f32 [tilespmem:s30], [sflag:$0x3], $0x80, s18, s11, $0xb8;
	[tilespmem:$0x1F678] =	vst v63  }
0xc0: {  	_ =	swait.ge [sflag:s10], $0x2800  }
0xc1: {  	[sflag:s10] =	ssyncset.done $0x0  }
0xc2: {  	[sflag:s10] =	ssyncadd.s32 $0xFFFFD800  }
0xc3: {  	[spmem:s2] =	stream.indirect.scatter.add.f32 [tilespmem:s19], [sflag:$0x3], $0x1, s18, s11, $0xb8;
	[tilespmem:$0x1F678] =	vst v63  }
0xc4: {  	_ =	swait.ge [sflag:s10], $0x50  }
0xc5: {  	[sflag:s10] =	ssyncset.done $0x0  }
0xc6: {  	[sflag:s10] =	ssyncadd.s32 $0xFFFFFFB0  }
0xc7: {  	_ =	swait.ge [sflag:s12], $0x2800  }
0xc8: {  	[sflag:s12] =	ssyncset.done $0x0  }
0xc9: {  	[sflag:s12] =	ssyncadd.s32 $0xFFFFD800  }
0xca: {  	[spmem:s1] =	stream.indirect.scatter.add.f32 [tilespmem:s9], [sflag:$0x3], $0x80, s13, s11, $0xb8;
	[tilespmem:$0x1F678] =	vst v63  }
0xcb: {  	_ =	swait.ge [sflag:s10], $0x2800  }
0xcc: {  	[sflag:s10] =	ssyncset.done $0x0  }
0xcd: {  	s31 =	simm.s32 $0x1F1B8;
	[sflag:s10] =	ssyncadd.s32 $0xFFFFD800  }
0xce: {  	[spmem:s2] =	stream.indirect.scatter.add.f32 [tilespmem:s31], [sflag:$0x3], $0x1, s13, s11, $0xb8;
	[tilespmem:$0x1F678] =	vst v63  }
0xcf: {  	_ =	swait.ge [sflag:s10], $0x50  }
0xd0: {  	s0 =	stileid.u32;
	[sflag:s10] =	ssyncset.done $0x0  }
0xd1: {  	s0 =	sshll.u32 @!p1 s0, $0x6;
	[sflag:s10] =	ssyncadd.s32 $0xFFFFFFB0  }
0xd2: {  	s4 =	sshrl.u32 @!p1 s5, $0x3;
	s0 =	sor.u32 @!p1 $0x1C03, s0;
	[bflag:$0x0] =	sbarrier.arrive $0xFFFF  }
0xd3: {  	[hbm:s21], [sflag:s0] =	dma.local @!p1 [spmem:s4], $0x3E80  }
0xd4: {  	s0 =	simm.s32 @!p1 $0x3  }
0xd5: {  	_ =	swait.ge @!p1 [sflag:s0], $0x3E80  }
0xd6: {  	[sflag:s0] =	ssyncset.done @!p1 $0x0  }
0xd7: {  	s4 =	simm.s32 @!p1 $0x1F278;
	[sflag:s0] =	ssyncadd.s32 @!p1 $0xFFFFC180  }
0xd8: {  	[tilespmem:s4], [sflag:$0x3] =	stream.linear.gather @!p1 [spmem:s22], $0x3E8, $0x38;
	[tilespmem:$0x1F678] =	vst v63  }
0xd9: {  	s16 =	sadd.s32 $0x1, s16;
	_ =	swait.ge @!p1 [sflag:s0], $0x3E8  }
0xda: {  	p2 =	sne.s32 s16, s24;
	[sflag:s0] =	ssyncset.done @!p1 $0x0  }
.Ltmp4:
0xdb: {  	s6 =	simm.s32 @!p1 $0x0;
	[sflag:s0] =	ssyncadd.s32 @!p1 $0xFFFFFC18;
	(pc) =	sbr.rel @p2 .LBB2_1-.Ltmp4, $4  }
0xdc: {  	[hbm4b:s23+s6] =	stream.linear.scatter @!p1 [tilespmem:s4], [sflag:$0x3], $0x3E8, $0x38;
	[tilespmem:$0x1F678] =	vst v63  }
0xdd: {  	_ =	swait.ge @!p1 [sflag:s0], $0x3E8  }
0xde: {  	[sflag:s0] =	ssyncset.done @!p1 $0x0  }
0xdf: {  	[sflag:s0] =	ssyncadd.s32 @!p1 $0xFFFFFC18  }
0xe0: {  	_ =	sfence.sel $0x180000  }
0xe1: {  	[bflag:$0x0] =	sbarrier.arrive $0xFFFF  }
0xe2: {  	_ =	strace $0x9000004A  }
0xe3: {  	[bflag:$0x2] =	sbarrier.arrive $0xFFFF  }
0xe4: {  	s0 =	rddreg [dreg:$0x4]  }
0xe5: {  	s0 =	sadd.s32 @!p0 $0x100000, s0  }
0xe6: {  	[sflag:s0] =	ssyncadd.tile.s32 @!p0 $0x1;
	_ =	shalt  }
.Lfunc_end2:
_tile_overlayer_lowered:
.L_overlay_start_2:
0xe7: {  	(tag) =	ssettag $0x2  }
0xe8: {  	s0 =	rddreg [dreg:$0x0];
	s2 =	stileid.u32  }
0xe9: {  	s1 =	rddreg [dreg:$0x1];
	p0 =	sne.s32 s2, $0x0  }
0xea: {  	s3 =	rddreg [dreg:$0x2];
	[bflag:$0x3] =	sbarrier.arrive $0xFFFF;
	s2 =	simm.s32 @!p0 $0x1C03  }
0xeb: {  	[timem:s3], [sflag:s2] =	dma.local @!p0 [hbm:s0], s1  }
0xec: {  	s0 =	simm.s32 @!p0 $0x3  }
0xed: {  	_ =	swait.ge @!p0 [sflag:s0], s1  }
0xee: {  	s1 =	ssub.s32 @!p0 $0x0, s1;
	[sflag:s0] =	ssyncset.done @!p0 $0x0  }
0xef: {  	[sflag:s0] =	ssyncadd.s32 @!p0 s1  }
0xf0: {  	[bflag:$0x3] =	sbarrier.arrive $0xFFFF  }
0xf1: {  	_ =	shalt  }

// kernel: kernel.7.cloned.1.call-start
scs
__scs_entry_jumppad:
0x0: {  	(pc) =	sbr.rel $0x88, $3  }
0x1: {  	(tag) =	ssettag $0x0;
	lr =	simm.s32 $0x1  }
0x2: {  	[smem:$0x3F96] =	sst lr;
	_ =	strace $0xD0000000  }
0x3: {  	_ = 	snop  }
0x4: {  	_ = 	snop  }
0x5: {  	_ = 	snop  }
0x6: {  	_ = 	snop  }
0x7: {  	_ = 	snop  }
__scs_overlays_trampoline_lowered:
0x8: {  	[smem:$0x3FA5] =	sst s0  }
0x9: {  	[smem:$0x3FA6] =	sst s1  }
0xa: {  	[smem:$0x3FA7] =	sst s2  }
0xb: {  	[smem:$0x3FA8] =	sst s3  }
0xc: {  	[smem:$0x3FA9] =	sst s4  }
0xd: {  	[smem:$0x3FAA] =	sst s5  }
0xe: {  	[smem:$0x3FAB] =	sst s6  }
0xf: {  	[smem:$0x3FAC] =	sst s7  }
0x10: {  	[smem:$0x3FAD] =	sst s8  }
0x11: {  	[smem:$0x3FAE] =	sst s9;
	s0 =	simm.s32 @!p0 $0x0  }
0x12: {  	s1 =	sld [smem:$0x3F94];
	s0 =	simm.s32 @p0 $0x1  }
0x13: {  	[smem:$0x3FAF] =	sst s0;
	s0 =	simm.s32 @!p1 $0x0  }
0x14: {  	s2 =	sld [smem:$0x3F93];
	s0 =	simm.s32 @p1 $0x1  }
0x15: {  	[smem:$0x3FB0] =	sst s0;
	s0 =	simm.s32 @!p2 $0x0  }
0x16: {  	s3 =	sld [smem:$0x3FDB];
	s0 =	simm.s32 @p2 $0x1  }
0x17: {  	s4 =	simm.s32 $0x1BF5;
	[smem:$0x3FB2] =	sst s0  }
0x18: {  	s0 =	sld [smem:$0x3F95];
	_ =	swait.ge [sflag:s4], $0x0  }
0x19: {  	s7 =	sld [smem:$0x3F96]  }
0x1a: {  	s8 =	sadd.s32 $0xFFFFE003, lr  }
0x1b: {  	s9 =	sadd.s32 $0xFFFFFEF7, lr;
	s5 =	simm.s32 $0xFFFFFFFF;
	p2 =	slt.u32 s8, $0xFFFFF086  }
0x1c: {  	p1 =	slt.u32 s9, $0xF7A;
	s5 =	simm.s32 @!p2 $0x0  }
0x1d: {  	s5 =	simm.s32 @p1 $0x1;
	p0 =	seq.s32 s7, s2  }
0x1e: {  	s7 =	smul.u32 @!p0 $0xF7A, s2;
	p2 =	seq.s32 @!p0 s5, $0x0  }
0x1f: {  	s9 =	smul.u32 $0xF7A, s1;
	s8 =	simm.s32 @!p0 $0x1BF5;
	p2 =	por !p2, p0  }
0x20: {  	[sflag:s8] =	ssyncset.s32 @!p0 $0xFFFFF086;
	s6 =	sadd.s32 @!p0 s3, s7;
	s7 =	simm.s32 @!p0 $0x108  }
0x21: {  	s3 =	sadd.s32 s3, s9;
	s6 =	sadd.s32 @!p0 $0x88, s6;
	s7 =	simm.s32 @p2 $0x1082  }
0x22: {  	[simem:s7], [sflag:s8] =	dma.local @!p0 [hbm:s6], $0xF7A  }
0x23: {  	s9 =	sor.u32 $0xD0000000, s2;
	s6 =	simm.s32 $0x108;
	_ =	swait.ge @!p0 [sflag:s8], $0x0  }
0x24: {  	s3 =	sadd.s32 $0x88, s3;
	s6 =	simm.s32 @!p1 $0x1082;
	[sflag:s4] =	ssyncset.s32 $0xFFFFF086  }
0x25: {  	[simem:s6], [sflag:s4] =	dma.local [hbm:s3], $0xF7A  }
0x26: {  	[smem:$0x3F96] =	sst s1;
	(tag) =	ssettag s2;
	_ =	strace s9  }
0x27: {  	s1 =	sld [smem:$0x3FA6]  }
0x28: {  	s2 =	sld [smem:$0x3FA7]  }
0x29: {  	s4 =	sld [smem:$0x3FA9]  }
0x2a: {  	p0 =	seq.s32 s5, $0x0;
	s5 =	sld [smem:$0x3FAA]  }
0x2b: {  	s6 =	sld [smem:$0x3FAB]  }
0x2c: {  	s7 =	sld [smem:$0x3FAC]  }
0x2d: {  	s3 =	simm.s32 $0x108;
	s8 =	sld [smem:$0x3FAD]  }
0x2e: {  	s3 =	simm.s32 @!p0 $0x1082;
	s9 =	sld [smem:$0x3FAE]  }
0x2f: {  	lr =	sadd.s32 s0, s3;
	s0 =	sld [smem:$0x3FA5]  }
0x30: {  	s3 =	sld [smem:$0x3FA8]  }
0x31: {  	[smem:$0x3FB1] =	sst s10  }
0x32: {  	s10 =	sld [smem:$0x3FAF];
	_ =	sdelay $0x3  }
0x33: {  	p0 =	seq.s32 s10, $0x1;
	s10 =	sld [smem:$0x3FB1];
	_ =	sdelay $0x3  }
0x34: {  	[smem:$0x3FB1] =	sst s10  }
0x35: {  	s10 =	sld [smem:$0x3FB0];
	_ =	sdelay $0x3  }
0x36: {  	p1 =	seq.s32 s10, $0x1;
	s10 =	sld [smem:$0x3FB1];
	_ =	sdelay $0x3  }
0x37: {  	[smem:$0x3FB1] =	sst s10  }
0x38: {  	s10 =	sld [smem:$0x3FB2]  }
0x39: {  	_ = 	snop;
	(pc) =	sbr.ind lr, $3  }
0x3a: {  	_ = 	snop  }
0x3b: {  	_ = 	snop  }
0x3c: {  	p2 =	seq.s32 s10, $0x1;
	s10 =	sld [smem:$0x3FB1]  }
0x3d: {  	_ =	shalt  }
0x3e: {  	_ =	shalt  }
0x3f: {  	_ =	shalt  }
0x40: {  	_ =	shalt  }
0x41: {  	_ =	shalt  }
0x42: {  	_ =	shalt  }
0x43: {  	_ =	shalt  }
0x44: {  	_ =	shalt  }
0x45: {  	_ =	shalt  }
0x46: {  	_ =	shalt  }
0x47: {  	_ =	shalt  }
0x48: {  	_ =	shalt  }
0x49: {  	_ =	shalt  }
0x4a: {  	_ =	shalt  }
0x4b: {  	_ =	shalt  }
0x4c: {  	_ =	shalt  }
0x4d: {  	_ =	shalt  }
0x4e: {  	_ =	shalt  }
0x4f: {  	_ =	shalt  }
0x50: {  	_ =	shalt  }
0x51: {  	_ =	shalt  }
0x52: {  	_ =	shalt  }
0x53: {  	_ =	shalt  }
0x54: {  	_ =	shalt  }
0x55: {  	_ =	shalt  }
0x56: {  	_ =	shalt  }
0x57: {  	_ =	shalt  }
0x58: {  	_ =	shalt  }
0x59: {  	_ =	shalt  }
0x5a: {  	_ =	shalt  }
0x5b: {  	_ =	shalt  }
0x5c: {  	_ =	shalt  }
0x5d: {  	_ =	shalt  }
0x5e: {  	_ =	shalt  }
0x5f: {  	_ =	shalt  }
0x60: {  	_ =	shalt  }
0x61: {  	_ =	shalt  }
0x62: {  	_ =	shalt  }
0x63: {  	_ =	shalt  }
0x64: {  	_ =	shalt  }
0x65: {  	_ =	shalt  }
0x66: {  	_ =	shalt  }
0x67: {  	_ =	shalt  }
0x68: {  	_ =	shalt  }
0x69: {  	_ =	shalt  }
0x6a: {  	_ =	shalt  }
0x6b: {  	_ =	shalt  }
0x6c: {  	_ =	shalt  }
0x6d: {  	_ =	shalt  }
0x6e: {  	_ =	shalt  }
0x6f: {  	_ =	shalt  }
0x70: {  	_ =	shalt  }
0x71: {  	_ =	shalt  }
0x72: {  	_ =	shalt  }
0x73: {  	_ =	shalt  }
0x74: {  	_ =	shalt  }
0x75: {  	_ =	shalt  }
0x76: {  	_ =	shalt  }
0x77: {  	_ =	shalt  }
0x78: {  	_ =	shalt  }
0x79: {  	_ =	shalt  }
0x7a: {  	_ =	shalt  }
0x7b: {  	_ =	shalt  }
0x7c: {  	_ =	shalt  }
0x7d: {  	_ =	shalt  }
0x7e: {  	_ =	shalt  }
0x7f: {  	_ =	shalt  }
0x80: {  	_ =	shalt  }
0x81: {  	_ =	shalt  }
0x82: {  	_ =	shalt  }
0x83: {  	_ =	shalt  }
0x84: {  	_ =	shalt  }
0x85: {  	_ =	shalt  }
0x86: {  	_ =	shalt  }
0x87: {  	_ =	shalt  }
.Lfunc_end0:
.L_simem_size_0:
called_computation_lowered:
.L_overlay_start_0:
0x88: {  	s2 =	sld [smem:$0x3FD9]  }
0x89: {  	s3 =	sld [smem:$0x3FFE];
	_ =	sdelay $0x1  }
0x8a: {  	s1 =	srdreg.scid  }
0x8b: {  	s0 =	sand.u32 $0x1, s1  }
0x8c: {  	s17 =	sshll.u32 s0, $0xA;
	s2 =	sadd.s32 s3, s2  }
0x8d: {  	s2 =	sadd.s32 s2, s17  }
0x8e: {  	[smem:$0x3FBD] =	sst s2  }
0x8f: {  	_ = 	snop  }
0x90: {  	s2 =	sld [smem:$0x3FD0];
	(tm) =	ssettm $0x1  }
0x91: {  	s18 =	sld [smem:$0x3FFB];
	_ =	sdelay $0x3  }
0x92: {  	_ =	strace s18  }
0x93: {  	s3 =	sld [smem:$0x3FFC];
	_ =	sdelay $0x3  }
0x94: {  	_ =	strace s3  }
0x95: {  	s3 =	sld [smem:$0x3FFD];
	_ =	sdelay $0x3  }
0x96: {  	_ =	strace s3  }
0x97: {  	_ =	strace $0x8FFFFFFF  }
0x98: {  	s19 =	sld [smem:$0x3FDB];
	_ =	sdelay $0x1  }
0x99: {  	s4 =	simm.s32 $_scs_section_size  }
0x9a: {  	s5 =	simm.s32 $_size__tile_overlayer_lowered;
	s6 =	simm.s32 $_tile_overlayer_lowered  }
0x9b: {  	s22 =	simm.s32 $0x1BFF;
	s21 =	sshll.u32 s6, $0x1;
	s3 =	sadd.s32 s4, s19  }
0x9c: {  	s7 =	simm.s32 $0x0;
	s20 =	sshll.u32 s5, $0x1;
	s5 =	sadd.s32 s21, s3  }
0x9d: {  	[timem:s7], [sflag:s22] =	dma.local [hbm:s5], s20  }
0x9e: {  	_ =	swait.ge [sflag:s22], s20  }
0x9f: {  	s4 =	ssub.s32 $0x0, s20;
	[sflag:s22] =	ssyncset.done $0x0  }
0xa0: {  	[sflag:s22] =	ssyncadd.s32 s4;
	_ =	sdelay $0x1  }
0xa1: {  	s23 =	simm.s32 $0x1B8B  }
0xa2: {  	_ =	swait.ge [sflag:s23], $0x1  }
0xa3: {  	[sflag:s23] =	ssyncset.done $0x0  }
0xa4: {  	s25 =	simm.s32 $0x1B8E;
	s24 =	sld [smem:$0x3FFE];
	[sflag:s23] =	ssyncadd.s32 $0xFFFFFFFF  }
0xa5: {  	s26 =	simm.s32 $execute0_lowered;
	[smem:$0x3FD2] =	sst s25  }
0xa6: {  	s5 =	sshll.u32 s26, $0x1;
	_ =	strace $0x80000046;
	[dreg:$0x1] =	wrdreg $0xFFFFFFFF  }
0xa7: {  	s28 =	simm.s32 $_size_execute0_lowered;
	s3 =	sadd.s32 s3, s5;
	[dreg:$0x0] =	wrdreg $0x0  }
0xa8: {  	s5 =	sshll.u32 s28, $0x1;
	[dreg:$0x2] =	wrdreg s3  }
0xa9: {  	[dreg:$0x3] =	wrdreg s5  }
0xaa: {  	[dreg:$0x4] =	wrdreg $0xC0  }
0xab: {  	_ =	task [dreg:s7], $0x5FFFF  }
0xac: {  	[dreg:$0x1] =	wrdreg $0xFFFFFFFF  }
0xad: {  	[dreg:$0x0] =	wrdreg $0x60  }
0xae: {  	[dreg:$0x2] =	wrdreg s2  }
0xaf: {  	[dreg:$0x3] =	wrdreg s24  }
0xb0: {  	[dreg:$0x4] =	wrdreg $0x9  }
0xb1: {  	_ =	task.clear_ibuf [dreg:s7], $0x5FFFF;
	_ =	strace $0x90000046  }
0xb2: {  	s29 =	simm.s32 $0x9;
	_ =	strace $0x80000048  }
0xb3: {  	_ =	swait.ge [sflag:s29], $0x1  }
0xb4: {  	[sflag:s29] =	ssyncadd.s32 $0xFFFFFFFF  }
0xb5: {  	_ =	strace $0x90000048  }
0xb6: {  	_ =	sfence  }
0xb7: {  	s30 =	sld [smem:$0x0];
	_ =	sdelay $0x2  }
0xb8: {  	s31 =	sshll.u32 s1, $0xD;
	s1 =	sshrl.u32 s1, $0x2  }
0xb9: {  	s3 =	sand.u32 $0x4000, s31;
	s1 =	sadd.s32 s1, s30  }
0xba: {  	s0 =	sor.u32 s3, s0;
	s1 =	sshll.u32 s1, $0x11  }
0xbb: {  	s0 =	sor.u32 s1, s0  }
0xbc: {  	s0 =	sadd.s32 $0x8F2B, s0  }
0xbd: {  	[sflag:s0] =	ssyncadd.remote.s32 $0x1  }
0xbe: {  	_ =	sfence.sel $0xFFFF  }
0xbf: {  	[dreg:$0x0] =	wrdreg $0xFFFFFFFF;
	(pc) =	sbr.abs _section_cstart, $3  }
0xc0: {  	[dreg:$0x1] =	wrdreg $0xFFFFFFFF  }
0xc1: {  	_ =	task.clear_ibuf [dreg:s7], $0x2FFFF;
	_ =	strace $0x9FFFFFFF  }
0xc2: {  	(tm) =	ssettm $0x7FFFFFFF  }
0xc3: {  	_ =	shalt  }
tec
execute0_lowered:
.L_overlay_start_1:
0x0: {  	(tag) =	ssettag $0x1  }
0x1: {  	s1 =	rddreg [dreg:$0x0]  }
0x2: {  	s5 =	rddreg [dreg:$0x1]  }
0x3: {  	s0 =	rddreg [dreg:$0x2];
	s3 =	simm.s32 $0x0  }
0x4: {  	s4 =	srdreg.scid;
	s2 =	stileid.u32;
	s12 =	simm.s32 $0x50  }
0x5: {  	s13 =	simm.s32 $0x8000;
	s14 =	simm.s32 $0xD000;
	s15 =	simm.s32 $0x5  }
0x6: {  	s16 =	simm.s32 $0x7;
	s17 =	simm.s32 $0x6;
	s18 =	simm.s32 $0x8  }
0x7: {  	s19 =	simm.s32 $0x0;
	[smem:$0x7FF] =	sst s3;
	s6 =	sand.u32 $0x1, s4  }
0x8: {  	s4 =	sadd.s32 $0x21E00, s5;
	s7 =	sshll.u32 s2, $0xC;
	s30 =	smul.u32 $0x4E200, s2  }
0x9: {  	_ =	strace $0x80000047;
	s8 =	sshll.u32 s6, $0xB;
	s11 =	smul.u32 $0x27100, s6  }
.Ltmp0:
0xa: {  	s9 =	ssub.s32 $0x2, s6;
	s7 =	sor.u32 s8, s7;
	(pc) =	sbr.rel .LBB2_1-.Ltmp0, $4  }
0xb: {  	s10 =	sshrl.u32 s9, $0x1;
	s8 =	sadd.s32 s30, s5;
	s7 =	sadd.s32 s7, s5  }
0xc: {  	s9 =	ssub.s32 s9, s10;
	s31 =	sadd.s32 s11, s8;
	s10 =	simm.s32 $0x9  }
0xd: {  	s11 =	simm.s32 $0x4000;
	s5 =	sadd.s32 $0x11E00, s7;
	s6 =	sadd.s32 $0x1E00, s7  }
0xe: {  	s7 =	smax.u32 s9, $0x1;
	s8 =	sadd.s32 $0x49000, s31;
	s9 =	sadd.s32 $0x52B000, s31  }
.LBB2_7:
0xf: {  	_ =	swait.ge [sflag:s15], $0x2800  }
0x10: {  	[sflag:s15] =	ssyncset.done $0x0  }
0x11: {  	[sflag:s15] =	ssyncadd.s32 $0xFFFFD800  }
0x12: {  	_ =	swait.ge [sflag:s16], $0x2800  }
0x13: {  	[sflag:s16] =	ssyncset.done $0x0  }
0x14: {  	s19 =	sadd.s32 $0x1, s19;
	[sflag:s16] =	ssyncadd.s32 $0xFFFFD800  }
0x15: {  	p0 =	sne.s32 s19, s7;
	_ =	swait.ge [sflag:s17], $0x2800  }
.Ltmp1:
0x16: {  	[sflag:s17] =	ssyncset.done $0x0;
	(pc) =	sbr.rel @!p0 .LBB2_8-.Ltmp1, $4  }
0x17: {  	[sflag:s17] =	ssyncadd.s32 $0xFFFFD800  }
0x18: {  	_ =	swait.ge [sflag:s18], $0x2800  }
0x19: {  	[sflag:s18] =	ssyncset.done $0x0  }
0x1a: {  	[sflag:s18] =	ssyncadd.s32 $0xFFFFD800  }
.LBB2_1:
0x1b: {  	[tilespmem:s3], [sflag:$0x9] =	stream.linear.gather [hbm4b:s5+s3], $0x3E80, $0x38;
	[tilespmem:$0x12000] =	vst v63  }
0x1c: {  	_ =	swait.ge [sflag:s10], $0x3E80  }
0x1d: {  	[sflag:s10] =	ssyncset.done $0x0  }
0x1e: {  	[sflag:s10] =	ssyncadd.s32 $0xFFFFC180  }
0x1f: {  	[tilespmem:s11], [sflag:$0x9] =	stream.linear.gather [hbm4b:s6+s3], $0x3E80, $0x38;
	[tilespmem:$0x12000] =	vst v63  }
0x20: {  	_ =	swait.ge [sflag:s10], $0x3E80  }
.Ltmp2:
0x21: {  	[sflag:s10] =	ssyncset.done $0x0;
	(pc) =	sbr.rel .LBB2_2-.Ltmp2, $4  }
0x22: {  	s20 =	simm.s32 $0x80;
	s21 =	simm.s32 $0x4080;
	[sflag:s10] =	ssyncadd.s32 $0xFFFFC180  }
0x23: {  	[tilespmem:s13], [sflag:$0x1] =	stream.indirect.gather [hbm4b:s1+s12], $0x80, s3, s12, $0xb8;
	[tilespmem:$0x12000] =	vst v63  }
0x24: {  	s22 =	smov.u32 s9;
	s23 =	smov.u32 s8;
	s24 =	simm.s32 $0x0  }
0x25: {  	[tilespmem:s14], [sflag:$0x3] =	stream.indirect.gather [hbm4b:s4+s12], $0x80, s11, s12, $0xb8;
	[tilespmem:$0x12000] =	vst v63  }
.LBB2_5:
0x26: {  	s28 =	smul.u32 $0x2800, s26;
	_ =	sdelay $0x1  }
0x27: {  	s30 =	sadd.s32 $0x1, s26;
	s29 =	sor.u32 $0x8000, s28  }
0x28: {  	[tilespmem:s29], [sflag:s30] =	stream.indirect.gather [hbm4b:s1+s12], $0x80, s20, s12, $0xb8;
	[tilespmem:$0x12000] =	vst v63  }
0x29: {  	s31 =	sadd.s32 $0x3, s26;
	s28 =	sadd.s32 $0xD000, s28  }
0x2a: {  	[tilespmem:s28], [sflag:s31] =	stream.indirect.gather [hbm4b:s4+s12], $0x80, s21, s12, $0xb8;
	[tilespmem:$0x12000] =	vst v63  }
.LBB2_6:
0x2b: {  	s26 =	sadd.s32 $0x1, s25  }
0x2c: {  	_ =	swait.ge [sflag:s26], $0x2800  }
0x2d: {  	[sflag:s26] =	ssyncset.done $0x0  }
0x2e: {  	s30 =	sadd.s32 $0x3, s25;
	[sflag:s26] =	ssyncadd.s32 $0xFFFFD800  }
0x2f: {  	s28 =	smul.u32 $0x2800, s25;
	s24 =	sadd.s32 $0x1, s24;
	_ =	swait.ge [sflag:s30], $0x2800  }
0x30: {  	s31 =	sadd.s32 $0x5, s25;
	p0 =	sne.s32 s24, $0x7D;
	[sflag:s30] =	ssyncset.done $0x0  }
.Ltmp3:
0x31: {  	s29 =	sor.u32 $0x8000, s28;
	[sflag:s30] =	ssyncadd.s32 $0xFFFFD800;
	(pc) =	sbr.rel @!p0 .LBB2_7-.Ltmp3, $4  }
0x32: {  	[hbm4b:s23+s3] =	stream.linear.scatter [tilespmem:s29], [sflag:s31], $0x2800, $0x38;
	[tilespmem:$0x12000] =	vst v63  }
0x33: {  	s20 =	sadd.s32 $0x80, s20;
	s30 =	sadd.s32 $0xD000, s28;
	s31 =	sadd.s32 $0x7, s25  }
0x34: {  	[hbm4b:s22+s3] =	stream.linear.scatter [tilespmem:s30], [sflag:s31], $0x2800, $0x38;
	[tilespmem:$0x12000] =	vst v63  }
0x35: {  	s21 =	sadd.s32 $0x80, s21;
	s23 =	sadd.s32 $0x500, s23;
	s22 =	sadd.s32 $0x500, s22  }
.LBB2_2:
0x36: {  	p0 =	seq.s32 s24, $0x0  }
.Ltmp4:
0x37: {  	_ = 	snop;
	(pc) =	sbr.rel @p0 .LBB2_5-.Ltmp4, $3  }
0x38: {  	_ =	sdelay $0x1  }
0x39: {  	s25 =	sand.u32 $0x1, s24  }
0x3a: {  	s26 =	sxor.u32 $0x1, s25  }
0x3b: {  	p0 =	seq.s32 s24, $0x7C  }
.Ltmp5:
0x3c: {  	_ = 	snop;
	(pc) =	sbr.rel @p0 .LBB2_6-.Ltmp5, $1  }
0x3d: {  	_ =	sdelay $0x3  }
0x3e: {  	s28 =	sadd.s32 $0x5, s26  }
0x3f: {  	_ =	swait.ge [sflag:s28], $0x2800  }
.Ltmp6:
0x40: {  	[sflag:s28] =	ssyncset.done $0x0;
	(pc) =	sbr.rel .LBB2_5-.Ltmp6, $4  }
0x41: {  	s31 =	sadd.s32 $0x7, s26;
	[sflag:s28] =	ssyncadd.s32 $0xFFFFD800  }
0x42: {  	_ =	swait.ge [sflag:s31], $0x2800  }
0x43: {  	[sflag:s31] =	ssyncset.done $0x0  }
0x44: {  	[sflag:s31] =	ssyncadd.s32 $0xFFFFD800  }
.LBB2_8:
0x45: {  	_ =	sfence.sel $0x180000  }
0x46: {  	[bflag:$0x0] =	sbarrier.arrive $0xFFFF  }
0x47: {  	p0 =	sne.s32 s2, $0x0;
	_ =	strace $0x90000047  }
0x48: {  	s0 =	sadd.s32 @!p0 $0x100000, s0;
	[bflag:$0x2] =	sbarrier.arrive $0xFFFF  }
0x49: {  	[sflag:s0] =	ssyncadd.tile.s32 @!p0 $0x1;
	_ =	shalt  }
.Lfunc_end2:
_tile_overlayer_lowered:
.L_overlay_start_2:
0x4a: {  	(tag) =	ssettag $0x2  }
0x4b: {  	s0 =	rddreg [dreg:$0x0];
	s2 =	stileid.u32  }
0x4c: {  	s1 =	rddreg [dreg:$0x1];
	p0 =	sne.s32 s2, $0x0  }
0x4d: {  	s3 =	rddreg [dreg:$0x2];
	[bflag:$0x3] =	sbarrier.arrive $0xFFFF;
	s2 =	simm.s32 @!p0 $0x1C09  }
0x4e: {  	[timem:s3], [sflag:s2] =	dma.local @!p0 [hbm:s0], s1  }
0x4f: {  	s0 =	simm.s32 @!p0 $0x9  }
0x50: {  	_ =	swait.ge @!p0 [sflag:s0], s1  }
0x51: {  	s1 =	ssub.s32 @!p0 $0x0, s1;
	[sflag:s0] =	ssyncset.done @!p0 $0x0  }
0x52: {  	[sflag:s0] =	ssyncadd.s32 @!p0 s1  }
0x53: {  	[bflag:$0x3] =	sbarrier.arrive $0xFFFF  }
0x54: {  	_ =	shalt  }

</sc_bundles>
